<compile_context>
chip_gen: v7x
topology: tpu7x:2x2x1
jax: 0.10.2.dev20260603
libtpu: 0.0.44.dev20260713+nightly
codegen_flags: <defaults>
</compile_context>

<pallas_src>
import functools

import jax
import jax.numpy as jnp
from jax import lax
from jax.experimental import pallas as pl
from jax.experimental.pallas import tpu as pltpu
from jax.experimental.pallas import tpu_sc as plsc

_N = 16384
_C = 32
_CCE_WEIGHT = 0.1
_DICE_WEIGHT = 1.0
_TVERSKY_ALPHA = 0.7
_TVERSKY_BETA = 1.0 - _TVERSKY_ALPHA
_FOCAL_GAMMA = 0.75
_EPS = 1e-08

_NC, _NS = 2, 16
_NW = _NC * _NS
_RPW = _N // _NW
_GROUPS = _RPW // 16


def _cce_combine_body(xt_ref, gt_ref, wt_ref, w2d_ref, part_ref, out_ref):
    xt = xt_ref[...]
    gt = gt_ref[...]
    wt = wt_ref[...]
    e = jnp.exp(xt)
    s = jnp.sum(e, axis=0, keepdims=True)
    r = 1.0 / s
    p = e * r
    q = jnp.exp(p)
    lse = jnp.log(jnp.sum(q, axis=0, keepdims=True))
    wg = wt * gt
    b = jnp.sum(wg, axis=0, keepdims=True)
    a = jnp.sum(wg * p, axis=0, keepdims=True)
    cce = jnp.sum(b * lse - a) / _N

    part = part_ref[...]
    tot = jnp.sum(part, axis=0, keepdims=True)
    row = tot[:, 0:32]
    col = tot[:, 32:64]
    tp = tot[:, 64:96]
    w = w2d_ref[...]
    fp = col - tp
    fn = row - tp
    tversky = (tp + _EPS) / (tp + fp * _TVERSKY_BETA + fn * _TVERSKY_ALPHA + _EPS)
    focal = jnp.exp(_FOCAL_GAMMA * jnp.log(jnp.maximum(1.0 - tversky, 1e-30)))
    denom = jnp.sum(row * w)
    wftl = jnp.sum(focal * w) / denom
    out_ref[...] = jnp.reshape(cce * _CCE_WEIGHT + wftl * _DICE_WEIGHT, (1, 1))


def _tree8(v_ref, off, c0):
    vs = [v_ref[pl.ds(c * _RPW + off, 16)] for c in range(c0, c0 + 8)]
    ms, ams = [], []
    for k in range(4):
        a, b = vs[2 * k], vs[2 * k + 1]
        keep = a >= b
        ms.append(jnp.maximum(a, b))
        ams.append(jnp.where(keep, jnp.int32(c0 + 2 * k), jnp.int32(c0 + 2 * k + 1)))
    for lvl in (2, 1):
        nms, nams = [], []
        for k in range(lvl):
            keep = ms[2 * k] >= ms[2 * k + 1]
            nms.append(jnp.maximum(ms[2 * k], ms[2 * k + 1]))
            nams.append(jnp.where(keep, ams[2 * k], ams[2 * k + 1]))
        ms, ams = nms, nams
    return ms[0], ams[0]


def _row_argmax(v_ref, off):
    m, am = _tree8(v_ref, off, 0)
    for c0 in (8, 16, 24):
        m2, am2 = _tree8(v_ref, off, c0)
        keep = m >= m2
        am = jnp.where(keep, am, am2)
        m = jnp.maximum(m, m2)
    return am


def _sc_hist_body(xt_hbm, gt_hbm, out_hbm, xv, gv, bins, res, semx, semg):
    wid = lax.axis_index("s") * _NC + lax.axis_index("c")
    base_r = wid * _RPW
    xcps = [
        pltpu.async_copy(
            xt_hbm.at[pl.ds(c * _N + base_r, _RPW)],
            xv.at[pl.ds(c * _RPW, _RPW)],
            semx,
        )
        for c in range(_C)
    ]
    gcps = [
        pltpu.async_copy(
            gt_hbm.at[pl.ds(c * _N + base_r, _RPW)],
            gv.at[pl.ds(c * _RPW, _RPW)],
            semg,
        )
        for c in range(_C)
    ]

    zeros = jnp.zeros((16,), jnp.float32)
    for j in range(96):
        bins[pl.ds(j * 16, 16)] = zeros
    for cp in xcps:
        cp.wait()
    for cp in gcps:
        cp.wait()

    lane = lax.iota(jnp.int32, 16)
    lane32 = lane * 32
    ones = jnp.ones((16,), jnp.float32)

    def group(i, carry):
        off = i * 16
        pred_am = _row_argmax(xv, off)
        gt_am = _row_argmax(gv, off)
        plsc.addupdate_scatter(bins, [gt_am + lane32], ones)
        plsc.addupdate_scatter(bins, [pred_am + lane32 + 512], ones)
        plsc.addupdate_scatter(
            bins, [gt_am + lane32 + 1024], ones, mask=gt_am == pred_am
        )
        return carry

    lax.fori_loop(0, _GROUPS, group, 0)

    for sec in range(3):
        for half in range(2):
            acc = jnp.zeros((16,), jnp.float32)
            for l in range(16):
                acc = acc + bins[pl.ds(sec * 512 + l * 32 + half * 16, 16)]
            res[pl.ds(sec * 32 + half * 16, 16)] = acc
    pltpu.sync_copy(res, out_hbm.at[wid])


_sc_hist = functools.partial(
    pl.kernel,
    out_type=jax.ShapeDtypeStruct((_NW, 96), jnp.float32),
    mesh=plsc.VectorSubcoreMesh(
        core_axis_name="c", subcore_axis_name="s", num_cores=_NC, num_subcores=_NS
    ),
    compiler_params=pltpu.CompilerParams(needs_layout_passes=False),
    scratch_types=[
        pltpu.VMEM((_RPW * _C,), jnp.float32),
        pltpu.VMEM((_RPW * _C,), jnp.float32),
        pltpu.VMEM((1536,), jnp.float32),
        pltpu.VMEM((96,), jnp.float32),
        pltpu.SemaphoreType.DMA,
        pltpu.SemaphoreType.DMA,
    ],
)(_sc_hist_body)


def kernel(predictions, ground_truth, class_weights):
    xt = predictions.T
    gtt = ground_truth.T
    parts = _sc_hist(xt.reshape(-1), gtt.reshape(-1))
    out = pl.pallas_call(
        _cce_combine_body,
        out_shape=jax.ShapeDtypeStruct((1, 1), jnp.float32),
    )(
        xt,
        gtt,
        class_weights.reshape(_C, 1),
        class_weights.reshape(1, _C),
        parts,
    )
    return out[0, 0]

# --- scband reference (transcript-rebuilt; emitter-appended) ---
"""Pipeline reference for scband-weighted-ccefocal-tversky-loss-with-softmax-64836826300731 (READ-ONLY COPY).

The authoritative reference and input builder live on the scoring server;
editing this copy changes nothing except your own understanding.
"""

import jax, jax.numpy as jnp
import numpy as np

N = 16384
C = 32
CCE_WEIGHT = 0.1
DICE_WEIGHT = 1.0
TVERSKY_ALPHA = 0.7
TVERSKY_BETA = 1.0 - TVERSKY_ALPHA
FOCAL_GAMMA = 0.75


def setup_inputs(seed: int = 0) -> dict:
    key = jax.random.key(seed)
    k1, k2 = jax.random.split(key, 2)
    predictions = jax.random.normal(k1, (N, C), dtype=jnp.float32)
    ground_truth = jax.random.uniform(k2, (N, C), dtype=jnp.float32)
    class_weights = jnp.ones((C,), dtype=jnp.float32)
    return {"predictions": predictions, "ground_truth": ground_truth, "class_weights": class_weights}


def reference(predictions, ground_truth, class_weights):
    predictions_softmax = jax.nn.softmax(predictions, axis=1)
    prediction_category = jnp.argmax(predictions_softmax, axis=1)
    ground_truth_category = jnp.argmax(ground_truth, axis=1)
    n_classes = class_weights.shape[0]
    # confusion matrix via scatter-add (equivalent to the per-sample += loop)
    confusion_matrix = jnp.zeros((n_classes, n_classes), dtype=jnp.float32).at[
        ground_truth_category, prediction_category
    ].add(1.0)
    tp_classes = jnp.diag(confusion_matrix)
    fp_classes = confusion_matrix.sum(axis=0) - tp_classes
    fn_classes = confusion_matrix.sum(axis=1) - tp_classes
    esp = 1e-08
    tversky = (tp_classes + esp) / (
        tp_classes + fp_classes * TVERSKY_BETA + fn_classes * TVERSKY_ALPHA + esp
    )
    focal_tversky_loss = jnp.power(1.0 - tversky, FOCAL_GAMMA)
    weighted_focal_tversky_loss = (focal_tversky_loss * class_weights).sum() / class_weights[
        ground_truth_category
    ].sum()
    # F.cross_entropy with probability targets and class weights, applied to the
    # already-softmaxed predictions (which get log_softmax'ed again, faithful to torch)
    logp = jax.nn.log_softmax(predictions_softmax, axis=1)
    per_sample = -(class_weights[None, :] * ground_truth * logp).sum(axis=1)
    weighted_cce_loss = per_sample.mean()  # torch 'mean' with prob targets divides by N
    cce_dice_loss = weighted_cce_loss * CCE_WEIGHT + weighted_focal_tversky_loss * DICE_WEIGHT
    return cce_dice_loss

if __name__ == "__main__":
    import jax
    _d = setup_inputs()
    print(jax.jit(kernel)(*tuple(_d.values())))

</pallas_src>

<mosaic_0001>
#map = affine_map<(d0, d1) -> (0)>
#map1 = affine_map<(d0, d1) -> (0, 0)>
module attributes {stable_mosaic.version = 14 : i64} {
  func.func @_sc_hist_body(%arg0: i32, %arg1: i32, %arg2: memref<524288xf32, #tpu.memory_space<hbm>>, %arg3: memref<524288xf32, #tpu.memory_space<hbm>>, %arg4: memref<32x96xf32, #tpu.memory_space<hbm>>, %arg5: memref<16384xf32, #tpu.memory_space<vmem>>, %arg6: memref<16384xf32, #tpu.memory_space<vmem>>, %arg7: memref<1536xf32, #tpu.memory_space<vmem>>, %arg8: memref<96xf32, #tpu.memory_space<vmem>>, %arg9: memref<!tpu.dma_semaphore, #tpu.memory_space<semaphore_mem>>, %arg10: memref<!tpu.dma_semaphore, #tpu.memory_space<semaphore_mem>>) attributes {dimension_semantics = [#tpu.dimension_semantics<core_parallel>, #tpu.dimension_semantics<subcore_parallel>], iteration_bounds = array<i64: 2, 16>, scalar_prefetch = 0 : i64, scratch_operands = 6 : i64, tpu.core_type = #tpu.core_type<sc_vector_subcore>, window_params = [{transform_indices = #map}, {transform_indices = #map}, {transform_indices = #map1}]} {
    %mul3A = arith.constant 2 : i32
    %mul3A_0 = arith.muli %arg1, %mul3A : i32
    %add3A = arith.addi %mul3A_0, %arg0 : i32
    %mul3A_1 = arith.constant 512 : i32
    %mul3A_2 = arith.muli %add3A, %mul3A_1 : i32
    %add3A_3 = arith.constant 0 : i32
    %add3A_4 = arith.addi %add3A_3, %mul3A_2 : i32
    %dma_start3A = arith.constant 0 : i32
    %dma_start3A_5 = tpu.memref_slice %arg5[%dma_start3A] : memref<16384xf32, #tpu.memory_space<vmem>> -> memref<512xf32, #tpu.memory_space<vmem>>
    %dma_start3A_6 = tpu.memref_slice %arg2[%add3A_4] : memref<524288xf32, #tpu.memory_space<hbm>> -> memref<512xf32, #tpu.memory_space<hbm>>
    %dma_start3A_7 = arith.constant 0 : i32
    %dma_start3A_8 = tpu.memref_slice %arg5[%dma_start3A_7] : memref<16384xf32, #tpu.memory_space<vmem>> -> memref<512xf32, #tpu.memory_space<vmem>>
    %dma_start3A_9 = tpu.memref_slice %arg2[%add3A_4] : memref<524288xf32, #tpu.memory_space<hbm>> -> memref<512xf32, #tpu.memory_space<hbm>>
    tpu.enqueue_dma source(%dma_start3A_9 : memref<512xf32, #tpu.memory_space<hbm>>) target(%dma_start3A_8 : memref<512xf32, #tpu.memory_space<vmem>>) target_semaphore(%arg9 : memref<!tpu.dma_semaphore, #tpu.memory_space<semaphore_mem>>)
    %add3A_10 = arith.constant 16384 : i32
    %add3A_11 = arith.addi %add3A_10, %mul3A_2 : i32
    %dma_start3A_12 = arith.constant 512 : i32
    %dma_start3A_13 = tpu.memref_slice %arg5[%dma_start3A_12] : memref<16384xf32, #tpu.memory_space<vmem>> -> memref<512xf32, #tpu.memory_space<vmem>>
    %dma_start3A_14 = tpu.memref_slice %arg2[%add3A_11] : memref<524288xf32, #tpu.memory_space<hbm>> -> memref<512xf32, #tpu.memory_space<hbm>>
    %dma_start3A_15 = arith.constant 512 : i32
    %dma_start3A_16 = tpu.memref_slice %arg5[%dma_start3A_15] : memref<16384xf32, #tpu.memory_space<vmem>> -> memref<512xf32, #tpu.memory_space<vmem>>
    %dma_start3A_17 = tpu.memref_slice %arg2[%add3A_11] : memref<524288xf32, #tpu.memory_space<hbm>> -> memref<512xf32, #tpu.memory_space<hbm>>
    tpu.enqueue_dma source(%dma_start3A_17 : memref<512xf32, #tpu.memory_space<hbm>>) target(%dma_start3A_16 : memref<512xf32, #tpu.memory_space<vmem>>) target_semaphore(%arg9 : memref<!tpu.dma_semaphore, #tpu.memory_space<semaphore_mem>>)
    %add3A_18 = arith.constant 32768 : i32
    %add3A_19 = arith.addi %add3A_18, %mul3A_2 : i32
    %dma_start3A_20 = arith.constant 1024 : i32
    %dma_start3A_21 = tpu.memref_slice %arg5[%dma_start3A_20] : memref<16384xf32, #tpu.memory_space<vmem>> -> memref<512xf32, #tpu.memory_space<vmem>>
    %dma_start3A_22 = tpu.memref_slice %arg2[%add3A_19] : memref<524288xf32, #tpu.memory_space<hbm>> -> memref<512xf32, #tpu.memory_space<hbm>>
    %dma_start3A_23 = arith.constant 1024 : i32
    %dma_start3A_24 = tpu.memref_slice %arg5[%dma_start3A_23] : memref<16384xf32, #tpu.memory_space<vmem>> -> memref<512xf32, #tpu.memory_space<vmem>>
    %dma_start3A_25 = tpu.memref_slice %arg2[%add3A_19] : memref<524288xf32, #tpu.memory_space<hbm>> -> memref<512xf32, #tpu.memory_space<hbm>>
    tpu.enqueue_dma source(%dma_start3A_25 : memref<512xf32, #tpu.memory_space<hbm>>) target(%dma_start3A_24 : memref<512xf32, #tpu.memory_space<vmem>>) target_semaphore(%arg9 : memref<!tpu.dma_semaphore, #tpu.memory_space<semaphore_mem>>)
    %add3A_26 = arith.constant 49152 : i32
    %add3A_27 = arith.addi %add3A_26, %mul3A_2 : i32
    %dma_start3A_28 = arith.constant 1536 : i32
    %dma_start3A_29 = tpu.memref_slice %arg5[%dma_start3A_28] : memref<16384xf32, #tpu.memory_space<vmem>> -> memref<512xf32, #tpu.memory_space<vmem>>
    %dma_start3A_30 = tpu.memref_slice %arg2[%add3A_27] : memref<524288xf32, #tpu.memory_space<hbm>> -> memref<512xf32, #tpu.memory_space<hbm>>
    %dma_start3A_31 = arith.constant 1536 : i32
    %dma_start3A_32 = tpu.memref_slice %arg5[%dma_start3A_31] : memref<16384xf32, #tpu.memory_space<vmem>> -> memref<512xf32, #tpu.memory_space<vmem>>
    %dma_start3A_33 = tpu.memref_slice %arg2[%add3A_27] : memref<524288xf32, #tpu.memory_space<hbm>> -> memref<512xf32, #tpu.memory_space<hbm>>
    tpu.enqueue_dma source(%dma_start3A_33 : memref<512xf32, #tpu.memory_space<hbm>>) target(%dma_start3A_32 : memref<512xf32, #tpu.memory_space<vmem>>) target_semaphore(%arg9 : memref<!tpu.dma_semaphore, #tpu.memory_space<semaphore_mem>>)
    %add3A_34 = arith.constant 65536 : i32
    %add3A_35 = arith.addi %add3A_34, %mul3A_2 : i32
    %dma_start3A_36 = arith.constant 2048 : i32
    %dma_start3A_37 = tpu.memref_slice %arg5[%dma_start3A_36] : memref<16384xf32, #tpu.memory_space<vmem>> -> memref<512xf32, #tpu.memory_space<vmem>>
    %dma_start3A_38 = tpu.memref_slice %arg2[%add3A_35] : memref<524288xf32, #tpu.memory_space<hbm>> -> memref<512xf32, #tpu.memory_space<hbm>>
    %dma_start3A_39 = arith.constant 2048 : i32
    %dma_start3A_40 = tpu.memref_slice %arg5[%dma_start3A_39] : memref<16384xf32, #tpu.memory_space<vmem>> -> memref<512xf32, #tpu.memory_space<vmem>>
    %dma_start3A_41 = tpu.memref_slice %arg2[%add3A_35] : memref<524288xf32, #tpu.memory_space<hbm>> -> memref<512xf32, #tpu.memory_space<hbm>>
    tpu.enqueue_dma source(%dma_start3A_41 : memref<512xf32, #tpu.memory_space<hbm>>) target(%dma_start3A_40 : memref<512xf32, #tpu.memory_space<vmem>>) target_semaphore(%arg9 : memref<!tpu.dma_semaphore, #tpu.memory_space<semaphore_mem>>)
    %add3A_42 = arith.constant 81920 : i32
    %add3A_43 = arith.addi %add3A_42, %mul3A_2 : i32
    %dma_start3A_44 = arith.constant 2560 : i32
    %dma_start3A_45 = tpu.memref_slice %arg5[%dma_start3A_44] : memref<16384xf32, #tpu.memory_space<vmem>> -> memref<512xf32, #tpu.memory_space<vmem>>
    %dma_start3A_46 = tpu.memref_slice %arg2[%add3A_43] : memref<524288xf32, #tpu.memory_space<hbm>> -> memref<512xf32, #tpu.memory_space<hbm>>
    %dma_start3A_47 = arith.constant 2560 : i32
    %dma_start3A_48 = tpu.memref_slice %arg5[%dma_start3A_47] : memref<16384xf32, #tpu.memory_space<vmem>> -> memref<512xf32, #tpu.memory_space<vmem>>
    %dma_start3A_49 = tpu.memref_slice %arg2[%add3A_43] : memref<524288xf32, #tpu.memory_space<hbm>> -> memref<512xf32, #tpu.memory_space<hbm>>
    tpu.enqueue_dma source(%dma_start3A_49 : memref<512xf32, #tpu.memory_space<hbm>>) target(%dma_start3A_48 : memref<512xf32, #tpu.memory_space<vmem>>) target_semaphore(%arg9 : memref<!tpu.dma_semaphore, #tpu.memory_space<semaphore_mem>>)
    %add3A_50 = arith.constant 98304 : i32
    %add3A_51 = arith.addi %add3A_50, %mul3A_2 : i32
    %dma_start3A_52 = arith.constant 3072 : i32
    %dma_start3A_53 = tpu.memref_slice %arg5[%dma_start3A_52] : memref<16384xf32, #tpu.memory_space<vmem>> -> memref<512xf32, #tpu.memory_space<vmem>>
    %dma_start3A_54 = tpu.memref_slice %arg2[%add3A_51] : memref<524288xf32, #tpu.memory_space<hbm>> -> memref<512xf32, #tpu.memory_space<hbm>>
    %dma_start3A_55 = arith.constant 3072 : i32
    %dma_start3A_56 = tpu.memref_slice %arg5[%dma_start3A_55] : memref<16384xf32, #tpu.memory_space<vmem>> -> memref<512xf32, #tpu.memory_space<vmem>>
    %dma_start3A_57 = tpu.memref_slice %arg2[%add3A_51] : memref<524288xf32, #tpu.memory_space<hbm>> -> memref<512xf32, #tpu.memory_space<hbm>>
    tpu.enqueue_dma source(%dma_start3A_57 : memref<512xf32, #tpu.memory_space<hbm>>) target(%dma_start3A_56 : memref<512xf32, #tpu.memory_space<vmem>>) target_semaphore(%arg9 : memref<!tpu.dma_semaphore, #tpu.memory_space<semaphore_mem>>)
    %add3A_58 = arith.constant 114688 : i32
    %add3A_59 = arith.addi %add3A_58, %mul3A_2 : i32
    %dma_start3A_60 = arith.constant 3584 : i32
    %dma_start3A_61 = tpu.memref_slice %arg5[%dma_start3A_60] : memref<16384xf32, #tpu.memory_space<vmem>> -> memref<512xf32, #tpu.memory_space<vmem>>
    %dma_start3A_62 = tpu.memref_slice %arg2[%add3A_59] : memref<524288xf32, #tpu.memory_space<hbm>> -> memref<512xf32, #tpu.memory_space<hbm>>
    %dma_start3A_63 = arith.constant 3584 : i32
    %dma_start3A_64 = tpu.memref_slice %arg5[%dma_start3A_63] : memref<16384xf32, #tpu.memory_space<vmem>> -> memref<512xf32, #tpu.memory_space<vmem>>
    %dma_start3A_65 = tpu.memref_slice %arg2[%add3A_59] : memref<524288xf32, #tpu.memory_space<hbm>> -> memref<512xf32, #tpu.memory_space<hbm>>
    tpu.enqueue_dma source(%dma_start3A_65 : memref<512xf32, #tpu.memory_space<hbm>>) target(%dma_start3A_64 : memref<512xf32, #tpu.memory_space<vmem>>) target_semaphore(%arg9 : memref<!tpu.dma_semaphore, #tpu.memory_space<semaphore_mem>>)
    %add3A_66 = arith.constant 131072 : i32
    %add3A_67 = arith.addi %add3A_66, %mul3A_2 : i32
    %dma_start3A_68 = arith.constant 4096 : i32
    %dma_start3A_69 = tpu.memref_slice %arg5[%dma_start3A_68] : memref<16384xf32, #tpu.memory_space<vmem>> -> memref<512xf32, #tpu.memory_space<vmem>>
    %dma_start3A_70 = tpu.memref_slice %arg2[%add3A_67] : memref<524288xf32, #tpu.memory_space<hbm>> -> memref<512xf32, #tpu.memory_space<hbm>>
    %dma_start3A_71 = arith.constant 4096 : i32
    %dma_start3A_72 = tpu.memref_slice %arg5[%dma_start3A_71] : memref<16384xf32, #tpu.memory_space<vmem>> -> memref<512xf32, #tpu.memory_space<vmem>>
    %dma_start3A_73 = tpu.memref_slice %arg2[%add3A_67] : memref<524288xf32, #tpu.memory_space<hbm>> -> memref<512xf32, #tpu.memory_space<hbm>>
    tpu.enqueue_dma source(%dma_start3A_73 : memref<512xf32, #tpu.memory_space<hbm>>) target(%dma_start3A_72 : memref<512xf32, #tpu.memory_space<vmem>>) target_semaphore(%arg9 : memref<!tpu.dma_semaphore, #tpu.memory_space<semaphore_mem>>)
    %add3A_74 = arith.constant 147456 : i32
    %add3A_75 = arith.addi %add3A_74, %mul3A_2 : i32
    %dma_start3A_76 = arith.constant 4608 : i32
    %dma_start3A_77 = tpu.memref_slice %arg5[%dma_start3A_76] : memref<16384xf32, #tpu.memory_space<vmem>> -> memref<512xf32, #tpu.memory_space<vmem>>
    %dma_start3A_78 = tpu.memref_slice %arg2[%add3A_75] : memref<524288xf32, #tpu.memory_space<hbm>> -> memref<512xf32, #tpu.memory_space<hbm>>
    %dma_start3A_79 = arith.constant 4608 : i32
    %dma_start3A_80 = tpu.memref_slice %arg5[%dma_start3A_79] : memref<16384xf32, #tpu.memory_space<vmem>> -> memref<512xf32, #tpu.memory_space<vmem>>
    %dma_start3A_81 = tpu.memref_slice %arg2[%add3A_75] : memref<524288xf32, #tpu.memory_space<hbm>> -> memref<512xf32, #tpu.memory_space<hbm>>
    tpu.enqueue_dma source(%dma_start3A_81 : memref<512xf32, #tpu.memory_space<hbm>>) target(%dma_start3A_80 : memref<512xf32, #tpu.memory_space<vmem>>) target_semaphore(%arg9 : memref<!tpu.dma_semaphore, #tpu.memory_space<semaphore_mem>>)
    %add3A_82 = arith.constant 163840 : i32
    %add3A_83 = arith.addi %add3A_82, %mul3A_2 : i32
    %dma_start3A_84 = arith.constant 5120 : i32
    %dma_start3A_85 = tpu.memref_slice %arg5[%dma_start3A_84] : memref<16384xf32, #tpu.memory_space<vmem>> -> memref<512xf32, #tpu.memory_space<vmem>>
    %dma_start3A_86 = tpu.memref_slice %arg2[%add3A_83] : memref<524288xf32, #tpu.memory_space<hbm>> -> memref<512xf32, #tpu.memory_space<hbm>>
    %dma_start3A_87 = arith.constant 5120 : i32
    %dma_start3A_88 = tpu.memref_slice %arg5[%dma_start3A_87] : memref<16384xf32, #tpu.memory_space<vmem>> -> memref<512xf32, #tpu.memory_space<vmem>>
    %dma_start3A_89 = tpu.memref_slice %arg2[%add3A_83] : memref<524288xf32, #tpu.memory_space<hbm>> -> memref<512xf32, #tpu.memory_space<hbm>>
    tpu.enqueue_dma source(%dma_start3A_89 : memref<512xf32, #tpu.memory_space<hbm>>) target(%dma_start3A_88 : memref<512xf32, #tpu.memory_space<vmem>>) target_semaphore(%arg9 : memref<!tpu.dma_semaphore, #tpu.memory_space<semaphore_mem>>)
    %add3A_90 = arith.constant 180224 : i32
    %add3A_91 = arith.addi %add3A_90, %mul3A_2 : i32
    %dma_start3A_92 = arith.constant 5632 : i32
    %dma_start3A_93 = tpu.memref_slice %arg5[%dma_start3A_92] : memref<16384xf32, #tpu.memory_space<vmem>> -> memref<512xf32, #tpu.memory_space<vmem>>
    %dma_start3A_94 = tpu.memref_slice %arg2[%add3A_91] : memref<524288xf32, #tpu.memory_space<hbm>> -> memref<512xf32, #tpu.memory_space<hbm>>
    %dma_start3A_95 = arith.constant 5632 : i32
    %dma_start3A_96 = tpu.memref_slice %arg5[%dma_start3A_95] : memref<16384xf32, #tpu.memory_space<vmem>> -> memref<512xf32, #tpu.memory_space<vmem>>
    %dma_start3A_97 = tpu.memref_slice %arg2[%add3A_91] : memref<524288xf32, #tpu.memory_space<hbm>> -> memref<512xf32, #tpu.memory_space<hbm>>
    tpu.enqueue_dma source(%dma_start3A_97 : memref<512xf32, #tpu.memory_space<hbm>>) target(%dma_start3A_96 : memref<512xf32, #tpu.memory_space<vmem>>) target_semaphore(%arg9 : memref<!tpu.dma_semaphore, #tpu.memory_space<semaphore_mem>>)
    %add3A_98 = arith.constant 196608 : i32
    %add3A_99 = arith.addi %add3A_98, %mul3A_2 : i32
    %dma_start3A_100 = arith.constant 6144 : i32
    %dma_start3A_101 = tpu.memref_slice %arg5[%dma_start3A_100] : memref<16384xf32, #tpu.memory_space<vmem>> -> memref<512xf32, #tpu.memory_space<vmem>>
    %dma_start3A_102 = tpu.memref_slice %arg2[%add3A_99] : memref<524288xf32, #tpu.memory_space<hbm>> -> memref<512xf32, #tpu.memory_space<hbm>>
    %dma_start3A_103 = arith.constant 6144 : i32
    %dma_start3A_104 = tpu.memref_slice %arg5[%dma_start3A_103] : memref<16384xf32, #tpu.memory_space<vmem>> -> memref<512xf32, #tpu.memory_space<vmem>>
    %dma_start3A_105 = tpu.memref_slice %arg2[%add3A_99] : memref<524288xf32, #tpu.memory_space<hbm>> -> memref<512xf32, #tpu.memory_space<hbm>>
    tpu.enqueue_dma source(%dma_start3A_105 : memref<512xf32, #tpu.memory_space<hbm>>) target(%dma_start3A_104 : memref<512xf32, #tpu.memory_space<vmem>>) target_semaphore(%arg9 : memref<!tpu.dma_semaphore, #tpu.memory_space<semaphore_mem>>)
    %add3A_106 = arith.constant 212992 : i32
    %add3A_107 = arith.addi %add3A_106, %mul3A_2 : i32
    %dma_start3A_108 = arith.constant 6656 : i32
    %dma_start3A_109 = tpu.memref_slice %arg5[%dma_start3A_108] : memref<16384xf32, #tpu.memory_space<vmem>> -> memref<512xf32, #tpu.memory_space<vmem>>
    %dma_start3A_110 = tpu.memref_slice %arg2[%add3A_107] : memref<524288xf32, #tpu.memory_space<hbm>> -> memref<512xf32, #tpu.memory_space<hbm>>
    %dma_start3A_111 = arith.constant 6656 : i32
    %dma_start3A_112 = tpu.memref_slice %arg5[%dma_start3A_111] : memref<16384xf32, #tpu.memory_space<vmem>> -> memref<512xf32, #tpu.memory_space<vmem>>
    %dma_start3A_113 = tpu.memref_slice %arg2[%add3A_107] : memref<524288xf32, #tpu.memory_space<hbm>> -> memref<512xf32, #tpu.memory_space<hbm>>
    tpu.enqueue_dma source(%dma_start3A_113 : memref<512xf32, #tpu.memory_space<hbm>>) target(%dma_start3A_112 : memref<512xf32, #tpu.memory_space<vmem>>) target_semaphore(%arg9 : memref<!tpu.dma_semaphore, #tpu.memory_space<semaphore_mem>>)
    %add3A_114 = arith.constant 229376 : i32
    %add3A_115 = arith.addi %add3A_114, %mul3A_2 : i32
    %dma_start3A_116 = arith.constant 7168 : i32
    %dma_start3A_117 = tpu.memref_slice %arg5[%dma_start3A_116] : memref<16384xf32, #tpu.memory_space<vmem>> -> memref<512xf32, #tpu.memory_space<vmem>>
    %dma_start3A_118 = tpu.memref_slice %arg2[%add3A_115] : memref<524288xf32, #tpu.memory_space<hbm>> -> memref<512xf32, #tpu.memory_space<hbm>>
    %dma_start3A_119 = arith.constant 7168 : i32
    %dma_start3A_120 = tpu.memref_slice %arg5[%dma_start3A_119] : memref<16384xf32, #tpu.memory_space<vmem>> -> memref<512xf32, #tpu.memory_space<vmem>>
    %dma_start3A_121 = tpu.memref_slice %arg2[%add3A_115] : memref<524288xf32, #tpu.memory_space<hbm>> -> memref<512xf32, #tpu.memory_space<hbm>>
    tpu.enqueue_dma source(%dma_start3A_121 : memref<512xf32, #tpu.memory_space<hbm>>) target(%dma_start3A_120 : memref<512xf32, #tpu.memory_space<vmem>>) target_semaphore(%arg9 : memref<!tpu.dma_semaphore, #tpu.memory_space<semaphore_mem>>)
    %add3A_122 = arith.constant 245760 : i32
    %add3A_123 = arith.addi %add3A_122, %mul3A_2 : i32
    %dma_start3A_124 = arith.constant 7680 : i32
    %dma_start3A_125 = tpu.memref_slice %arg5[%dma_start3A_124] : memref<16384xf32, #tpu.memory_space<vmem>> -> memref<512xf32, #tpu.memory_space<vmem>>
    %dma_start3A_126 = tpu.memref_slice %arg2[%add3A_123] : memref<524288xf32, #tpu.memory_space<hbm>> -> memref<512xf32, #tpu.memory_space<hbm>>
    %dma_start3A_127 = arith.constant 7680 : i32
    %dma_start3A_128 = tpu.memref_slice %arg5[%dma_start3A_127] : memref<16384xf32, #tpu.memory_space<vmem>> -> memref<512xf32, #tpu.memory_space<vmem>>
    %dma_start3A_129 = tpu.memref_slice %arg2[%add3A_123] : memref<524288xf32, #tpu.memory_space<hbm>> -> memref<512xf32, #tpu.memory_space<hbm>>
    tpu.enqueue_dma source(%dma_start3A_129 : memref<512xf32, #tpu.memory_space<hbm>>) target(%dma_start3A_128 : memref<512xf32, #tpu.memory_space<vmem>>) target_semaphore(%arg9 : memref<!tpu.dma_semaphore, #tpu.memory_space<semaphore_mem>>)
    %add3A_130 = arith.constant 262144 : i32
    %add3A_131 = arith.addi %add3A_130, %mul3A_2 : i32
    %dma_start3A_132 = arith.constant 8192 : i32
    %dma_start3A_133 = tpu.memref_slice %arg5[%dma_start3A_132] : memref<16384xf32, #tpu.memory_space<vmem>> -> memref<512xf32, #tpu.memory_space<vmem>>
    %dma_start3A_134 = tpu.memref_slice %arg2[%add3A_131] : memref<524288xf32, #tpu.memory_space<hbm>> -> memref<512xf32, #tpu.memory_space<hbm>>
    %dma_start3A_135 = arith.constant 8192 : i32
    %dma_start3A_136 = tpu.memref_slice %arg5[%dma_start3A_135] : memref<16384xf32, #tpu.memory_space<vmem>> -> memref<512xf32, #tpu.memory_space<vmem>>
    %dma_start3A_137 = tpu.memref_slice %arg2[%add3A_131] : memref<524288xf32, #tpu.memory_space<hbm>> -> memref<512xf32, #tpu.memory_space<hbm>>
    tpu.enqueue_dma source(%dma_start3A_137 : memref<512xf32, #tpu.memory_space<hbm>>) target(%dma_start3A_136 : memref<512xf32, #tpu.memory_space<vmem>>) target_semaphore(%arg9 : memref<!tpu.dma_semaphore, #tpu.memory_space<semaphore_mem>>)
    %add3A_138 = arith.constant 278528 : i32
    %add3A_139 = arith.addi %add3A_138, %mul3A_2 : i32
    %dma_start3A_140 = arith.constant 8704 : i32
    %dma_start3A_141 = tpu.memref_slice %arg5[%dma_start3A_140] : memref<16384xf32, #tpu.memory_space<vmem>> -> memref<512xf32, #tpu.memory_space<vmem>>
    %dma_start3A_142 = tpu.memref_slice %arg2[%add3A_139] : memref<524288xf32, #tpu.memory_space<hbm>> -> memref<512xf32, #tpu.memory_space<hbm>>
    %dma_start3A_143 = arith.constant 8704 : i32
    %dma_start3A_144 = tpu.memref_slice %arg5[%dma_start3A_143] : memref<16384xf32, #tpu.memory_space<vmem>> -> memref<512xf32, #tpu.memory_space<vmem>>
    %dma_start3A_145 = tpu.memref_slice %arg2[%add3A_139] : memref<524288xf32, #tpu.memory_space<hbm>> -> memref<512xf32, #tpu.memory_space<hbm>>
    tpu.enqueue_dma source(%dma_start3A_145 : memref<512xf32, #tpu.memory_space<hbm>>) target(%dma_start3A_144 : memref<512xf32, #tpu.memory_space<vmem>>) target_semaphore(%arg9 : memref<!tpu.dma_semaphore, #tpu.memory_space<semaphore_mem>>)
    %add3A_146 = arith.constant 294912 : i32
    %add3A_147 = arith.addi %add3A_146, %mul3A_2 : i32
    %dma_start3A_148 = arith.constant 9216 : i32
    %dma_start3A_149 = tpu.memref_slice %arg5[%dma_start3A_148] : memref<16384xf32, #tpu.memory_space<vmem>> -> memref<512xf32, #tpu.memory_space<vmem>>
    %dma_start3A_150 = tpu.memref_slice %arg2[%add3A_147] : memref<524288xf32, #tpu.memory_space<hbm>> -> memref<512xf32, #tpu.memory_space<hbm>>
    %dma_start3A_151 = arith.constant 9216 : i32
    %dma_start3A_152 = tpu.memref_slice %arg5[%dma_start3A_151] : memref<16384xf32, #tpu.memory_space<vmem>> -> memref<512xf32, #tpu.memory_space<vmem>>
    %dma_start3A_153 = tpu.memref_slice %arg2[%add3A_147] : memref<524288xf32, #tpu.memory_space<hbm>> -> memref<512xf32, #tpu.memory_space<hbm>>
    tpu.enqueue_dma source(%dma_start3A_153 : memref<512xf32, #tpu.memory_space<hbm>>) target(%dma_start3A_152 : memref<512xf32, #tpu.memory_space<vmem>>) target_semaphore(%arg9 : memref<!tpu.dma_semaphore, #tpu.memory_space<semaphore_mem>>)
    %add3A_154 = arith.constant 311296 : i32
    %add3A_155 = arith.addi %add3A_154, %mul3A_2 : i32
    %dma_start3A_156 = arith.constant 9728 : i32
    %dma_start3A_157 = tpu.memref_slice %arg5[%dma_start3A_156] : memref<16384xf32, #tpu.memory_space<vmem>> -> memref<512xf32, #tpu.memory_space<vmem>>
    %dma_start3A_158 = tpu.memref_slice %arg2[%add3A_155] : memref<524288xf32, #tpu.memory_space<hbm>> -> memref<512xf32, #tpu.memory_space<hbm>>
    %dma_start3A_159 = arith.constant 9728 : i32
    %dma_start3A_160 = tpu.memref_slice %arg5[%dma_start3A_159] : memref<16384xf32, #tpu.memory_space<vmem>> -> memref<512xf32, #tpu.memory_space<vmem>>
    %dma_start3A_161 = tpu.memref_slice %arg2[%add3A_155] : memref<524288xf32, #tpu.memory_space<hbm>> -> memref<512xf32, #tpu.memory_space<hbm>>
    tpu.enqueue_dma source(%dma_start3A_161 : memref<512xf32, #tpu.memory_space<hbm>>) target(%dma_start3A_160 : memref<512xf32, #tpu.memory_space<vmem>>) target_semaphore(%arg9 : memref<!tpu.dma_semaphore, #tpu.memory_space<semaphore_mem>>)
    %add3A_162 = arith.constant 327680 : i32
    %add3A_163 = arith.addi %add3A_162, %mul3A_2 : i32
    %dma_start3A_164 = arith.constant 10240 : i32
    %dma_start3A_165 = tpu.memref_slice %arg5[%dma_start3A_164] : memref<16384xf32, #tpu.memory_space<vmem>> -> memref<512xf32, #tpu.memory_space<vmem>>
    %dma_start3A_166 = tpu.memref_slice %arg2[%add3A_163] : memref<524288xf32, #tpu.memory_space<hbm>> -> memref<512xf32, #tpu.memory_space<hbm>>
    %dma_start3A_167 = arith.constant 10240 : i32
    %dma_start3A_168 = tpu.memref_slice %arg5[%dma_start3A_167] : memref<16384xf32, #tpu.memory_space<vmem>> -> memref<512xf32, #tpu.memory_space<vmem>>
    %dma_start3A_169 = tpu.memref_slice %arg2[%add3A_163] : memref<524288xf32, #tpu.memory_space<hbm>> -> memref<512xf32, #tpu.memory_space<hbm>>
    tpu.enqueue_dma source(%dma_start3A_169 : memref<512xf32, #tpu.memory_space<hbm>>) target(%dma_start3A_168 : memref<512xf32, #tpu.memory_space<vmem>>) target_semaphore(%arg9 : memref<!tpu.dma_semaphore, #tpu.memory_space<semaphore_mem>>)
    %add3A_170 = arith.constant 344064 : i32
    %add3A_171 = arith.addi %add3A_170, %mul3A_2 : i32
    %dma_start3A_172 = arith.constant 10752 : i32
    %dma_start3A_173 = tpu.memref_slice %arg5[%dma_start3A_172] : memref<16384xf32, #tpu.memory_space<vmem>> -> memref<512xf32, #tpu.memory_space<vmem>>
    %dma_start3A_174 = tpu.memref_slice %arg2[%add3A_171] : memref<524288xf32, #tpu.memory_space<hbm>> -> memref<512xf32, #tpu.memory_space<hbm>>
    %dma_start3A_175 = arith.constant 10752 : i32
    %dma_start3A_176 = tpu.memref_slice %arg5[%dma_start3A_175] : memref<16384xf32, #tpu.memory_space<vmem>> -> memref<512xf32, #tpu.memory_space<vmem>>
    %dma_start3A_177 = tpu.memref_slice %arg2[%add3A_171] : memref<524288xf32, #tpu.memory_space<hbm>> -> memref<512xf32, #tpu.memory_space<hbm>>
    tpu.enqueue_dma source(%dma_start3A_177 : memref<512xf32, #tpu.memory_space<hbm>>) target(%dma_start3A_176 : memref<512xf32, #tpu.memory_space<vmem>>) target_semaphore(%arg9 : memref<!tpu.dma_semaphore, #tpu.memory_space<semaphore_mem>>)
    %add3A_178 = arith.constant 360448 : i32
    %add3A_179 = arith.addi %add3A_178, %mul3A_2 : i32
    %dma_start3A_180 = arith.constant 11264 : i32
    %dma_start3A_181 = tpu.memref_slice %arg5[%dma_start3A_180] : memref<16384xf32, #tpu.memory_space<vmem>> -> memref<512xf32, #tpu.memory_space<vmem>>
    %dma_start3A_182 = tpu.memref_slice %arg2[%add3A_179] : memref<524288xf32, #tpu.memory_space<hbm>> -> memref<512xf32, #tpu.memory_space<hbm>>
    %dma_start3A_183 = arith.constant 11264 : i32
    %dma_start3A_184 = tpu.memref_slice %arg5[%dma_start3A_183] : memref<16384xf32, #tpu.memory_space<vmem>> -> memref<512xf32, #tpu.memory_space<vmem>>
    %dma_start3A_185 = tpu.memref_slice %arg2[%add3A_179] : memref<524288xf32, #tpu.memory_space<hbm>> -> memref<512xf32, #tpu.memory_space<hbm>>
    tpu.enqueue_dma source(%dma_start3A_185 : memref<512xf32, #tpu.memory_space<hbm>>) target(%dma_start3A_184 : memref<512xf32, #tpu.memory_space<vmem>>) target_semaphore(%arg9 : memref<!tpu.dma_semaphore, #tpu.memory_space<semaphore_mem>>)
    %add3A_186 = arith.constant 376832 : i32
    %add3A_187 = arith.addi %add3A_186, %mul3A_2 : i32
    %dma_start3A_188 = arith.constant 11776 : i32
    %dma_start3A_189 = tpu.memref_slice %arg5[%dma_start3A_188] : memref<16384xf32, #tpu.memory_space<vmem>> -> memref<512xf32, #tpu.memory_space<vmem>>
    %dma_start3A_190 = tpu.memref_slice %arg2[%add3A_187] : memref<524288xf32, #tpu.memory_space<hbm>> -> memref<512xf32, #tpu.memory_space<hbm>>
    %dma_start3A_191 = arith.constant 11776 : i32
    %dma_start3A_192 = tpu.memref_slice %arg5[%dma_start3A_191] : memref<16384xf32, #tpu.memory_space<vmem>> -> memref<512xf32, #tpu.memory_space<vmem>>
    %dma_start3A_193 = tpu.memref_slice %arg2[%add3A_187] : memref<524288xf32, #tpu.memory_space<hbm>> -> memref<512xf32, #tpu.memory_space<hbm>>
    tpu.enqueue_dma source(%dma_start3A_193 : memref<512xf32, #tpu.memory_space<hbm>>) target(%dma_start3A_192 : memref<512xf32, #tpu.memory_space<vmem>>) target_semaphore(%arg9 : memref<!tpu.dma_semaphore, #tpu.memory_space<semaphore_mem>>)
    %add3A_194 = arith.constant 393216 : i32
    %add3A_195 = arith.addi %add3A_194, %mul3A_2 : i32
    %dma_start3A_196 = arith.constant 12288 : i32
    %dma_start3A_197 = tpu.memref_slice %arg5[%dma_start3A_196] : memref<16384xf32, #tpu.memory_space<vmem>> -> memref<512xf32, #tpu.memory_space<vmem>>
    %dma_start3A_198 = tpu.memref_slice %arg2[%add3A_195] : memref<524288xf32, #tpu.memory_space<hbm>> -> memref<512xf32, #tpu.memory_space<hbm>>
    %dma_start3A_199 = arith.constant 12288 : i32
    %dma_start3A_200 = tpu.memref_slice %arg5[%dma_start3A_199] : memref<16384xf32, #tpu.memory_space<vmem>> -> memref<512xf32, #tpu.memory_space<vmem>>
    %dma_start3A_201 = tpu.memref_slice %arg2[%add3A_195] : memref<524288xf32, #tpu.memory_space<hbm>> -> memref<512xf32, #tpu.memory_space<hbm>>
    tpu.enqueue_dma source(%dma_start3A_201 : memref<512xf32, #tpu.memory_space<hbm>>) target(%dma_start3A_200 : memref<512xf32, #tpu.memory_space<vmem>>) target_semaphore(%arg9 : memref<!tpu.dma_semaphore, #tpu.memory_space<semaphore_mem>>)
    %add3A_202 = arith.constant 409600 : i32
    %add3A_203 = arith.addi %add3A_202, %mul3A_2 : i32
    %dma_start3A_204 = arith.constant 12800 : i32
    %dma_start3A_205 = tpu.memref_slice %arg5[%dma_start3A_204] : memref<16384xf32, #tpu.memory_space<vmem>> -> memref<512xf32, #tpu.memory_space<vmem>>
    %dma_start3A_206 = tpu.memref_slice %arg2[%add3A_203] : memref<524288xf32, #tpu.memory_space<hbm>> -> memref<512xf32, #tpu.memory_space<hbm>>
    %dma_start3A_207 = arith.constant 12800 : i32
    %dma_start3A_208 = tpu.memref_slice %arg5[%dma_start3A_207] : memref<16384xf32, #tpu.memory_space<vmem>> -> memref<512xf32, #tpu.memory_space<vmem>>
    %dma_start3A_209 = tpu.memref_slice %arg2[%add3A_203] : memref<524288xf32, #tpu.memory_space<hbm>> -> memref<512xf32, #tpu.memory_space<hbm>>
    tpu.enqueue_dma source(%dma_start3A_209 : memref<512xf32, #tpu.memory_space<hbm>>) target(%dma_start3A_208 : memref<512xf32, #tpu.memory_space<vmem>>) target_semaphore(%arg9 : memref<!tpu.dma_semaphore, #tpu.memory_space<semaphore_mem>>)
    %add3A_210 = arith.constant 425984 : i32
    %add3A_211 = arith.addi %add3A_210, %mul3A_2 : i32
    %dma_start3A_212 = arith.constant 13312 : i32
    %dma_start3A_213 = tpu.memref_slice %arg5[%dma_start3A_212] : memref<16384xf32, #tpu.memory_space<vmem>> -> memref<512xf32, #tpu.memory_space<vmem>>
    %dma_start3A_214 = tpu.memref_slice %arg2[%add3A_211] : memref<524288xf32, #tpu.memory_space<hbm>> -> memref<512xf32, #tpu.memory_space<hbm>>
    %dma_start3A_215 = arith.constant 13312 : i32
    %dma_start3A_216 = tpu.memref_slice %arg5[%dma_start3A_215] : memref<16384xf32, #tpu.memory_space<vmem>> -> memref<512xf32, #tpu.memory_space<vmem>>
    %dma_start3A_217 = tpu.memref_slice %arg2[%add3A_211] : memref<524288xf32, #tpu.memory_space<hbm>> -> memref<512xf32, #tpu.memory_space<hbm>>
    tpu.enqueue_dma source(%dma_start3A_217 : memref<512xf32, #tpu.memory_space<hbm>>) target(%dma_start3A_216 : memref<512xf32, #tpu.memory_space<vmem>>) target_semaphore(%arg9 : memref<!tpu.dma_semaphore, #tpu.memory_space<semaphore_mem>>)
    %add3A_218 = arith.constant 442368 : i32
    %add3A_219 = arith.addi %add3A_218, %mul3A_2 : i32
    %dma_start3A_220 = arith.constant 13824 : i32
    %dma_start3A_221 = tpu.memref_slice %arg5[%dma_start3A_220] : memref<16384xf32, #tpu.memory_space<vmem>> -> memref<512xf32, #tpu.memory_space<vmem>>
    %dma_start3A_222 = tpu.memref_slice %arg2[%add3A_219] : memref<524288xf32, #tpu.memory_space<hbm>> -> memref<512xf32, #tpu.memory_space<hbm>>
    %dma_start3A_223 = arith.constant 13824 : i32
    %dma_start3A_224 = tpu.memref_slice %arg5[%dma_start3A_223] : memref<16384xf32, #tpu.memory_space<vmem>> -> memref<512xf32, #tpu.memory_space<vmem>>
    %dma_start3A_225 = tpu.memref_slice %arg2[%add3A_219] : memref<524288xf32, #tpu.memory_space<hbm>> -> memref<512xf32, #tpu.memory_space<hbm>>
    tpu.enqueue_dma source(%dma_start3A_225 : memref<512xf32, #tpu.memory_space<hbm>>) target(%dma_start3A_224 : memref<512xf32, #tpu.memory_space<vmem>>) target_semaphore(%arg9 : memref<!tpu.dma_semaphore, #tpu.memory_space<semaphore_mem>>)
    %add3A_226 = arith.constant 458752 : i32
    %add3A_227 = arith.addi %add3A_226, %mul3A_2 : i32
    %dma_start3A_228 = arith.constant 14336 : i32
    %dma_start3A_229 = tpu.memref_slice %arg5[%dma_start3A_228] : memref<16384xf32, #tpu.memory_space<vmem>> -> memref<512xf32, #tpu.memory_space<vmem>>
    %dma_start3A_230 = tpu.memref_slice %arg2[%add3A_227] : memref<524288xf32, #tpu.memory_space<hbm>> -> memref<512xf32, #tpu.memory_space<hbm>>
    %dma_start3A_231 = arith.constant 14336 : i32
    %dma_start3A_232 = tpu.memref_slice %arg5[%dma_start3A_231] : memref<16384xf32, #tpu.memory_space<vmem>> -> memref<512xf32, #tpu.memory_space<vmem>>
    %dma_start3A_233 = tpu.memref_slice %arg2[%add3A_227] : memref<524288xf32, #tpu.memory_space<hbm>> -> memref<512xf32, #tpu.memory_space<hbm>>
    tpu.enqueue_dma source(%dma_start3A_233 : memref<512xf32, #tpu.memory_space<hbm>>) target(%dma_start3A_232 : memref<512xf32, #tpu.memory_space<vmem>>) target_semaphore(%arg9 : memref<!tpu.dma_semaphore, #tpu.memory_space<semaphore_mem>>)
    %add3A_234 = arith.constant 475136 : i32
    %add3A_235 = arith.addi %add3A_234, %mul3A_2 : i32
    %dma_start3A_236 = arith.constant 14848 : i32
    %dma_start3A_237 = tpu.memref_slice %arg5[%dma_start3A_236] : memref<16384xf32, #tpu.memory_space<vmem>> -> memref<512xf32, #tpu.memory_space<vmem>>
    %dma_start3A_238 = tpu.memref_slice %arg2[%add3A_235] : memref<524288xf32, #tpu.memory_space<hbm>> -> memref<512xf32, #tpu.memory_space<hbm>>
    %dma_start3A_239 = arith.constant 14848 : i32
    %dma_start3A_240 = tpu.memref_slice %arg5[%dma_start3A_239] : memref<16384xf32, #tpu.memory_space<vmem>> -> memref<512xf32, #tpu.memory_space<vmem>>
    %dma_start3A_241 = tpu.memref_slice %arg2[%add3A_235] : memref<524288xf32, #tpu.memory_space<hbm>> -> memref<512xf32, #tpu.memory_space<hbm>>
    tpu.enqueue_dma source(%dma_start3A_241 : memref<512xf32, #tpu.memory_space<hbm>>) target(%dma_start3A_240 : memref<512xf32, #tpu.memory_space<vmem>>) target_semaphore(%arg9 : memref<!tpu.dma_semaphore, #tpu.memory_space<semaphore_mem>>)
    %add3A_242 = arith.constant 491520 : i32
    %add3A_243 = arith.addi %add3A_242, %mul3A_2 : i32
    %dma_start3A_244 = arith.constant 15360 : i32
    %dma_start3A_245 = tpu.memref_slice %arg5[%dma_start3A_244] : memref<16384xf32, #tpu.memory_space<vmem>> -> memref<512xf32, #tpu.memory_space<vmem>>
    %dma_start3A_246 = tpu.memref_slice %arg2[%add3A_243] : memref<524288xf32, #tpu.memory_space<hbm>> -> memref<512xf32, #tpu.memory_space<hbm>>
    %dma_start3A_247 = arith.constant 15360 : i32
    %dma_start3A_248 = tpu.memref_slice %arg5[%dma_start3A_247] : memref<16384xf32, #tpu.memory_space<vmem>> -> memref<512xf32, #tpu.memory_space<vmem>>
    %dma_start3A_249 = tpu.memref_slice %arg2[%add3A_243] : memref<524288xf32, #tpu.memory_space<hbm>> -> memref<512xf32, #tpu.memory_space<hbm>>
    tpu.enqueue_dma source(%dma_start3A_249 : memref<512xf32, #tpu.memory_space<hbm>>) target(%dma_start3A_248 : memref<512xf32, #tpu.memory_space<vmem>>) target_semaphore(%arg9 : memref<!tpu.dma_semaphore, #tpu.memory_space<semaphore_mem>>)
    %add3A_250 = arith.constant 507904 : i32
    %add3A_251 = arith.addi %add3A_250, %mul3A_2 : i32
    %dma_start3A_252 = arith.constant 15872 : i32
    %dma_start3A_253 = tpu.memref_slice %arg5[%dma_start3A_252] : memref<16384xf32, #tpu.memory_space<vmem>> -> memref<512xf32, #tpu.memory_space<vmem>>
    %dma_start3A_254 = tpu.memref_slice %arg2[%add3A_251] : memref<524288xf32, #tpu.memory_space<hbm>> -> memref<512xf32, #tpu.memory_space<hbm>>
    %dma_start3A_255 = arith.constant 15872 : i32
    %dma_start3A_256 = tpu.memref_slice %arg5[%dma_start3A_255] : memref<16384xf32, #tpu.memory_space<vmem>> -> memref<512xf32, #tpu.memory_space<vmem>>
    %dma_start3A_257 = tpu.memref_slice %arg2[%add3A_251] : memref<524288xf32, #tpu.memory_space<hbm>> -> memref<512xf32, #tpu.memory_space<hbm>>
    tpu.enqueue_dma source(%dma_start3A_257 : memref<512xf32, #tpu.memory_space<hbm>>) target(%dma_start3A_256 : memref<512xf32, #tpu.memory_space<vmem>>) target_semaphore(%arg9 : memref<!tpu.dma_semaphore, #tpu.memory_space<semaphore_mem>>)
    %add3A_258 = arith.constant 0 : i32
    %add3A_259 = arith.addi %add3A_258, %mul3A_2 : i32
    %dma_start3A_260 = arith.constant 0 : i32
    %dma_start3A_261 = tpu.memref_slice %arg6[%dma_start3A_260] : memref<16384xf32, #tpu.memory_space<vmem>> -> memref<512xf32, #tpu.memory_space<vmem>>
    %dma_start3A_262 = tpu.memref_slice %arg3[%add3A_259] : memref<524288xf32, #tpu.memory_space<hbm>> -> memref<512xf32, #tpu.memory_space<hbm>>
    %dma_start3A_263 = arith.constant 0 : i32
    %dma_start3A_264 = tpu.memref_slice %arg6[%dma_start3A_263] : memref<16384xf32, #tpu.memory_space<vmem>> -> memref<512xf32, #tpu.memory_space<vmem>>
    %dma_start3A_265 = tpu.memref_slice %arg3[%add3A_259] : memref<524288xf32, #tpu.memory_space<hbm>> -> memref<512xf32, #tpu.memory_space<hbm>>
    tpu.enqueue_dma source(%dma_start3A_265 : memref<512xf32, #tpu.memory_space<hbm>>) target(%dma_start3A_264 : memref<512xf32, #tpu.memory_space<vmem>>) target_semaphore(%arg10 : memref<!tpu.dma_semaphore, #tpu.memory_space<semaphore_mem>>)
    %add3A_266 = arith.constant 16384 : i32
    %add3A_267 = arith.addi %add3A_266, %mul3A_2 : i32
    %dma_start3A_268 = arith.constant 512 : i32
    %dma_start3A_269 = tpu.memref_slice %arg6[%dma_start3A_268] : memref<16384xf32, #tpu.memory_space<vmem>> -> memref<512xf32, #tpu.memory_space<vmem>>
    %dma_start3A_270 = tpu.memref_slice %arg3[%add3A_267] : memref<524288xf32, #tpu.memory_space<hbm>> -> memref<512xf32, #tpu.memory_space<hbm>>
    %dma_start3A_271 = arith.constant 512 : i32
    %dma_start3A_272 = tpu.memref_slice %arg6[%dma_start3A_271] : memref<16384xf32, #tpu.memory_space<vmem>> -> memref<512xf32, #tpu.memory_space<vmem>>
    %dma_start3A_273 = tpu.memref_slice %arg3[%add3A_267] : memref<524288xf32, #tpu.memory_space<hbm>> -> memref<512xf32, #tpu.memory_space<hbm>>
    tpu.enqueue_dma source(%dma_start3A_273 : memref<512xf32, #tpu.memory_space<hbm>>) target(%dma_start3A_272 : memref<512xf32, #tpu.memory_space<vmem>>) target_semaphore(%arg10 : memref<!tpu.dma_semaphore, #tpu.memory_space<semaphore_mem>>)
    %add3A_274 = arith.constant 32768 : i32
    %add3A_275 = arith.addi %add3A_274, %mul3A_2 : i32
    %dma_start3A_276 = arith.constant 1024 : i32
    %dma_start3A_277 = tpu.memref_slice %arg6[%dma_start3A_276] : memref<16384xf32, #tpu.memory_space<vmem>> -> memref<512xf32, #tpu.memory_space<vmem>>
    %dma_start3A_278 = tpu.memref_slice %arg3[%add3A_275] : memref<524288xf32, #tpu.memory_space<hbm>> -> memref<512xf32, #tpu.memory_space<hbm>>
    %dma_start3A_279 = arith.constant 1024 : i32
    %dma_start3A_280 = tpu.memref_slice %arg6[%dma_start3A_279] : memref<16384xf32, #tpu.memory_space<vmem>> -> memref<512xf32, #tpu.memory_space<vmem>>
    %dma_start3A_281 = tpu.memref_slice %arg3[%add3A_275] : memref<524288xf32, #tpu.memory_space<hbm>> -> memref<512xf32, #tpu.memory_space<hbm>>
    tpu.enqueue_dma source(%dma_start3A_281 : memref<512xf32, #tpu.memory_space<hbm>>) target(%dma_start3A_280 : memref<512xf32, #tpu.memory_space<vmem>>) target_semaphore(%arg10 : memref<!tpu.dma_semaphore, #tpu.memory_space<semaphore_mem>>)
    %add3A_282 = arith.constant 49152 : i32
    %add3A_283 = arith.addi %add3A_282, %mul3A_2 : i32
    %dma_start3A_284 = arith.constant 1536 : i32
    %dma_start3A_285 = tpu.memref_slice %arg6[%dma_start3A_284] : memref<16384xf32, #tpu.memory_space<vmem>> -> memref<512xf32, #tpu.memory_space<vmem>>
    %dma_start3A_286 = tpu.memref_slice %arg3[%add3A_283] : memref<524288xf32, #tpu.memory_space<hbm>> -> memref<512xf32, #tpu.memory_space<hbm>>
    %dma_start3A_287 = arith.constant 1536 : i32
    %dma_start3A_288 = tpu.memref_slice %arg6[%dma_start3A_287] : memref<16384xf32, #tpu.memory_space<vmem>> -> memref<512xf32, #tpu.memory_space<vmem>>
    %dma_start3A_289 = tpu.memref_slice %arg3[%add3A_283] : memref<524288xf32, #tpu.memory_space<hbm>> -> memref<512xf32, #tpu.memory_space<hbm>>
    tpu.enqueue_dma source(%dma_start3A_289 : memref<512xf32, #tpu.memory_space<hbm>>) target(%dma_start3A_288 : memref<512xf32, #tpu.memory_space<vmem>>) target_semaphore(%arg10 : memref<!tpu.dma_semaphore, #tpu.memory_space<semaphore_mem>>)
    %add3A_290 = arith.constant 65536 : i32
    %add3A_291 = arith.addi %add3A_290, %mul3A_2 : i32
    %dma_start3A_292 = arith.constant 2048 : i32
    %dma_start3A_293 = tpu.memref_slice %arg6[%dma_start3A_292] : memref<16384xf32, #tpu.memory_space<vmem>> -> memref<512xf32, #tpu.memory_space<vmem>>
    %dma_start3A_294 = tpu.memref_slice %arg3[%add3A_291] : memref<524288xf32, #tpu.memory_space<hbm>> -> memref<512xf32, #tpu.memory_space<hbm>>
    %dma_start3A_295 = arith.constant 2048 : i32
    %dma_start3A_296 = tpu.memref_slice %arg6[%dma_start3A_295] : memref<16384xf32, #tpu.memory_space<vmem>> -> memref<512xf32, #tpu.memory_space<vmem>>
    %dma_start3A_297 = tpu.memref_slice %arg3[%add3A_291] : memref<524288xf32, #tpu.memory_space<hbm>> -> memref<512xf32, #tpu.memory_space<hbm>>
    tpu.enqueue_dma source(%dma_start3A_297 : memref<512xf32, #tpu.memory_space<hbm>>) target(%dma_start3A_296 : memref<512xf32, #tpu.memory_space<vmem>>) target_semaphore(%arg10 : memref<!tpu.dma_semaphore, #tpu.memory_space<semaphore_mem>>)
    %add3A_298 = arith.constant 81920 : i32
    %add3A_299 = arith.addi %add3A_298, %mul3A_2 : i32
    %dma_start3A_300 = arith.constant 2560 : i32
    %dma_start3A_301 = tpu.memref_slice %arg6[%dma_start3A_300] : memref<16384xf32, #tpu.memory_space<vmem>> -> memref<512xf32, #tpu.memory_space<vmem>>
    %dma_start3A_302 = tpu.memref_slice %arg3[%add3A_299] : memref<524288xf32, #tpu.memory_space<hbm>> -> memref<512xf32, #tpu.memory_space<hbm>>
    %dma_start3A_303 = arith.constant 2560 : i32
    %dma_start3A_304 = tpu.memref_slice %arg6[%dma_start3A_303] : memref<16384xf32, #tpu.memory_space<vmem>> -> memref<512xf32, #tpu.memory_space<vmem>>
    %dma_start3A_305 = tpu.memref_slice %arg3[%add3A_299] : memref<524288xf32, #tpu.memory_space<hbm>> -> memref<512xf32, #tpu.memory_space<hbm>>
    tpu.enqueue_dma source(%dma_start3A_305 : memref<512xf32, #tpu.memory_space<hbm>>) target(%dma_start3A_304 : memref<512xf32, #tpu.memory_space<vmem>>) target_semaphore(%arg10 : memref<!tpu.dma_semaphore, #tpu.memory_space<semaphore_mem>>)
    %add3A_306 = arith.constant 98304 : i32
    %add3A_307 = arith.addi %add3A_306, %mul3A_2 : i32
    %dma_start3A_308 = arith.constant 3072 : i32
    %dma_start3A_309 = tpu.memref_slice %arg6[%dma_start3A_308] : memref<16384xf32, #tpu.memory_space<vmem>> -> memref<512xf32, #tpu.memory_space<vmem>>
    %dma_start3A_310 = tpu.memref_slice %arg3[%add3A_307] : memref<524288xf32, #tpu.memory_space<hbm>> -> memref<512xf32, #tpu.memory_space<hbm>>
    %dma_start3A_311 = arith.constant 3072 : i32
    %dma_start3A_312 = tpu.memref_slice %arg6[%dma_start3A_311] : memref<16384xf32, #tpu.memory_space<vmem>> -> memref<512xf32, #tpu.memory_space<vmem>>
    %dma_start3A_313 = tpu.memref_slice %arg3[%add3A_307] : memref<524288xf32, #tpu.memory_space<hbm>> -> memref<512xf32, #tpu.memory_space<hbm>>
    tpu.enqueue_dma source(%dma_start3A_313 : memref<512xf32, #tpu.memory_space<hbm>>) target(%dma_start3A_312 : memref<512xf32, #tpu.memory_space<vmem>>) target_semaphore(%arg10 : memref<!tpu.dma_semaphore, #tpu.memory_space<semaphore_mem>>)
    %add3A_314 = arith.constant 114688 : i32
    %add3A_315 = arith.addi %add3A_314, %mul3A_2 : i32
    %dma_start3A_316 = arith.constant 3584 : i32
    %dma_start3A_317 = tpu.memref_slice %arg6[%dma_start3A_316] : memref<16384xf32, #tpu.memory_space<vmem>> -> memref<512xf32, #tpu.memory_space<vmem>>
    %dma_start3A_318 = tpu.memref_slice %arg3[%add3A_315] : memref<524288xf32, #tpu.memory_space<hbm>> -> memref<512xf32, #tpu.memory_space<hbm>>
    %dma_start3A_319 = arith.constant 3584 : i32
    %dma_start3A_320 = tpu.memref_slice %arg6[%dma_start3A_319] : memref<16384xf32, #tpu.memory_space<vmem>> -> memref<512xf32, #tpu.memory_space<vmem>>
    %dma_start3A_321 = tpu.memref_slice %arg3[%add3A_315] : memref<524288xf32, #tpu.memory_space<hbm>> -> memref<512xf32, #tpu.memory_space<hbm>>
    tpu.enqueue_dma source(%dma_start3A_321 : memref<512xf32, #tpu.memory_space<hbm>>) target(%dma_start3A_320 : memref<512xf32, #tpu.memory_space<vmem>>) target_semaphore(%arg10 : memref<!tpu.dma_semaphore, #tpu.memory_space<semaphore_mem>>)
    %add3A_322 = arith.constant 131072 : i32
    %add3A_323 = arith.addi %add3A_322, %mul3A_2 : i32
    %dma_start3A_324 = arith.constant 4096 : i32
    %dma_start3A_325 = tpu.memref_slice %arg6[%dma_start3A_324] : memref<16384xf32, #tpu.memory_space<vmem>> -> memref<512xf32, #tpu.memory_space<vmem>>
    %dma_start3A_326 = tpu.memref_slice %arg3[%add3A_323] : memref<524288xf32, #tpu.memory_space<hbm>> -> memref<512xf32, #tpu.memory_space<hbm>>
    %dma_start3A_327 = arith.constant 4096 : i32
    %dma_start3A_328 = tpu.memref_slice %arg6[%dma_start3A_327] : memref<16384xf32, #tpu.memory_space<vmem>> -> memref<512xf32, #tpu.memory_space<vmem>>
    %dma_start3A_329 = tpu.memref_slice %arg3[%add3A_323] : memref<524288xf32, #tpu.memory_space<hbm>> -> memref<512xf32, #tpu.memory_space<hbm>>
    tpu.enqueue_dma source(%dma_start3A_329 : memref<512xf32, #tpu.memory_space<hbm>>) target(%dma_start3A_328 : memref<512xf32, #tpu.memory_space<vmem>>) target_semaphore(%arg10 : memref<!tpu.dma_semaphore, #tpu.memory_space<semaphore_mem>>)
    %add3A_330 = arith.constant 147456 : i32
    %add3A_331 = arith.addi %add3A_330, %mul3A_2 : i32
    %dma_start3A_332 = arith.constant 4608 : i32
    %dma_start3A_333 = tpu.memref_slice %arg6[%dma_start3A_332] : memref<16384xf32, #tpu.memory_space<vmem>> -> memref<512xf32, #tpu.memory_space<vmem>>
    %dma_start3A_334 = tpu.memref_slice %arg3[%add3A_331] : memref<524288xf32, #tpu.memory_space<hbm>> -> memref<512xf32, #tpu.memory_space<hbm>>
    %dma_start3A_335 = arith.constant 4608 : i32
    %dma_start3A_336 = tpu.memref_slice %arg6[%dma_start3A_335] : memref<16384xf32, #tpu.memory_space<vmem>> -> memref<512xf32, #tpu.memory_space<vmem>>
    %dma_start3A_337 = tpu.memref_slice %arg3[%add3A_331] : memref<524288xf32, #tpu.memory_space<hbm>> -> memref<512xf32, #tpu.memory_space<hbm>>
    tpu.enqueue_dma source(%dma_start3A_337 : memref<512xf32, #tpu.memory_space<hbm>>) target(%dma_start3A_336 : memref<512xf32, #tpu.memory_space<vmem>>) target_semaphore(%arg10 : memref<!tpu.dma_semaphore, #tpu.memory_space<semaphore_mem>>)
    %add3A_338 = arith.constant 163840 : i32
    %add3A_339 = arith.addi %add3A_338, %mul3A_2 : i32
    %dma_start3A_340 = arith.constant 5120 : i32
    %dma_start3A_341 = tpu.memref_slice %arg6[%dma_start3A_340] : memref<16384xf32, #tpu.memory_space<vmem>> -> memref<512xf32, #tpu.memory_space<vmem>>
    %dma_start3A_342 = tpu.memref_slice %arg3[%add3A_339] : memref<524288xf32, #tpu.memory_space<hbm>> -> memref<512xf32, #tpu.memory_space<hbm>>
    %dma_start3A_343 = arith.constant 5120 : i32
    %dma_start3A_344 = tpu.memref_slice %arg6[%dma_start3A_343] : memref<16384xf32, #tpu.memory_space<vmem>> -> memref<512xf32, #tpu.memory_space<vmem>>
    %dma_start3A_345 = tpu.memref_slice %arg3[%add3A_339] : memref<524288xf32, #tpu.memory_space<hbm>> -> memref<512xf32, #tpu.memory_space<hbm>>
    tpu.enqueue_dma source(%dma_start3A_345 : memref<512xf32, #tpu.memory_space<hbm>>) target(%dma_start3A_344 : memref<512xf32, #tpu.memory_space<vmem>>) target_semaphore(%arg10 : memref<!tpu.dma_semaphore, #tpu.memory_space<semaphore_mem>>)
    %add3A_346 = arith.constant 180224 : i32
    %add3A_347 = arith.addi %add3A_346, %mul3A_2 : i32
    %dma_start3A_348 = arith.constant 5632 : i32
    %dma_start3A_349 = tpu.memref_slice %arg6[%dma_start3A_348] : memref<16384xf32, #tpu.memory_space<vmem>> -> memref<512xf32, #tpu.memory_space<vmem>>
    %dma_start3A_350 = tpu.memref_slice %arg3[%add3A_347] : memref<524288xf32, #tpu.memory_space<hbm>> -> memref<512xf32, #tpu.memory_space<hbm>>
    %dma_start3A_351 = arith.constant 5632 : i32
    %dma_start3A_352 = tpu.memref_slice %arg6[%dma_start3A_351] : memref<16384xf32, #tpu.memory_space<vmem>> -> memref<512xf32, #tpu.memory_space<vmem>>
    %dma_start3A_353 = tpu.memref_slice %arg3[%add3A_347] : memref<524288xf32, #tpu.memory_space<hbm>> -> memref<512xf32, #tpu.memory_space<hbm>>
    tpu.enqueue_dma source(%dma_start3A_353 : memref<512xf32, #tpu.memory_space<hbm>>) target(%dma_start3A_352 : memref<512xf32, #tpu.memory_space<vmem>>) target_semaphore(%arg10 : memref<!tpu.dma_semaphore, #tpu.memory_space<semaphore_mem>>)
    %add3A_354 = arith.constant 196608 : i32
    %add3A_355 = arith.addi %add3A_354, %mul3A_2 : i32
    %dma_start3A_356 = arith.constant 6144 : i32
    %dma_start3A_357 = tpu.memref_slice %arg6[%dma_start3A_356] : memref<16384xf32, #tpu.memory_space<vmem>> -> memref<512xf32, #tpu.memory_space<vmem>>
    %dma_start3A_358 = tpu.memref_slice %arg3[%add3A_355] : memref<524288xf32, #tpu.memory_space<hbm>> -> memref<512xf32, #tpu.memory_space<hbm>>
    %dma_start3A_359 = arith.constant 6144 : i32
    %dma_start3A_360 = tpu.memref_slice %arg6[%dma_start3A_359] : memref<16384xf32, #tpu.memory_space<vmem>> -> memref<512xf32, #tpu.memory_space<vmem>>
    %dma_start3A_361 = tpu.memref_slice %arg3[%add3A_355] : memref<524288xf32, #tpu.memory_space<hbm>> -> memref<512xf32, #tpu.memory_space<hbm>>
    tpu.enqueue_dma source(%dma_start3A_361 : memref<512xf32, #tpu.memory_space<hbm>>) target(%dma_start3A_360 : memref<512xf32, #tpu.memory_space<vmem>>) target_semaphore(%arg10 : memref<!tpu.dma_semaphore, #tpu.memory_space<semaphore_mem>>)
    %add3A_362 = arith.constant 212992 : i32
    %add3A_363 = arith.addi %add3A_362, %mul3A_2 : i32
    %dma_start3A_364 = arith.constant 6656 : i32
    %dma_start3A_365 = tpu.memref_slice %arg6[%dma_start3A_364] : memref<16384xf32, #tpu.memory_space<vmem>> -> memref<512xf32, #tpu.memory_space<vmem>>
    %dma_start3A_366 = tpu.memref_slice %arg3[%add3A_363] : memref<524288xf32, #tpu.memory_space<hbm>> -> memref<512xf32, #tpu.memory_space<hbm>>
    %dma_start3A_367 = arith.constant 6656 : i32
    %dma_start3A_368 = tpu.memref_slice %arg6[%dma_start3A_367] : memref<16384xf32, #tpu.memory_space<vmem>> -> memref<512xf32, #tpu.memory_space<vmem>>
    %dma_start3A_369 = tpu.memref_slice %arg3[%add3A_363] : memref<524288xf32, #tpu.memory_space<hbm>> -> memref<512xf32, #tpu.memory_space<hbm>>
    tpu.enqueue_dma source(%dma_start3A_369 : memref<512xf32, #tpu.memory_space<hbm>>) target(%dma_start3A_368 : memref<512xf32, #tpu.memory_space<vmem>>) target_semaphore(%arg10 : memref<!tpu.dma_semaphore, #tpu.memory_space<semaphore_mem>>)
    %add3A_370 = arith.constant 229376 : i32
    %add3A_371 = arith.addi %add3A_370, %mul3A_2 : i32
    %dma_start3A_372 = arith.constant 7168 : i32
    %dma_start3A_373 = tpu.memref_slice %arg6[%dma_start3A_372] : memref<16384xf32, #tpu.memory_space<vmem>> -> memref<512xf32, #tpu.memory_space<vmem>>
    %dma_start3A_374 = tpu.memref_slice %arg3[%add3A_371] : memref<524288xf32, #tpu.memory_space<hbm>> -> memref<512xf32, #tpu.memory_space<hbm>>
    %dma_start3A_375 = arith.constant 7168 : i32
    %dma_start3A_376 = tpu.memref_slice %arg6[%dma_start3A_375] : memref<16384xf32, #tpu.memory_space<vmem>> -> memref<512xf32, #tpu.memory_space<vmem>>
    %dma_start3A_377 = tpu.memref_slice %arg3[%add3A_371] : memref<524288xf32, #tpu.memory_space<hbm>> -> memref<512xf32, #tpu.memory_space<hbm>>
    tpu.enqueue_dma source(%dma_start3A_377 : memref<512xf32, #tpu.memory_space<hbm>>) target(%dma_start3A_376 : memref<512xf32, #tpu.memory_space<vmem>>) target_semaphore(%arg10 : memref<!tpu.dma_semaphore, #tpu.memory_space<semaphore_mem>>)
    %add3A_378 = arith.constant 245760 : i32
    %add3A_379 = arith.addi %add3A_378, %mul3A_2 : i32
    %dma_start3A_380 = arith.constant 7680 : i32
    %dma_start3A_381 = tpu.memref_slice %arg6[%dma_start3A_380] : memref<16384xf32, #tpu.memory_space<vmem>> -> memref<512xf32, #tpu.memory_space<vmem>>
    %dma_start3A_382 = tpu.memref_slice %arg3[%add3A_379] : memref<524288xf32, #tpu.memory_space<hbm>> -> memref<512xf32, #tpu.memory_space<hbm>>
    %dma_start3A_383 = arith.constant 7680 : i32
    %dma_start3A_384 = tpu.memref_slice %arg6[%dma_start3A_383] : memref<16384xf32, #tpu.memory_space<vmem>> -> memref<512xf32, #tpu.memory_space<vmem>>
    %dma_start3A_385 = tpu.memref_slice %arg3[%add3A_379] : memref<524288xf32, #tpu.memory_space<hbm>> -> memref<512xf32, #tpu.memory_space<hbm>>
    tpu.enqueue_dma source(%dma_start3A_385 : memref<512xf32, #tpu.memory_space<hbm>>) target(%dma_start3A_384 : memref<512xf32, #tpu.memory_space<vmem>>) target_semaphore(%arg10 : memref<!tpu.dma_semaphore, #tpu.memory_space<semaphore_mem>>)
    %add3A_386 = arith.constant 262144 : i32
    %add3A_387 = arith.addi %add3A_386, %mul3A_2 : i32
    %dma_start3A_388 = arith.constant 8192 : i32
    %dma_start3A_389 = tpu.memref_slice %arg6[%dma_start3A_388] : memref<16384xf32, #tpu.memory_space<vmem>> -> memref<512xf32, #tpu.memory_space<vmem>>
    %dma_start3A_390 = tpu.memref_slice %arg3[%add3A_387] : memref<524288xf32, #tpu.memory_space<hbm>> -> memref<512xf32, #tpu.memory_space<hbm>>
    %dma_start3A_391 = arith.constant 8192 : i32
    %dma_start3A_392 = tpu.memref_slice %arg6[%dma_start3A_391] : memref<16384xf32, #tpu.memory_space<vmem>> -> memref<512xf32, #tpu.memory_space<vmem>>
    %dma_start3A_393 = tpu.memref_slice %arg3[%add3A_387] : memref<524288xf32, #tpu.memory_space<hbm>> -> memref<512xf32, #tpu.memory_space<hbm>>
    tpu.enqueue_dma source(%dma_start3A_393 : memref<512xf32, #tpu.memory_space<hbm>>) target(%dma_start3A_392 : memref<512xf32, #tpu.memory_space<vmem>>) target_semaphore(%arg10 : memref<!tpu.dma_semaphore, #tpu.memory_space<semaphore_mem>>)
    %add3A_394 = arith.constant 278528 : i32
    %add3A_395 = arith.addi %add3A_394, %mul3A_2 : i32
    %dma_start3A_396 = arith.constant 8704 : i32
    %dma_start3A_397 = tpu.memref_slice %arg6[%dma_start3A_396] : memref<16384xf32, #tpu.memory_space<vmem>> -> memref<512xf32, #tpu.memory_space<vmem>>
    %dma_start3A_398 = tpu.memref_slice %arg3[%add3A_395] : memref<524288xf32, #tpu.memory_space<hbm>> -> memref<512xf32, #tpu.memory_space<hbm>>
    %dma_start3A_399 = arith.constant 8704 : i32
    %dma_start3A_400 = tpu.memref_slice %arg6[%dma_start3A_399] : memref<16384xf32, #tpu.memory_space<vmem>> -> memref<512xf32, #tpu.memory_space<vmem>>
    %dma_start3A_401 = tpu.memref_slice %arg3[%add3A_395] : memref<524288xf32, #tpu.memory_space<hbm>> -> memref<512xf32, #tpu.memory_space<hbm>>
    tpu.enqueue_dma source(%dma_start3A_401 : memref<512xf32, #tpu.memory_space<hbm>>) target(%dma_start3A_400 : memref<512xf32, #tpu.memory_space<vmem>>) target_semaphore(%arg10 : memref<!tpu.dma_semaphore, #tpu.memory_space<semaphore_mem>>)
    %add3A_402 = arith.constant 294912 : i32
    %add3A_403 = arith.addi %add3A_402, %mul3A_2 : i32
    %dma_start3A_404 = arith.constant 9216 : i32
    %dma_start3A_405 = tpu.memref_slice %arg6[%dma_start3A_404] : memref<16384xf32, #tpu.memory_space<vmem>> -> memref<512xf32, #tpu.memory_space<vmem>>
    %dma_start3A_406 = tpu.memref_slice %arg3[%add3A_403] : memref<524288xf32, #tpu.memory_space<hbm>> -> memref<512xf32, #tpu.memory_space<hbm>>
    %dma_start3A_407 = arith.constant 9216 : i32
    %dma_start3A_408 = tpu.memref_slice %arg6[%dma_start3A_407] : memref<16384xf32, #tpu.memory_space<vmem>> -> memref<512xf32, #tpu.memory_space<vmem>>
    %dma_start3A_409 = tpu.memref_slice %arg3[%add3A_403] : memref<524288xf32, #tpu.memory_space<hbm>> -> memref<512xf32, #tpu.memory_space<hbm>>
    tpu.enqueue_dma source(%dma_start3A_409 : memref<512xf32, #tpu.memory_space<hbm>>) target(%dma_start3A_408 : memref<512xf32, #tpu.memory_space<vmem>>) target_semaphore(%arg10 : memref<!tpu.dma_semaphore, #tpu.memory_space<semaphore_mem>>)
    %add3A_410 = arith.constant 311296 : i32
    %add3A_411 = arith.addi %add3A_410, %mul3A_2 : i32
    %dma_start3A_412 = arith.constant 9728 : i32
    %dma_start3A_413 = tpu.memref_slice %arg6[%dma_start3A_412] : memref<16384xf32, #tpu.memory_space<vmem>> -> memref<512xf32, #tpu.memory_space<vmem>>
    %dma_start3A_414 = tpu.memref_slice %arg3[%add3A_411] : memref<524288xf32, #tpu.memory_space<hbm>> -> memref<512xf32, #tpu.memory_space<hbm>>
    %dma_start3A_415 = arith.constant 9728 : i32
    %dma_start3A_416 = tpu.memref_slice %arg6[%dma_start3A_415] : memref<16384xf32, #tpu.memory_space<vmem>> -> memref<512xf32, #tpu.memory_space<vmem>>
    %dma_start3A_417 = tpu.memref_slice %arg3[%add3A_411] : memref<524288xf32, #tpu.memory_space<hbm>> -> memref<512xf32, #tpu.memory_space<hbm>>
    tpu.enqueue_dma source(%dma_start3A_417 : memref<512xf32, #tpu.memory_space<hbm>>) target(%dma_start3A_416 : memref<512xf32, #tpu.memory_space<vmem>>) target_semaphore(%arg10 : memref<!tpu.dma_semaphore, #tpu.memory_space<semaphore_mem>>)
    %add3A_418 = arith.constant 327680 : i32
    %add3A_419 = arith.addi %add3A_418, %mul3A_2 : i32
    %dma_start3A_420 = arith.constant 10240 : i32
    %dma_start3A_421 = tpu.memref_slice %arg6[%dma_start3A_420] : memref<16384xf32, #tpu.memory_space<vmem>> -> memref<512xf32, #tpu.memory_space<vmem>>
    %dma_start3A_422 = tpu.memref_slice %arg3[%add3A_419] : memref<524288xf32, #tpu.memory_space<hbm>> -> memref<512xf32, #tpu.memory_space<hbm>>
    %dma_start3A_423 = arith.constant 10240 : i32
    %dma_start3A_424 = tpu.memref_slice %arg6[%dma_start3A_423] : memref<16384xf32, #tpu.memory_space<vmem>> -> memref<512xf32, #tpu.memory_space<vmem>>
    %dma_start3A_425 = tpu.memref_slice %arg3[%add3A_419] : memref<524288xf32, #tpu.memory_space<hbm>> -> memref<512xf32, #tpu.memory_space<hbm>>
    tpu.enqueue_dma source(%dma_start3A_425 : memref<512xf32, #tpu.memory_space<hbm>>) target(%dma_start3A_424 : memref<512xf32, #tpu.memory_space<vmem>>) target_semaphore(%arg10 : memref<!tpu.dma_semaphore, #tpu.memory_space<semaphore_mem>>)
    %add3A_426 = arith.constant 344064 : i32
    %add3A_427 = arith.addi %add3A_426, %mul3A_2 : i32
    %dma_start3A_428 = arith.constant 10752 : i32
    %dma_start3A_429 = tpu.memref_slice %arg6[%dma_start3A_428] : memref<16384xf32, #tpu.memory_space<vmem>> -> memref<512xf32, #tpu.memory_space<vmem>>
    %dma_start3A_430 = tpu.memref_slice %arg3[%add3A_427] : memref<524288xf32, #tpu.memory_space<hbm>> -> memref<512xf32, #tpu.memory_space<hbm>>
    %dma_start3A_431 = arith.constant 10752 : i32
    %dma_start3A_432 = tpu.memref_slice %arg6[%dma_start3A_431] : memref<16384xf32, #tpu.memory_space<vmem>> -> memref<512xf32, #tpu.memory_space<vmem>>
    %dma_start3A_433 = tpu.memref_slice %arg3[%add3A_427] : memref<524288xf32, #tpu.memory_space<hbm>> -> memref<512xf32, #tpu.memory_space<hbm>>
    tpu.enqueue_dma source(%dma_start3A_433 : memref<512xf32, #tpu.memory_space<hbm>>) target(%dma_start3A_432 : memref<512xf32, #tpu.memory_space<vmem>>) target_semaphore(%arg10 : memref<!tpu.dma_semaphore, #tpu.memory_space<semaphore_mem>>)
    %add3A_434 = arith.constant 360448 : i32
    %add3A_435 = arith.addi %add3A_434, %mul3A_2 : i32
    %dma_start3A_436 = arith.constant 11264 : i32
    %dma_start3A_437 = tpu.memref_slice %arg6[%dma_start3A_436] : memref<16384xf32, #tpu.memory_space<vmem>> -> memref<512xf32, #tpu.memory_space<vmem>>
    %dma_start3A_438 = tpu.memref_slice %arg3[%add3A_435] : memref<524288xf32, #tpu.memory_space<hbm>> -> memref<512xf32, #tpu.memory_space<hbm>>
    %dma_start3A_439 = arith.constant 11264 : i32
    %dma_start3A_440 = tpu.memref_slice %arg6[%dma_start3A_439] : memref<16384xf32, #tpu.memory_space<vmem>> -> memref<512xf32, #tpu.memory_space<vmem>>
    %dma_start3A_441 = tpu.memref_slice %arg3[%add3A_435] : memref<524288xf32, #tpu.memory_space<hbm>> -> memref<512xf32, #tpu.memory_space<hbm>>
    tpu.enqueue_dma source(%dma_start3A_441 : memref<512xf32, #tpu.memory_space<hbm>>) target(%dma_start3A_440 : memref<512xf32, #tpu.memory_space<vmem>>) target_semaphore(%arg10 : memref<!tpu.dma_semaphore, #tpu.memory_space<semaphore_mem>>)
    %add3A_442 = arith.constant 376832 : i32
    %add3A_443 = arith.addi %add3A_442, %mul3A_2 : i32
    %dma_start3A_444 = arith.constant 11776 : i32
    %dma_start3A_445 = tpu.memref_slice %arg6[%dma_start3A_444] : memref<16384xf32, #tpu.memory_space<vmem>> -> memref<512xf32, #tpu.memory_space<vmem>>
    %dma_start3A_446 = tpu.memref_slice %arg3[%add3A_443] : memref<524288xf32, #tpu.memory_space<hbm>> -> memref<512xf32, #tpu.memory_space<hbm>>
    %dma_start3A_447 = arith.constant 11776 : i32
    %dma_start3A_448 = tpu.memref_slice %arg6[%dma_start3A_447] : memref<16384xf32, #tpu.memory_space<vmem>> -> memref<512xf32, #tpu.memory_space<vmem>>
    %dma_start3A_449 = tpu.memref_slice %arg3[%add3A_443] : memref<524288xf32, #tpu.memory_space<hbm>> -> memref<512xf32, #tpu.memory_space<hbm>>
    tpu.enqueue_dma source(%dma_start3A_449 : memref<512xf32, #tpu.memory_space<hbm>>) target(%dma_start3A_448 : memref<512xf32, #tpu.memory_space<vmem>>) target_semaphore(%arg10 : memref<!tpu.dma_semaphore, #tpu.memory_space<semaphore_mem>>)
    %add3A_450 = arith.constant 393216 : i32
    %add3A_451 = arith.addi %add3A_450, %mul3A_2 : i32
    %dma_start3A_452 = arith.constant 12288 : i32
    %dma_start3A_453 = tpu.memref_slice %arg6[%dma_start3A_452] : memref<16384xf32, #tpu.memory_space<vmem>> -> memref<512xf32, #tpu.memory_space<vmem>>
    %dma_start3A_454 = tpu.memref_slice %arg3[%add3A_451] : memref<524288xf32, #tpu.memory_space<hbm>> -> memref<512xf32, #tpu.memory_space<hbm>>
    %dma_start3A_455 = arith.constant 12288 : i32
    %dma_start3A_456 = tpu.memref_slice %arg6[%dma_start3A_455] : memref<16384xf32, #tpu.memory_space<vmem>> -> memref<512xf32, #tpu.memory_space<vmem>>
    %dma_start3A_457 = tpu.memref_slice %arg3[%add3A_451] : memref<524288xf32, #tpu.memory_space<hbm>> -> memref<512xf32, #tpu.memory_space<hbm>>
    tpu.enqueue_dma source(%dma_start3A_457 : memref<512xf32, #tpu.memory_space<hbm>>) target(%dma_start3A_456 : memref<512xf32, #tpu.memory_space<vmem>>) target_semaphore(%arg10 : memref<!tpu.dma_semaphore, #tpu.memory_space<semaphore_mem>>)
    %add3A_458 = arith.constant 409600 : i32
    %add3A_459 = arith.addi %add3A_458, %mul3A_2 : i32
    %dma_start3A_460 = arith.constant 12800 : i32
    %dma_start3A_461 = tpu.memref_slice %arg6[%dma_start3A_460] : memref<16384xf32, #tpu.memory_space<vmem>> -> memref<512xf32, #tpu.memory_space<vmem>>
    %dma_start3A_462 = tpu.memref_slice %arg3[%add3A_459] : memref<524288xf32, #tpu.memory_space<hbm>> -> memref<512xf32, #tpu.memory_space<hbm>>
    %dma_start3A_463 = arith.constant 12800 : i32
    %dma_start3A_464 = tpu.memref_slice %arg6[%dma_start3A_463] : memref<16384xf32, #tpu.memory_space<vmem>> -> memref<512xf32, #tpu.memory_space<vmem>>
    %dma_start3A_465 = tpu.memref_slice %arg3[%add3A_459] : memref<524288xf32, #tpu.memory_space<hbm>> -> memref<512xf32, #tpu.memory_space<hbm>>
    tpu.enqueue_dma source(%dma_start3A_465 : memref<512xf32, #tpu.memory_space<hbm>>) target(%dma_start3A_464 : memref<512xf32, #tpu.memory_space<vmem>>) target_semaphore(%arg10 : memref<!tpu.dma_semaphore, #tpu.memory_space<semaphore_mem>>)
    %add3A_466 = arith.constant 425984 : i32
    %add3A_467 = arith.addi %add3A_466, %mul3A_2 : i32
    %dma_start3A_468 = arith.constant 13312 : i32
    %dma_start3A_469 = tpu.memref_slice %arg6[%dma_start3A_468] : memref<16384xf32, #tpu.memory_space<vmem>> -> memref<512xf32, #tpu.memory_space<vmem>>
    %dma_start3A_470 = tpu.memref_slice %arg3[%add3A_467] : memref<524288xf32, #tpu.memory_space<hbm>> -> memref<512xf32, #tpu.memory_space<hbm>>
    %dma_start3A_471 = arith.constant 13312 : i32
    %dma_start3A_472 = tpu.memref_slice %arg6[%dma_start3A_471] : memref<16384xf32, #tpu.memory_space<vmem>> -> memref<512xf32, #tpu.memory_space<vmem>>
    %dma_start3A_473 = tpu.memref_slice %arg3[%add3A_467] : memref<524288xf32, #tpu.memory_space<hbm>> -> memref<512xf32, #tpu.memory_space<hbm>>
    tpu.enqueue_dma source(%dma_start3A_473 : memref<512xf32, #tpu.memory_space<hbm>>) target(%dma_start3A_472 : memref<512xf32, #tpu.memory_space<vmem>>) target_semaphore(%arg10 : memref<!tpu.dma_semaphore, #tpu.memory_space<semaphore_mem>>)
    %add3A_474 = arith.constant 442368 : i32
    %add3A_475 = arith.addi %add3A_474, %mul3A_2 : i32
    %dma_start3A_476 = arith.constant 13824 : i32
    %dma_start3A_477 = tpu.memref_slice %arg6[%dma_start3A_476] : memref<16384xf32, #tpu.memory_space<vmem>> -> memref<512xf32, #tpu.memory_space<vmem>>
    %dma_start3A_478 = tpu.memref_slice %arg3[%add3A_475] : memref<524288xf32, #tpu.memory_space<hbm>> -> memref<512xf32, #tpu.memory_space<hbm>>
    %dma_start3A_479 = arith.constant 13824 : i32
    %dma_start3A_480 = tpu.memref_slice %arg6[%dma_start3A_479] : memref<16384xf32, #tpu.memory_space<vmem>> -> memref<512xf32, #tpu.memory_space<vmem>>
    %dma_start3A_481 = tpu.memref_slice %arg3[%add3A_475] : memref<524288xf32, #tpu.memory_space<hbm>> -> memref<512xf32, #tpu.memory_space<hbm>>
    tpu.enqueue_dma source(%dma_start3A_481 : memref<512xf32, #tpu.memory_space<hbm>>) target(%dma_start3A_480 : memref<512xf32, #tpu.memory_space<vmem>>) target_semaphore(%arg10 : memref<!tpu.dma_semaphore, #tpu.memory_space<semaphore_mem>>)
    %add3A_482 = arith.constant 458752 : i32
    %add3A_483 = arith.addi %add3A_482, %mul3A_2 : i32
    %dma_start3A_484 = arith.constant 14336 : i32
    %dma_start3A_485 = tpu.memref_slice %arg6[%dma_start3A_484] : memref<16384xf32, #tpu.memory_space<vmem>> -> memref<512xf32, #tpu.memory_space<vmem>>
    %dma_start3A_486 = tpu.memref_slice %arg3[%add3A_483] : memref<524288xf32, #tpu.memory_space<hbm>> -> memref<512xf32, #tpu.memory_space<hbm>>
    %dma_start3A_487 = arith.constant 14336 : i32
    %dma_start3A_488 = tpu.memref_slice %arg6[%dma_start3A_487] : memref<16384xf32, #tpu.memory_space<vmem>> -> memref<512xf32, #tpu.memory_space<vmem>>
    %dma_start3A_489 = tpu.memref_slice %arg3[%add3A_483] : memref<524288xf32, #tpu.memory_space<hbm>> -> memref<512xf32, #tpu.memory_space<hbm>>
    tpu.enqueue_dma source(%dma_start3A_489 : memref<512xf32, #tpu.memory_space<hbm>>) target(%dma_start3A_488 : memref<512xf32, #tpu.memory_space<vmem>>) target_semaphore(%arg10 : memref<!tpu.dma_semaphore, #tpu.memory_space<semaphore_mem>>)
    %add3A_490 = arith.constant 475136 : i32
    %add3A_491 = arith.addi %add3A_490, %mul3A_2 : i32
    %dma_start3A_492 = arith.constant 14848 : i32
    %dma_start3A_493 = tpu.memref_slice %arg6[%dma_start3A_492] : memref<16384xf32, #tpu.memory_space<vmem>> -> memref<512xf32, #tpu.memory_space<vmem>>
    %dma_start3A_494 = tpu.memref_slice %arg3[%add3A_491] : memref<524288xf32, #tpu.memory_space<hbm>> -> memref<512xf32, #tpu.memory_space<hbm>>
    %dma_start3A_495 = arith.constant 14848 : i32
    %dma_start3A_496 = tpu.memref_slice %arg6[%dma_start3A_495] : memref<16384xf32, #tpu.memory_space<vmem>> -> memref<512xf32, #tpu.memory_space<vmem>>
    %dma_start3A_497 = tpu.memref_slice %arg3[%add3A_491] : memref<524288xf32, #tpu.memory_space<hbm>> -> memref<512xf32, #tpu.memory_space<hbm>>
    tpu.enqueue_dma source(%dma_start3A_497 : memref<512xf32, #tpu.memory_space<hbm>>) target(%dma_start3A_496 : memref<512xf32, #tpu.memory_space<vmem>>) target_semaphore(%arg10 : memref<!tpu.dma_semaphore, #tpu.memory_space<semaphore_mem>>)
    %add3A_498 = arith.constant 491520 : i32
    %add3A_499 = arith.addi %add3A_498, %mul3A_2 : i32
    %dma_start3A_500 = arith.constant 15360 : i32
    %dma_start3A_501 = tpu.memref_slice %arg6[%dma_start3A_500] : memref<16384xf32, #tpu.memory_space<vmem>> -> memref<512xf32, #tpu.memory_space<vmem>>
    %dma_start3A_502 = tpu.memref_slice %arg3[%add3A_499] : memref<524288xf32, #tpu.memory_space<hbm>> -> memref<512xf32, #tpu.memory_space<hbm>>
    %dma_start3A_503 = arith.constant 15360 : i32
    %dma_start3A_504 = tpu.memref_slice %arg6[%dma_start3A_503] : memref<16384xf32, #tpu.memory_space<vmem>> -> memref<512xf32, #tpu.memory_space<vmem>>
    %dma_start3A_505 = tpu.memref_slice %arg3[%add3A_499] : memref<524288xf32, #tpu.memory_space<hbm>> -> memref<512xf32, #tpu.memory_space<hbm>>
    tpu.enqueue_dma source(%dma_start3A_505 : memref<512xf32, #tpu.memory_space<hbm>>) target(%dma_start3A_504 : memref<512xf32, #tpu.memory_space<vmem>>) target_semaphore(%arg10 : memref<!tpu.dma_semaphore, #tpu.memory_space<semaphore_mem>>)
    %add3A_506 = arith.constant 507904 : i32
    %add3A_507 = arith.addi %add3A_506, %mul3A_2 : i32
    %dma_start3A_508 = arith.constant 15872 : i32
    %dma_start3A_509 = tpu.memref_slice %arg6[%dma_start3A_508] : memref<16384xf32, #tpu.memory_space<vmem>> -> memref<512xf32, #tpu.memory_space<vmem>>
    %dma_start3A_510 = tpu.memref_slice %arg3[%add3A_507] : memref<524288xf32, #tpu.memory_space<hbm>> -> memref<512xf32, #tpu.memory_space<hbm>>
    %dma_start3A_511 = arith.constant 15872 : i32
    %dma_start3A_512 = tpu.memref_slice %arg6[%dma_start3A_511] : memref<16384xf32, #tpu.memory_space<vmem>> -> memref<512xf32, #tpu.memory_space<vmem>>
    %dma_start3A_513 = tpu.memref_slice %arg3[%add3A_507] : memref<524288xf32, #tpu.memory_space<hbm>> -> memref<512xf32, #tpu.memory_space<hbm>>
    tpu.enqueue_dma source(%dma_start3A_513 : memref<512xf32, #tpu.memory_space<hbm>>) target(%dma_start3A_512 : memref<512xf32, #tpu.memory_space<vmem>>) target_semaphore(%arg10 : memref<!tpu.dma_semaphore, #tpu.memory_space<semaphore_mem>>)
    %broadcast_in_dim3A = arith.constant 0.000000e+00 : f32
    %broadcast_in_dim3A_514 = vector.broadcast %broadcast_in_dim3A : f32 to vector<16xf32>
    %swap3A = arith.constant 0 : index
    %swap3A_515 = tpu.vector_load %arg7[%swap3A] {strides = array<i32>} : memref<1536xf32, #tpu.memory_space<vmem>>, vector<16xf32>,
    tpu.vector_store %arg7[%swap3A], %broadcast_in_dim3A_514 {strides = array<i32>} : memref<1536xf32, #tpu.memory_space<vmem>>, vector<16xf32>,
    %swap3A_516 = arith.constant 16 : index
    %swap3A_517 = tpu.vector_load %arg7[%swap3A_516] {strides = array<i32>} : memref<1536xf32, #tpu.memory_space<vmem>>, vector<16xf32>,
    tpu.vector_store %arg7[%swap3A_516], %broadcast_in_dim3A_514 {strides = array<i32>} : memref<1536xf32, #tpu.memory_space<vmem>>, vector<16xf32>,
    %swap3A_518 = arith.constant 32 : index
    %swap3A_519 = tpu.vector_load %arg7[%swap3A_518] {strides = array<i32>} : memref<1536xf32, #tpu.memory_space<vmem>>, vector<16xf32>,
    tpu.vector_store %arg7[%swap3A_518], %broadcast_in_dim3A_514 {strides = array<i32>} : memref<1536xf32, #tpu.memory_space<vmem>>, vector<16xf32>,
    %swap3A_520 = arith.constant 48 : index
    %swap3A_521 = tpu.vector_load %arg7[%swap3A_520] {strides = array<i32>} : memref<1536xf32, #tpu.memory_space<vmem>>, vector<16xf32>,
    tpu.vector_store %arg7[%swap3A_520], %broadcast_in_dim3A_514 {strides = array<i32>} : memref<1536xf32, #tpu.memory_space<vmem>>, vector<16xf32>,
    %swap3A_522 = arith.constant 64 : index
    %swap3A_523 = tpu.vector_load %arg7[%swap3A_522] {strides = array<i32>} : memref<1536xf32, #tpu.memory_space<vmem>>, vector<16xf32>,
    tpu.vector_store %arg7[%swap3A_522], %broadcast_in_dim3A_514 {strides = array<i32>} : memref<1536xf32, #tpu.memory_space<vmem>>, vector<16xf32>,
    %swap3A_524 = arith.constant 80 : index
    %swap3A_525 = tpu.vector_load %arg7[%swap3A_524] {strides = array<i32>} : memref<1536xf32, #tpu.memory_space<vmem>>, vector<16xf32>,
    tpu.vector_store %arg7[%swap3A_524], %broadcast_in_dim3A_514 {strides = array<i32>} : memref<1536xf32, #tpu.memory_space<vmem>>, vector<16xf32>,
    %swap3A_526 = arith.constant 96 : index
    %swap3A_527 = tpu.vector_load %arg7[%swap3A_526] {strides = array<i32>} : memref<1536xf32, #tpu.memory_space<vmem>>, vector<16xf32>,
    tpu.vector_store %arg7[%swap3A_526], %broadcast_in_dim3A_514 {strides = array<i32>} : memref<1536xf32, #tpu.memory_space<vmem>>, vector<16xf32>,
    %swap3A_528 = arith.constant 112 : index
    %swap3A_529 = tpu.vector_load %arg7[%swap3A_528] {strides = array<i32>} : memref<1536xf32, #tpu.memory_space<vmem>>, vector<16xf32>,
    tpu.vector_store %arg7[%swap3A_528], %broadcast_in_dim3A_514 {strides = array<i32>} : memref<1536xf32, #tpu.memory_space<vmem>>, vector<16xf32>,
    %swap3A_530 = arith.constant 128 : index
    %swap3A_531 = tpu.vector_load %arg7[%swap3A_530] {strides = array<i32>} : memref<1536xf32, #tpu.memory_space<vmem>>, vector<16xf32>,
    tpu.vector_store %arg7[%swap3A_530], %broadcast_in_dim3A_514 {strides = array<i32>} : memref<1536xf32, #tpu.memory_space<vmem>>, vector<16xf32>,
    %swap3A_532 = arith.constant 144 : index
    %swap3A_533 = tpu.vector_load %arg7[%swap3A_532] {strides = array<i32>} : memref<1536xf32, #tpu.memory_space<vmem>>, vector<16xf32>,
    tpu.vector_store %arg7[%swap3A_532], %broadcast_in_dim3A_514 {strides = array<i32>} : memref<1536xf32, #tpu.memory_space<vmem>>, vector<16xf32>,
    %swap3A_534 = arith.constant 160 : index
    %swap3A_535 = tpu.vector_load %arg7[%swap3A_534] {strides = array<i32>} : memref<1536xf32, #tpu.memory_space<vmem>>, vector<16xf32>,
    tpu.vector_store %arg7[%swap3A_534], %broadcast_in_dim3A_514 {strides = array<i32>} : memref<1536xf32, #tpu.memory_space<vmem>>, vector<16xf32>,
    %swap3A_536 = arith.constant 176 : index
    %swap3A_537 = tpu.vector_load %arg7[%swap3A_536] {strides = array<i32>} : memref<1536xf32, #tpu.memory_space<vmem>>, vector<16xf32>,
    tpu.vector_store %arg7[%swap3A_536], %broadcast_in_dim3A_514 {strides = array<i32>} : memref<1536xf32, #tpu.memory_space<vmem>>, vector<16xf32>,
    %swap3A_538 = arith.constant 192 : index
    %swap3A_539 = tpu.vector_load %arg7[%swap3A_538] {strides = array<i32>} : memref<1536xf32, #tpu.memory_space<vmem>>, vector<16xf32>,
    tpu.vector_store %arg7[%swap3A_538], %broadcast_in_dim3A_514 {strides = array<i32>} : memref<1536xf32, #tpu.memory_space<vmem>>, vector<16xf32>,
    %swap3A_540 = arith.constant 208 : index
    %swap3A_541 = tpu.vector_load %arg7[%swap3A_540] {strides = array<i32>} : memref<1536xf32, #tpu.memory_space<vmem>>, vector<16xf32>,
    tpu.vector_store %arg7[%swap3A_540], %broadcast_in_dim3A_514 {strides = array<i32>} : memref<1536xf32, #tpu.memory_space<vmem>>, vector<16xf32>,
    %swap3A_542 = arith.constant 224 : index
    %swap3A_543 = tpu.vector_load %arg7[%swap3A_542] {strides = array<i32>} : memref<1536xf32, #tpu.memory_space<vmem>>, vector<16xf32>,
    tpu.vector_store %arg7[%swap3A_542], %broadcast_in_dim3A_514 {strides = array<i32>} : memref<1536xf32, #tpu.memory_space<vmem>>, vector<16xf32>,
    %swap3A_544 = arith.constant 240 : index
    %swap3A_545 = tpu.vector_load %arg7[%swap3A_544] {strides = array<i32>} : memref<1536xf32, #tpu.memory_space<vmem>>, vector<16xf32>,
    tpu.vector_store %arg7[%swap3A_544], %broadcast_in_dim3A_514 {strides = array<i32>} : memref<1536xf32, #tpu.memory_space<vmem>>, vector<16xf32>,
    %swap3A_546 = arith.constant 256 : index
    %swap3A_547 = tpu.vector_load %arg7[%swap3A_546] {strides = array<i32>} : memref<1536xf32, #tpu.memory_space<vmem>>, vector<16xf32>,
    tpu.vector_store %arg7[%swap3A_546], %broadcast_in_dim3A_514 {strides = array<i32>} : memref<1536xf32, #tpu.memory_space<vmem>>, vector<16xf32>,
    %swap3A_548 = arith.constant 272 : index
    %swap3A_549 = tpu.vector_load %arg7[%swap3A_548] {strides = array<i32>} : memref<1536xf32, #tpu.memory_space<vmem>>, vector<16xf32>,
    tpu.vector_store %arg7[%swap3A_548], %broadcast_in_dim3A_514 {strides = array<i32>} : memref<1536xf32, #tpu.memory_space<vmem>>, vector<16xf32>,
    %swap3A_550 = arith.constant 288 : index
    %swap3A_551 = tpu.vector_load %arg7[%swap3A_550] {strides = array<i32>} : memref<1536xf32, #tpu.memory_space<vmem>>, vector<16xf32>,
    tpu.vector_store %arg7[%swap3A_550], %broadcast_in_dim3A_514 {strides = array<i32>} : memref<1536xf32, #tpu.memory_space<vmem>>, vector<16xf32>,
    %swap3A_552 = arith.constant 304 : index
    %swap3A_553 = tpu.vector_load %arg7[%swap3A_552] {strides = array<i32>} : memref<1536xf32, #tpu.memory_space<vmem>>, vector<16xf32>,
    tpu.vector_store %arg7[%swap3A_552], %broadcast_in_dim3A_514 {strides = array<i32>} : memref<1536xf32, #tpu.memory_space<vmem>>, vector<16xf32>,
    %swap3A_554 = arith.constant 320 : index
    %swap3A_555 = tpu.vector_load %arg7[%swap3A_554] {strides = array<i32>} : memref<1536xf32, #tpu.memory_space<vmem>>, vector<16xf32>,
    tpu.vector_store %arg7[%swap3A_554], %broadcast_in_dim3A_514 {strides = array<i32>} : memref<1536xf32, #tpu.memory_space<vmem>>, vector<16xf32>,
    %swap3A_556 = arith.constant 336 : index
    %swap3A_557 = tpu.vector_load %arg7[%swap3A_556] {strides = array<i32>} : memref<1536xf32, #tpu.memory_space<vmem>>, vector<16xf32>,
    tpu.vector_store %arg7[%swap3A_556], %broadcast_in_dim3A_514 {strides = array<i32>} : memref<1536xf32, #tpu.memory_space<vmem>>, vector<16xf32>,
    %swap3A_558 = arith.constant 352 : index
    %swap3A_559 = tpu.vector_load %arg7[%swap3A_558] {strides = array<i32>} : memref<1536xf32, #tpu.memory_space<vmem>>, vector<16xf32>,
    tpu.vector_store %arg7[%swap3A_558], %broadcast_in_dim3A_514 {strides = array<i32>} : memref<1536xf32, #tpu.memory_space<vmem>>, vector<16xf32>,
    %swap3A_560 = arith.constant 368 : index
    %swap3A_561 = tpu.vector_load %arg7[%swap3A_560] {strides = array<i32>} : memref<1536xf32, #tpu.memory_space<vmem>>, vector<16xf32>,
    tpu.vector_store %arg7[%swap3A_560], %broadcast_in_dim3A_514 {strides = array<i32>} : memref<1536xf32, #tpu.memory_space<vmem>>, vector<16xf32>,
    %swap3A_562 = arith.constant 384 : index
    %swap3A_563 = tpu.vector_load %arg7[%swap3A_562] {strides = array<i32>} : memref<1536xf32, #tpu.memory_space<vmem>>, vector<16xf32>,
    tpu.vector_store %arg7[%swap3A_562], %broadcast_in_dim3A_514 {strides = array<i32>} : memref<1536xf32, #tpu.memory_space<vmem>>, vector<16xf32>,
    %swap3A_564 = arith.constant 400 : index
    %swap3A_565 = tpu.vector_load %arg7[%swap3A_564] {strides = array<i32>} : memref<1536xf32, #tpu.memory_space<vmem>>, vector<16xf32>,
    tpu.vector_store %arg7[%swap3A_564], %broadcast_in_dim3A_514 {strides = array<i32>} : memref<1536xf32, #tpu.memory_space<vmem>>, vector<16xf32>,
    %swap3A_566 = arith.constant 416 : index
    %swap3A_567 = tpu.vector_load %arg7[%swap3A_566] {strides = array<i32>} : memref<1536xf32, #tpu.memory_space<vmem>>, vector<16xf32>,
    tpu.vector_store %arg7[%swap3A_566], %broadcast_in_dim3A_514 {strides = array<i32>} : memref<1536xf32, #tpu.memory_space<vmem>>, vector<16xf32>,
    %swap3A_568 = arith.constant 432 : index
    %swap3A_569 = tpu.vector_load %arg7[%swap3A_568] {strides = array<i32>} : memref<1536xf32, #tpu.memory_space<vmem>>, vector<16xf32>,
    tpu.vector_store %arg7[%swap3A_568], %broadcast_in_dim3A_514 {strides = array<i32>} : memref<1536xf32, #tpu.memory_space<vmem>>, vector<16xf32>,
    %swap3A_570 = arith.constant 448 : index
    %swap3A_571 = tpu.vector_load %arg7[%swap3A_570] {strides = array<i32>} : memref<1536xf32, #tpu.memory_space<vmem>>, vector<16xf32>,
    tpu.vector_store %arg7[%swap3A_570], %broadcast_in_dim3A_514 {strides = array<i32>} : memref<1536xf32, #tpu.memory_space<vmem>>, vector<16xf32>,
    %swap3A_572 = arith.constant 464 : index
    %swap3A_573 = tpu.vector_load %arg7[%swap3A_572] {strides = array<i32>} : memref<1536xf32, #tpu.memory_space<vmem>>, vector<16xf32>,
    tpu.vector_store %arg7[%swap3A_572], %broadcast_in_dim3A_514 {strides = array<i32>} : memref<1536xf32, #tpu.memory_space<vmem>>, vector<16xf32>,
    %swap3A_574 = arith.constant 480 : index
    %swap3A_575 = tpu.vector_load %arg7[%swap3A_574] {strides = array<i32>} : memref<1536xf32, #tpu.memory_space<vmem>>, vector<16xf32>,
    tpu.vector_store %arg7[%swap3A_574], %broadcast_in_dim3A_514 {strides = array<i32>} : memref<1536xf32, #tpu.memory_space<vmem>>, vector<16xf32>,
    %swap3A_576 = arith.constant 496 : index
    %swap3A_577 = tpu.vector_load %arg7[%swap3A_576] {strides = array<i32>} : memref<1536xf32, #tpu.memory_space<vmem>>, vector<16xf32>,
    tpu.vector_store %arg7[%swap3A_576], %broadcast_in_dim3A_514 {strides = array<i32>} : memref<1536xf32, #tpu.memory_space<vmem>>, vector<16xf32>,
    %swap3A_578 = arith.constant 512 : index
    %swap3A_579 = tpu.vector_load %arg7[%swap3A_578] {strides = array<i32>} : memref<1536xf32, #tpu.memory_space<vmem>>, vector<16xf32>,
    tpu.vector_store %arg7[%swap3A_578], %broadcast_in_dim3A_514 {strides = array<i32>} : memref<1536xf32, #tpu.memory_space<vmem>>, vector<16xf32>,
    %swap3A_580 = arith.constant 528 : index
    %swap3A_581 = tpu.vector_load %arg7[%swap3A_580] {strides = array<i32>} : memref<1536xf32, #tpu.memory_space<vmem>>, vector<16xf32>,
    tpu.vector_store %arg7[%swap3A_580], %broadcast_in_dim3A_514 {strides = array<i32>} : memref<1536xf32, #tpu.memory_space<vmem>>, vector<16xf32>,
    %swap3A_582 = arith.constant 544 : index
    %swap3A_583 = tpu.vector_load %arg7[%swap3A_582] {strides = array<i32>} : memref<1536xf32, #tpu.memory_space<vmem>>, vector<16xf32>,
    tpu.vector_store %arg7[%swap3A_582], %broadcast_in_dim3A_514 {strides = array<i32>} : memref<1536xf32, #tpu.memory_space<vmem>>, vector<16xf32>,
    %swap3A_584 = arith.constant 560 : index
    %swap3A_585 = tpu.vector_load %arg7[%swap3A_584] {strides = array<i32>} : memref<1536xf32, #tpu.memory_space<vmem>>, vector<16xf32>,
    tpu.vector_store %arg7[%swap3A_584], %broadcast_in_dim3A_514 {strides = array<i32>} : memref<1536xf32, #tpu.memory_space<vmem>>, vector<16xf32>,
    %swap3A_586 = arith.constant 576 : index
    %swap3A_587 = tpu.vector_load %arg7[%swap3A_586] {strides = array<i32>} : memref<1536xf32, #tpu.memory_space<vmem>>, vector<16xf32>,
    tpu.vector_store %arg7[%swap3A_586], %broadcast_in_dim3A_514 {strides = array<i32>} : memref<1536xf32, #tpu.memory_space<vmem>>, vector<16xf32>,
    %swap3A_588 = arith.constant 592 : index
    %swap3A_589 = tpu.vector_load %arg7[%swap3A_588] {strides = array<i32>} : memref<1536xf32, #tpu.memory_space<vmem>>, vector<16xf32>,
    tpu.vector_store %arg7[%swap3A_588], %broadcast_in_dim3A_514 {strides = array<i32>} : memref<1536xf32, #tpu.memory_space<vmem>>, vector<16xf32>,
    %swap3A_590 = arith.constant 608 : index
    %swap3A_591 = tpu.vector_load %arg7[%swap3A_590] {strides = array<i32>} : memref<1536xf32, #tpu.memory_space<vmem>>, vector<16xf32>,
    tpu.vector_store %arg7[%swap3A_590], %broadcast_in_dim3A_514 {strides = array<i32>} : memref<1536xf32, #tpu.memory_space<vmem>>, vector<16xf32>,
    %swap3A_592 = arith.constant 624 : index
    %swap3A_593 = tpu.vector_load %arg7[%swap3A_592] {strides = array<i32>} : memref<1536xf32, #tpu.memory_space<vmem>>, vector<16xf32>,
    tpu.vector_store %arg7[%swap3A_592], %broadcast_in_dim3A_514 {strides = array<i32>} : memref<1536xf32, #tpu.memory_space<vmem>>, vector<16xf32>,
    %swap3A_594 = arith.constant 640 : index
    %swap3A_595 = tpu.vector_load %arg7[%swap3A_594] {strides = array<i32>} : memref<1536xf32, #tpu.memory_space<vmem>>, vector<16xf32>,
    tpu.vector_store %arg7[%swap3A_594], %broadcast_in_dim3A_514 {strides = array<i32>} : memref<1536xf32, #tpu.memory_space<vmem>>, vector<16xf32>,
    %swap3A_596 = arith.constant 656 : index
    %swap3A_597 = tpu.vector_load %arg7[%swap3A_596] {strides = array<i32>} : memref<1536xf32, #tpu.memory_space<vmem>>, vector<16xf32>,
    tpu.vector_store %arg7[%swap3A_596], %broadcast_in_dim3A_514 {strides = array<i32>} : memref<1536xf32, #tpu.memory_space<vmem>>, vector<16xf32>,
    %swap3A_598 = arith.constant 672 : index
    %swap3A_599 = tpu.vector_load %arg7[%swap3A_598] {strides = array<i32>} : memref<1536xf32, #tpu.memory_space<vmem>>, vector<16xf32>,
    tpu.vector_store %arg7[%swap3A_598], %broadcast_in_dim3A_514 {strides = array<i32>} : memref<1536xf32, #tpu.memory_space<vmem>>, vector<16xf32>,
    %swap3A_600 = arith.constant 688 : index
    %swap3A_601 = tpu.vector_load %arg7[%swap3A_600] {strides = array<i32>} : memref<1536xf32, #tpu.memory_space<vmem>>, vector<16xf32>,
    tpu.vector_store %arg7[%swap3A_600], %broadcast_in_dim3A_514 {strides = array<i32>} : memref<1536xf32, #tpu.memory_space<vmem>>, vector<16xf32>,
    %swap3A_602 = arith.constant 704 : index
    %swap3A_603 = tpu.vector_load %arg7[%swap3A_602] {strides = array<i32>} : memref<1536xf32, #tpu.memory_space<vmem>>, vector<16xf32>,
    tpu.vector_store %arg7[%swap3A_602], %broadcast_in_dim3A_514 {strides = array<i32>} : memref<1536xf32, #tpu.memory_space<vmem>>, vector<16xf32>,
    %swap3A_604 = arith.constant 720 : index
    %swap3A_605 = tpu.vector_load %arg7[%swap3A_604] {strides = array<i32>} : memref<1536xf32, #tpu.memory_space<vmem>>, vector<16xf32>,
    tpu.vector_store %arg7[%swap3A_604], %broadcast_in_dim3A_514 {strides = array<i32>} : memref<1536xf32, #tpu.memory_space<vmem>>, vector<16xf32>,
    %swap3A_606 = arith.constant 736 : index
    %swap3A_607 = tpu.vector_load %arg7[%swap3A_606] {strides = array<i32>} : memref<1536xf32, #tpu.memory_space<vmem>>, vector<16xf32>,
    tpu.vector_store %arg7[%swap3A_606], %broadcast_in_dim3A_514 {strides = array<i32>} : memref<1536xf32, #tpu.memory_space<vmem>>, vector<16xf32>,
    %swap3A_608 = arith.constant 752 : index
    %swap3A_609 = tpu.vector_load %arg7[%swap3A_608] {strides = array<i32>} : memref<1536xf32, #tpu.memory_space<vmem>>, vector<16xf32>,
    tpu.vector_store %arg7[%swap3A_608], %broadcast_in_dim3A_514 {strides = array<i32>} : memref<1536xf32, #tpu.memory_space<vmem>>, vector<16xf32>,
    %swap3A_610 = arith.constant 768 : index
    %swap3A_611 = tpu.vector_load %arg7[%swap3A_610] {strides = array<i32>} : memref<1536xf32, #tpu.memory_space<vmem>>, vector<16xf32>,
    tpu.vector_store %arg7[%swap3A_610], %broadcast_in_dim3A_514 {strides = array<i32>} : memref<1536xf32, #tpu.memory_space<vmem>>, vector<16xf32>,
    %swap3A_612 = arith.constant 784 : index
    %swap3A_613 = tpu.vector_load %arg7[%swap3A_612] {strides = array<i32>} : memref<1536xf32, #tpu.memory_space<vmem>>, vector<16xf32>,
    tpu.vector_store %arg7[%swap3A_612], %broadcast_in_dim3A_514 {strides = array<i32>} : memref<1536xf32, #tpu.memory_space<vmem>>, vector<16xf32>,
    %swap3A_614 = arith.constant 800 : index
    %swap3A_615 = tpu.vector_load %arg7[%swap3A_614] {strides = array<i32>} : memref<1536xf32, #tpu.memory_space<vmem>>, vector<16xf32>,
    tpu.vector_store %arg7[%swap3A_614], %broadcast_in_dim3A_514 {strides = array<i32>} : memref<1536xf32, #tpu.memory_space<vmem>>, vector<16xf32>,
    %swap3A_616 = arith.constant 816 : index
    %swap3A_617 = tpu.vector_load %arg7[%swap3A_616] {strides = array<i32>} : memref<1536xf32, #tpu.memory_space<vmem>>, vector<16xf32>,
    tpu.vector_store %arg7[%swap3A_616], %broadcast_in_dim3A_514 {strides = array<i32>} : memref<1536xf32, #tpu.memory_space<vmem>>, vector<16xf32>,
    %swap3A_618 = arith.constant 832 : index
    %swap3A_619 = tpu.vector_load %arg7[%swap3A_618] {strides = array<i32>} : memref<1536xf32, #tpu.memory_space<vmem>>, vector<16xf32>,
    tpu.vector_store %arg7[%swap3A_618], %broadcast_in_dim3A_514 {strides = array<i32>} : memref<1536xf32, #tpu.memory_space<vmem>>, vector<16xf32>,
    %swap3A_620 = arith.constant 848 : index
    %swap3A_621 = tpu.vector_load %arg7[%swap3A_620] {strides = array<i32>} : memref<1536xf32, #tpu.memory_space<vmem>>, vector<16xf32>,
    tpu.vector_store %arg7[%swap3A_620], %broadcast_in_dim3A_514 {strides = array<i32>} : memref<1536xf32, #tpu.memory_space<vmem>>, vector<16xf32>,
    %swap3A_622 = arith.constant 864 : index
    %swap3A_623 = tpu.vector_load %arg7[%swap3A_622] {strides = array<i32>} : memref<1536xf32, #tpu.memory_space<vmem>>, vector<16xf32>,
    tpu.vector_store %arg7[%swap3A_622], %broadcast_in_dim3A_514 {strides = array<i32>} : memref<1536xf32, #tpu.memory_space<vmem>>, vector<16xf32>,
    %swap3A_624 = arith.constant 880 : index
    %swap3A_625 = tpu.vector_load %arg7[%swap3A_624] {strides = array<i32>} : memref<1536xf32, #tpu.memory_space<vmem>>, vector<16xf32>,
    tpu.vector_store %arg7[%swap3A_624], %broadcast_in_dim3A_514 {strides = array<i32>} : memref<1536xf32, #tpu.memory_space<vmem>>, vector<16xf32>,
    %swap3A_626 = arith.constant 896 : index
    %swap3A_627 = tpu.vector_load %arg7[%swap3A_626] {strides = array<i32>} : memref<1536xf32, #tpu.memory_space<vmem>>, vector<16xf32>,
    tpu.vector_store %arg7[%swap3A_626], %broadcast_in_dim3A_514 {strides = array<i32>} : memref<1536xf32, #tpu.memory_space<vmem>>, vector<16xf32>,
    %swap3A_628 = arith.constant 912 : index
    %swap3A_629 = tpu.vector_load %arg7[%swap3A_628] {strides = array<i32>} : memref<1536xf32, #tpu.memory_space<vmem>>, vector<16xf32>,
    tpu.vector_store %arg7[%swap3A_628], %broadcast_in_dim3A_514 {strides = array<i32>} : memref<1536xf32, #tpu.memory_space<vmem>>, vector<16xf32>,
    %swap3A_630 = arith.constant 928 : index
    %swap3A_631 = tpu.vector_load %arg7[%swap3A_630] {strides = array<i32>} : memref<1536xf32, #tpu.memory_space<vmem>>, vector<16xf32>,
    tpu.vector_store %arg7[%swap3A_630], %broadcast_in_dim3A_514 {strides = array<i32>} : memref<1536xf32, #tpu.memory_space<vmem>>, vector<16xf32>,
    %swap3A_632 = arith.constant 944 : index
    %swap3A_633 = tpu.vector_load %arg7[%swap3A_632] {strides = array<i32>} : memref<1536xf32, #tpu.memory_space<vmem>>, vector<16xf32>,
    tpu.vector_store %arg7[%swap3A_632], %broadcast_in_dim3A_514 {strides = array<i32>} : memref<1536xf32, #tpu.memory_space<vmem>>, vector<16xf32>,
    %swap3A_634 = arith.constant 960 : index
    %swap3A_635 = tpu.vector_load %arg7[%swap3A_634] {strides = array<i32>} : memref<1536xf32, #tpu.memory_space<vmem>>, vector<16xf32>,
    tpu.vector_store %arg7[%swap3A_634], %broadcast_in_dim3A_514 {strides = array<i32>} : memref<1536xf32, #tpu.memory_space<vmem>>, vector<16xf32>,
    %swap3A_636 = arith.constant 976 : index
    %swap3A_637 = tpu.vector_load %arg7[%swap3A_636] {strides = array<i32>} : memref<1536xf32, #tpu.memory_space<vmem>>, vector<16xf32>,
    tpu.vector_store %arg7[%swap3A_636], %broadcast_in_dim3A_514 {strides = array<i32>} : memref<1536xf32, #tpu.memory_space<vmem>>, vector<16xf32>,
    %swap3A_638 = arith.constant 992 : index
    %swap3A_639 = tpu.vector_load %arg7[%swap3A_638] {strides = array<i32>} : memref<1536xf32, #tpu.memory_space<vmem>>, vector<16xf32>,
    tpu.vector_store %arg7[%swap3A_638], %broadcast_in_dim3A_514 {strides = array<i32>} : memref<1536xf32, #tpu.memory_space<vmem>>, vector<16xf32>,
    %swap3A_640 = arith.constant 1008 : index
    %swap3A_641 = tpu.vector_load %arg7[%swap3A_640] {strides = array<i32>} : memref<1536xf32, #tpu.memory_space<vmem>>, vector<16xf32>,
    tpu.vector_store %arg7[%swap3A_640], %broadcast_in_dim3A_514 {strides = array<i32>} : memref<1536xf32, #tpu.memory_space<vmem>>, vector<16xf32>,
    %swap3A_642 = arith.constant 1024 : index
    %swap3A_643 = tpu.vector_load %arg7[%swap3A_642] {strides = array<i32>} : memref<1536xf32, #tpu.memory_space<vmem>>, vector<16xf32>,
    tpu.vector_store %arg7[%swap3A_642], %broadcast_in_dim3A_514 {strides = array<i32>} : memref<1536xf32, #tpu.memory_space<vmem>>, vector<16xf32>,
    %swap3A_644 = arith.constant 1040 : index
    %swap3A_645 = tpu.vector_load %arg7[%swap3A_644] {strides = array<i32>} : memref<1536xf32, #tpu.memory_space<vmem>>, vector<16xf32>,
    tpu.vector_store %arg7[%swap3A_644], %broadcast_in_dim3A_514 {strides = array<i32>} : memref<1536xf32, #tpu.memory_space<vmem>>, vector<16xf32>,
    %swap3A_646 = arith.constant 1056 : index
    %swap3A_647 = tpu.vector_load %arg7[%swap3A_646] {strides = array<i32>} : memref<1536xf32, #tpu.memory_space<vmem>>, vector<16xf32>,
    tpu.vector_store %arg7[%swap3A_646], %broadcast_in_dim3A_514 {strides = array<i32>} : memref<1536xf32, #tpu.memory_space<vmem>>, vector<16xf32>,
    %swap3A_648 = arith.constant 1072 : index
    %swap3A_649 = tpu.vector_load %arg7[%swap3A_648] {strides = array<i32>} : memref<1536xf32, #tpu.memory_space<vmem>>, vector<16xf32>,
    tpu.vector_store %arg7[%swap3A_648], %broadcast_in_dim3A_514 {strides = array<i32>} : memref<1536xf32, #tpu.memory_space<vmem>>, vector<16xf32>,
    %swap3A_650 = arith.constant 1088 : index
    %swap3A_651 = tpu.vector_load %arg7[%swap3A_650] {strides = array<i32>} : memref<1536xf32, #tpu.memory_space<vmem>>, vector<16xf32>,
    tpu.vector_store %arg7[%swap3A_650], %broadcast_in_dim3A_514 {strides = array<i32>} : memref<1536xf32, #tpu.memory_space<vmem>>, vector<16xf32>,
    %swap3A_652 = arith.constant 1104 : index
    %swap3A_653 = tpu.vector_load %arg7[%swap3A_652] {strides = array<i32>} : memref<1536xf32, #tpu.memory_space<vmem>>, vector<16xf32>,
    tpu.vector_store %arg7[%swap3A_652], %broadcast_in_dim3A_514 {strides = array<i32>} : memref<1536xf32, #tpu.memory_space<vmem>>, vector<16xf32>,
    %swap3A_654 = arith.constant 1120 : index
    %swap3A_655 = tpu.vector_load %arg7[%swap3A_654] {strides = array<i32>} : memref<1536xf32, #tpu.memory_space<vmem>>, vector<16xf32>,
    tpu.vector_store %arg7[%swap3A_654], %broadcast_in_dim3A_514 {strides = array<i32>} : memref<1536xf32, #tpu.memory_space<vmem>>, vector<16xf32>,
    %swap3A_656 = arith.constant 1136 : index
    %swap3A_657 = tpu.vector_load %arg7[%swap3A_656] {strides = array<i32>} : memref<1536xf32, #tpu.memory_space<vmem>>, vector<16xf32>,
    tpu.vector_store %arg7[%swap3A_656], %broadcast_in_dim3A_514 {strides = array<i32>} : memref<1536xf32, #tpu.memory_space<vmem>>, vector<16xf32>,
    %swap3A_658 = arith.constant 1152 : index
    %swap3A_659 = tpu.vector_load %arg7[%swap3A_658] {strides = array<i32>} : memref<1536xf32, #tpu.memory_space<vmem>>, vector<16xf32>,
    tpu.vector_store %arg7[%swap3A_658], %broadcast_in_dim3A_514 {strides = array<i32>} : memref<1536xf32, #tpu.memory_space<vmem>>, vector<16xf32>,
    %swap3A_660 = arith.constant 1168 : index
    %swap3A_661 = tpu.vector_load %arg7[%swap3A_660] {strides = array<i32>} : memref<1536xf32, #tpu.memory_space<vmem>>, vector<16xf32>,
    tpu.vector_store %arg7[%swap3A_660], %broadcast_in_dim3A_514 {strides = array<i32>} : memref<1536xf32, #tpu.memory_space<vmem>>, vector<16xf32>,
    %swap3A_662 = arith.constant 1184 : index
    %swap3A_663 = tpu.vector_load %arg7[%swap3A_662] {strides = array<i32>} : memref<1536xf32, #tpu.memory_space<vmem>>, vector<16xf32>,
    tpu.vector_store %arg7[%swap3A_662], %broadcast_in_dim3A_514 {strides = array<i32>} : memref<1536xf32, #tpu.memory_space<vmem>>, vector<16xf32>,
    %swap3A_664 = arith.constant 1200 : index
    %swap3A_665 = tpu.vector_load %arg7[%swap3A_664] {strides = array<i32>} : memref<1536xf32, #tpu.memory_space<vmem>>, vector<16xf32>,
    tpu.vector_store %arg7[%swap3A_664], %broadcast_in_dim3A_514 {strides = array<i32>} : memref<1536xf32, #tpu.memory_space<vmem>>, vector<16xf32>,
    %swap3A_666 = arith.constant 1216 : index
    %swap3A_667 = tpu.vector_load %arg7[%swap3A_666] {strides = array<i32>} : memref<1536xf32, #tpu.memory_space<vmem>>, vector<16xf32>,
    tpu.vector_store %arg7[%swap3A_666], %broadcast_in_dim3A_514 {strides = array<i32>} : memref<1536xf32, #tpu.memory_space<vmem>>, vector<16xf32>,
    %swap3A_668 = arith.constant 1232 : index
    %swap3A_669 = tpu.vector_load %arg7[%swap3A_668] {strides = array<i32>} : memref<1536xf32, #tpu.memory_space<vmem>>, vector<16xf32>,
    tpu.vector_store %arg7[%swap3A_668], %broadcast_in_dim3A_514 {strides = array<i32>} : memref<1536xf32, #tpu.memory_space<vmem>>, vector<16xf32>,
    %swap3A_670 = arith.constant 1248 : index
    %swap3A_671 = tpu.vector_load %arg7[%swap3A_670] {strides = array<i32>} : memref<1536xf32, #tpu.memory_space<vmem>>, vector<16xf32>,
    tpu.vector_store %arg7[%swap3A_670], %broadcast_in_dim3A_514 {strides = array<i32>} : memref<1536xf32, #tpu.memory_space<vmem>>, vector<16xf32>,
    %swap3A_672 = arith.constant 1264 : index
    %swap3A_673 = tpu.vector_load %arg7[%swap3A_672] {strides = array<i32>} : memref<1536xf32, #tpu.memory_space<vmem>>, vector<16xf32>,
    tpu.vector_store %arg7[%swap3A_672], %broadcast_in_dim3A_514 {strides = array<i32>} : memref<1536xf32, #tpu.memory_space<vmem>>, vector<16xf32>,
    %swap3A_674 = arith.constant 1280 : index
    %swap3A_675 = tpu.vector_load %arg7[%swap3A_674] {strides = array<i32>} : memref<1536xf32, #tpu.memory_space<vmem>>, vector<16xf32>,
    tpu.vector_store %arg7[%swap3A_674], %broadcast_in_dim3A_514 {strides = array<i32>} : memref<1536xf32, #tpu.memory_space<vmem>>, vector<16xf32>,
    %swap3A_676 = arith.constant 1296 : index
    %swap3A_677 = tpu.vector_load %arg7[%swap3A_676] {strides = array<i32>} : memref<1536xf32, #tpu.memory_space<vmem>>, vector<16xf32>,
    tpu.vector_store %arg7[%swap3A_676], %broadcast_in_dim3A_514 {strides = array<i32>} : memref<1536xf32, #tpu.memory_space<vmem>>, vector<16xf32>,
    %swap3A_678 = arith.constant 1312 : index
    %swap3A_679 = tpu.vector_load %arg7[%swap3A_678] {strides = array<i32>} : memref<1536xf32, #tpu.memory_space<vmem>>, vector<16xf32>,
    tpu.vector_store %arg7[%swap3A_678], %broadcast_in_dim3A_514 {strides = array<i32>} : memref<1536xf32, #tpu.memory_space<vmem>>, vector<16xf32>,
    %swap3A_680 = arith.constant 1328 : index
    %swap3A_681 = tpu.vector_load %arg7[%swap3A_680] {strides = array<i32>} : memref<1536xf32, #tpu.memory_space<vmem>>, vector<16xf32>,
    tpu.vector_store %arg7[%swap3A_680], %broadcast_in_dim3A_514 {strides = array<i32>} : memref<1536xf32, #tpu.memory_space<vmem>>, vector<16xf32>,
    %swap3A_682 = arith.constant 1344 : index
    %swap3A_683 = tpu.vector_load %arg7[%swap3A_682] {strides = array<i32>} : memref<1536xf32, #tpu.memory_space<vmem>>, vector<16xf32>,
    tpu.vector_store %arg7[%swap3A_682], %broadcast_in_dim3A_514 {strides = array<i32>} : memref<1536xf32, #tpu.memory_space<vmem>>, vector<16xf32>,
    %swap3A_684 = arith.constant 1360 : index
    %swap3A_685 = tpu.vector_load %arg7[%swap3A_684] {strides = array<i32>} : memref<1536xf32, #tpu.memory_space<vmem>>, vector<16xf32>,
    tpu.vector_store %arg7[%swap3A_684], %broadcast_in_dim3A_514 {strides = array<i32>} : memref<1536xf32, #tpu.memory_space<vmem>>, vector<16xf32>,
    %swap3A_686 = arith.constant 1376 : index
    %swap3A_687 = tpu.vector_load %arg7[%swap3A_686] {strides = array<i32>} : memref<1536xf32, #tpu.memory_space<vmem>>, vector<16xf32>,
    tpu.vector_store %arg7[%swap3A_686], %broadcast_in_dim3A_514 {strides = array<i32>} : memref<1536xf32, #tpu.memory_space<vmem>>, vector<16xf32>,
    %swap3A_688 = arith.constant 1392 : index
    %swap3A_689 = tpu.vector_load %arg7[%swap3A_688] {strides = array<i32>} : memref<1536xf32, #tpu.memory_space<vmem>>, vector<16xf32>,
    tpu.vector_store %arg7[%swap3A_688], %broadcast_in_dim3A_514 {strides = array<i32>} : memref<1536xf32, #tpu.memory_space<vmem>>, vector<16xf32>,
    %swap3A_690 = arith.constant 1408 : index
    %swap3A_691 = tpu.vector_load %arg7[%swap3A_690] {strides = array<i32>} : memref<1536xf32, #tpu.memory_space<vmem>>, vector<16xf32>,
    tpu.vector_store %arg7[%swap3A_690], %broadcast_in_dim3A_514 {strides = array<i32>} : memref<1536xf32, #tpu.memory_space<vmem>>, vector<16xf32>,
    %swap3A_692 = arith.constant 1424 : index
    %swap3A_693 = tpu.vector_load %arg7[%swap3A_692] {strides = array<i32>} : memref<1536xf32, #tpu.memory_space<vmem>>, vector<16xf32>,
    tpu.vector_store %arg7[%swap3A_692], %broadcast_in_dim3A_514 {strides = array<i32>} : memref<1536xf32, #tpu.memory_space<vmem>>, vector<16xf32>,
    %swap3A_694 = arith.constant 1440 : index
    %swap3A_695 = tpu.vector_load %arg7[%swap3A_694] {strides = array<i32>} : memref<1536xf32, #tpu.memory_space<vmem>>, vector<16xf32>,
    tpu.vector_store %arg7[%swap3A_694], %broadcast_in_dim3A_514 {strides = array<i32>} : memref<1536xf32, #tpu.memory_space<vmem>>, vector<16xf32>,
    %swap3A_696 = arith.constant 1456 : index
    %swap3A_697 = tpu.vector_load %arg7[%swap3A_696] {strides = array<i32>} : memref<1536xf32, #tpu.memory_space<vmem>>, vector<16xf32>,
    tpu.vector_store %arg7[%swap3A_696], %broadcast_in_dim3A_514 {strides = array<i32>} : memref<1536xf32, #tpu.memory_space<vmem>>, vector<16xf32>,
    %swap3A_698 = arith.constant 1472 : index
    %swap3A_699 = tpu.vector_load %arg7[%swap3A_698] {strides = array<i32>} : memref<1536xf32, #tpu.memory_space<vmem>>, vector<16xf32>,
    tpu.vector_store %arg7[%swap3A_698], %broadcast_in_dim3A_514 {strides = array<i32>} : memref<1536xf32, #tpu.memory_space<vmem>>, vector<16xf32>,
    %swap3A_700 = arith.constant 1488 : index
    %swap3A_701 = tpu.vector_load %arg7[%swap3A_700] {strides = array<i32>} : memref<1536xf32, #tpu.memory_space<vmem>>, vector<16xf32>,
    tpu.vector_store %arg7[%swap3A_700], %broadcast_in_dim3A_514 {strides = array<i32>} : memref<1536xf32, #tpu.memory_space<vmem>>, vector<16xf32>,
    %swap3A_702 = arith.constant 1504 : index
    %swap3A_703 = tpu.vector_load %arg7[%swap3A_702] {strides = array<i32>} : memref<1536xf32, #tpu.memory_space<vmem>>, vector<16xf32>,
    tpu.vector_store %arg7[%swap3A_702], %broadcast_in_dim3A_514 {strides = array<i32>} : memref<1536xf32, #tpu.memory_space<vmem>>, vector<16xf32>,
    %swap3A_704 = arith.constant 1520 : index
    %swap3A_705 = tpu.vector_load %arg7[%swap3A_704] {strides = array<i32>} : memref<1536xf32, #tpu.memory_space<vmem>>, vector<16xf32>,
    tpu.vector_store %arg7[%swap3A_704], %broadcast_in_dim3A_514 {strides = array<i32>} : memref<1536xf32, #tpu.memory_space<vmem>>, vector<16xf32>,
    %dma_wait3A = arith.constant 0 : i32
    %dma_wait3A_706 = tpu.memref_slice %arg5[%dma_wait3A] : memref<16384xf32, #tpu.memory_space<vmem>> -> memref<512xf32, #tpu.memory_space<vmem>>
    %dma_wait3A_707 = tpu.memref_slice %arg2[%add3A_4] : memref<524288xf32, #tpu.memory_space<hbm>> -> memref<512xf32, #tpu.memory_space<hbm>>
    %dma_wait3A_708 = arith.constant 0 : i32
    %dma_wait3A_709 = tpu.memref_slice %arg5[%dma_wait3A_708] : memref<16384xf32, #tpu.memory_space<vmem>> -> memref<512xf32, #tpu.memory_space<vmem>>
    %dma_wait3A_710 = tpu.memref_slice %arg2[%add3A_4] : memref<524288xf32, #tpu.memory_space<hbm>> -> memref<512xf32, #tpu.memory_space<hbm>>
    tpu.wait_dma2 semaphore(%arg9 : memref<!tpu.dma_semaphore, #tpu.memory_space<semaphore_mem>>) src(%dma_wait3A_710 : memref<512xf32, #tpu.memory_space<hbm>>) dst(%dma_wait3A_709 : memref<512xf32, #tpu.memory_space<vmem>>)
    %dma_wait3A_711 = arith.constant 512 : i32
    %dma_wait3A_712 = tpu.memref_slice %arg5[%dma_wait3A_711] : memref<16384xf32, #tpu.memory_space<vmem>> -> memref<512xf32, #tpu.memory_space<vmem>>
    %dma_wait3A_713 = tpu.memref_slice %arg2[%add3A_11] : memref<524288xf32, #tpu.memory_space<hbm>> -> memref<512xf32, #tpu.memory_space<hbm>>
    %dma_wait3A_714 = arith.constant 512 : i32
    %dma_wait3A_715 = tpu.memref_slice %arg5[%dma_wait3A_714] : memref<16384xf32, #tpu.memory_space<vmem>> -> memref<512xf32, #tpu.memory_space<vmem>>
    %dma_wait3A_716 = tpu.memref_slice %arg2[%add3A_11] : memref<524288xf32, #tpu.memory_space<hbm>> -> memref<512xf32, #tpu.memory_space<hbm>>
    tpu.wait_dma2 semaphore(%arg9 : memref<!tpu.dma_semaphore, #tpu.memory_space<semaphore_mem>>) src(%dma_wait3A_716 : memref<512xf32, #tpu.memory_space<hbm>>) dst(%dma_wait3A_715 : memref<512xf32, #tpu.memory_space<vmem>>)
    %dma_wait3A_717 = arith.constant 1024 : i32
    %dma_wait3A_718 = tpu.memref_slice %arg5[%dma_wait3A_717] : memref<16384xf32, #tpu.memory_space<vmem>> -> memref<512xf32, #tpu.memory_space<vmem>>
    %dma_wait3A_719 = tpu.memref_slice %arg2[%add3A_19] : memref<524288xf32, #tpu.memory_space<hbm>> -> memref<512xf32, #tpu.memory_space<hbm>>
    %dma_wait3A_720 = arith.constant 1024 : i32
    %dma_wait3A_721 = tpu.memref_slice %arg5[%dma_wait3A_720] : memref<16384xf32, #tpu.memory_space<vmem>> -> memref<512xf32, #tpu.memory_space<vmem>>
    %dma_wait3A_722 = tpu.memref_slice %arg2[%add3A_19] : memref<524288xf32, #tpu.memory_space<hbm>> -> memref<512xf32, #tpu.memory_space<hbm>>
    tpu.wait_dma2 semaphore(%arg9 : memref<!tpu.dma_semaphore, #tpu.memory_space<semaphore_mem>>) src(%dma_wait3A_722 : memref<512xf32, #tpu.memory_space<hbm>>) dst(%dma_wait3A_721 : memref<512xf32, #tpu.memory_space<vmem>>)
    %dma_wait3A_723 = arith.constant 1536 : i32
    %dma_wait3A_724 = tpu.memref_slice %arg5[%dma_wait3A_723] : memref<16384xf32, #tpu.memory_space<vmem>> -> memref<512xf32, #tpu.memory_space<vmem>>
    %dma_wait3A_725 = tpu.memref_slice %arg2[%add3A_27] : memref<524288xf32, #tpu.memory_space<hbm>> -> memref<512xf32, #tpu.memory_space<hbm>>
    %dma_wait3A_726 = arith.constant 1536 : i32
    %dma_wait3A_727 = tpu.memref_slice %arg5[%dma_wait3A_726] : memref<16384xf32, #tpu.memory_space<vmem>> -> memref<512xf32, #tpu.memory_space<vmem>>
    %dma_wait3A_728 = tpu.memref_slice %arg2[%add3A_27] : memref<524288xf32, #tpu.memory_space<hbm>> -> memref<512xf32, #tpu.memory_space<hbm>>
    tpu.wait_dma2 semaphore(%arg9 : memref<!tpu.dma_semaphore, #tpu.memory_space<semaphore_mem>>) src(%dma_wait3A_728 : memref<512xf32, #tpu.memory_space<hbm>>) dst(%dma_wait3A_727 : memref<512xf32, #tpu.memory_space<vmem>>)
    %dma_wait3A_729 = arith.constant 2048 : i32
    %dma_wait3A_730 = tpu.memref_slice %arg5[%dma_wait3A_729] : memref<16384xf32, #tpu.memory_space<vmem>> -> memref<512xf32, #tpu.memory_space<vmem>>
    %dma_wait3A_731 = tpu.memref_slice %arg2[%add3A_35] : memref<524288xf32, #tpu.memory_space<hbm>> -> memref<512xf32, #tpu.memory_space<hbm>>
    %dma_wait3A_732 = arith.constant 2048 : i32
    %dma_wait3A_733 = tpu.memref_slice %arg5[%dma_wait3A_732] : memref<16384xf32, #tpu.memory_space<vmem>> -> memref<512xf32, #tpu.memory_space<vmem>>
    %dma_wait3A_734 = tpu.memref_slice %arg2[%add3A_35] : memref<524288xf32, #tpu.memory_space<hbm>> -> memref<512xf32, #tpu.memory_space<hbm>>
    tpu.wait_dma2 semaphore(%arg9 : memref<!tpu.dma_semaphore, #tpu.memory_space<semaphore_mem>>) src(%dma_wait3A_734 : memref<512xf32, #tpu.memory_space<hbm>>) dst(%dma_wait3A_733 : memref<512xf32, #tpu.memory_space<vmem>>)
    %dma_wait3A_735 = arith.constant 2560 : i32
    %dma_wait3A_736 = tpu.memref_slice %arg5[%dma_wait3A_735] : memref<16384xf32, #tpu.memory_space<vmem>> -> memref<512xf32, #tpu.memory_space<vmem>>
    %dma_wait3A_737 = tpu.memref_slice %arg2[%add3A_43] : memref<524288xf32, #tpu.memory_space<hbm>> -> memref<512xf32, #tpu.memory_space<hbm>>
    %dma_wait3A_738 = arith.constant 2560 : i32
    %dma_wait3A_739 = tpu.memref_slice %arg5[%dma_wait3A_738] : memref<16384xf32, #tpu.memory_space<vmem>> -> memref<512xf32, #tpu.memory_space<vmem>>
    %dma_wait3A_740 = tpu.memref_slice %arg2[%add3A_43] : memref<524288xf32, #tpu.memory_space<hbm>> -> memref<512xf32, #tpu.memory_space<hbm>>
    tpu.wait_dma2 semaphore(%arg9 : memref<!tpu.dma_semaphore, #tpu.memory_space<semaphore_mem>>) src(%dma_wait3A_740 : memref<512xf32, #tpu.memory_space<hbm>>) dst(%dma_wait3A_739 : memref<512xf32, #tpu.memory_space<vmem>>)
    %dma_wait3A_741 = arith.constant 3072 : i32
    %dma_wait3A_742 = tpu.memref_slice %arg5[%dma_wait3A_741] : memref<16384xf32, #tpu.memory_space<vmem>> -> memref<512xf32, #tpu.memory_space<vmem>>
    %dma_wait3A_743 = tpu.memref_slice %arg2[%add3A_51] : memref<524288xf32, #tpu.memory_space<hbm>> -> memref<512xf32, #tpu.memory_space<hbm>>
    %dma_wait3A_744 = arith.constant 3072 : i32
    %dma_wait3A_745 = tpu.memref_slice %arg5[%dma_wait3A_744] : memref<16384xf32, #tpu.memory_space<vmem>> -> memref<512xf32, #tpu.memory_space<vmem>>
    %dma_wait3A_746 = tpu.memref_slice %arg2[%add3A_51] : memref<524288xf32, #tpu.memory_space<hbm>> -> memref<512xf32, #tpu.memory_space<hbm>>
    tpu.wait_dma2 semaphore(%arg9 : memref<!tpu.dma_semaphore, #tpu.memory_space<semaphore_mem>>) src(%dma_wait3A_746 : memref<512xf32, #tpu.memory_space<hbm>>) dst(%dma_wait3A_745 : memref<512xf32, #tpu.memory_space<vmem>>)
    %dma_wait3A_747 = arith.constant 3584 : i32
    %dma_wait3A_748 = tpu.memref_slice %arg5[%dma_wait3A_747] : memref<16384xf32, #tpu.memory_space<vmem>> -> memref<512xf32, #tpu.memory_space<vmem>>
    %dma_wait3A_749 = tpu.memref_slice %arg2[%add3A_59] : memref<524288xf32, #tpu.memory_space<hbm>> -> memref<512xf32, #tpu.memory_space<hbm>>
    %dma_wait3A_750 = arith.constant 3584 : i32
    %dma_wait3A_751 = tpu.memref_slice %arg5[%dma_wait3A_750] : memref<16384xf32, #tpu.memory_space<vmem>> -> memref<512xf32, #tpu.memory_space<vmem>>
    %dma_wait3A_752 = tpu.memref_slice %arg2[%add3A_59] : memref<524288xf32, #tpu.memory_space<hbm>> -> memref<512xf32, #tpu.memory_space<hbm>>
    tpu.wait_dma2 semaphore(%arg9 : memref<!tpu.dma_semaphore, #tpu.memory_space<semaphore_mem>>) src(%dma_wait3A_752 : memref<512xf32, #tpu.memory_space<hbm>>) dst(%dma_wait3A_751 : memref<512xf32, #tpu.memory_space<vmem>>)
    %dma_wait3A_753 = arith.constant 4096 : i32
    %dma_wait3A_754 = tpu.memref_slice %arg5[%dma_wait3A_753] : memref<16384xf32, #tpu.memory_space<vmem>> -> memref<512xf32, #tpu.memory_space<vmem>>
    %dma_wait3A_755 = tpu.memref_slice %arg2[%add3A_67] : memref<524288xf32, #tpu.memory_space<hbm>> -> memref<512xf32, #tpu.memory_space<hbm>>
    %dma_wait3A_756 = arith.constant 4096 : i32
    %dma_wait3A_757 = tpu.memref_slice %arg5[%dma_wait3A_756] : memref<16384xf32, #tpu.memory_space<vmem>> -> memref<512xf32, #tpu.memory_space<vmem>>
    %dma_wait3A_758 = tpu.memref_slice %arg2[%add3A_67] : memref<524288xf32, #tpu.memory_space<hbm>> -> memref<512xf32, #tpu.memory_space<hbm>>
    tpu.wait_dma2 semaphore(%arg9 : memref<!tpu.dma_semaphore, #tpu.memory_space<semaphore_mem>>) src(%dma_wait3A_758 : memref<512xf32, #tpu.memory_space<hbm>>) dst(%dma_wait3A_757 : memref<512xf32, #tpu.memory_space<vmem>>)
    %dma_wait3A_759 = arith.constant 4608 : i32
    %dma_wait3A_760 = tpu.memref_slice %arg5[%dma_wait3A_759] : memref<16384xf32, #tpu.memory_space<vmem>> -> memref<512xf32, #tpu.memory_space<vmem>>
    %dma_wait3A_761 = tpu.memref_slice %arg2[%add3A_75] : memref<524288xf32, #tpu.memory_space<hbm>> -> memref<512xf32, #tpu.memory_space<hbm>>
    %dma_wait3A_762 = arith.constant 4608 : i32
    %dma_wait3A_763 = tpu.memref_slice %arg5[%dma_wait3A_762] : memref<16384xf32, #tpu.memory_space<vmem>> -> memref<512xf32, #tpu.memory_space<vmem>>
    %dma_wait3A_764 = tpu.memref_slice %arg2[%add3A_75] : memref<524288xf32, #tpu.memory_space<hbm>> -> memref<512xf32, #tpu.memory_space<hbm>>
    tpu.wait_dma2 semaphore(%arg9 : memref<!tpu.dma_semaphore, #tpu.memory_space<semaphore_mem>>) src(%dma_wait3A_764 : memref<512xf32, #tpu.memory_space<hbm>>) dst(%dma_wait3A_763 : memref<512xf32, #tpu.memory_space<vmem>>)
    %dma_wait3A_765 = arith.constant 5120 : i32
    %dma_wait3A_766 = tpu.memref_slice %arg5[%dma_wait3A_765] : memref<16384xf32, #tpu.memory_space<vmem>> -> memref<512xf32, #tpu.memory_space<vmem>>
    %dma_wait3A_767 = tpu.memref_slice %arg2[%add3A_83] : memref<524288xf32, #tpu.memory_space<hbm>> -> memref<512xf32, #tpu.memory_space<hbm>>
    %dma_wait3A_768 = arith.constant 5120 : i32
    %dma_wait3A_769 = tpu.memref_slice %arg5[%dma_wait3A_768] : memref<16384xf32, #tpu.memory_space<vmem>> -> memref<512xf32, #tpu.memory_space<vmem>>
    %dma_wait3A_770 = tpu.memref_slice %arg2[%add3A_83] : memref<524288xf32, #tpu.memory_space<hbm>> -> memref<512xf32, #tpu.memory_space<hbm>>
    tpu.wait_dma2 semaphore(%arg9 : memref<!tpu.dma_semaphore, #tpu.memory_space<semaphore_mem>>) src(%dma_wait3A_770 : memref<512xf32, #tpu.memory_space<hbm>>) dst(%dma_wait3A_769 : memref<512xf32, #tpu.memory_space<vmem>>)
    %dma_wait3A_771 = arith.constant 5632 : i32
    %dma_wait3A_772 = tpu.memref_slice %arg5[%dma_wait3A_771] : memref<16384xf32, #tpu.memory_space<vmem>> -> memref<512xf32, #tpu.memory_space<vmem>>
    %dma_wait3A_773 = tpu.memref_slice %arg2[%add3A_91] : memref<524288xf32, #tpu.memory_space<hbm>> -> memref<512xf32, #tpu.memory_space<hbm>>
    %dma_wait3A_774 = arith.constant 5632 : i32
    %dma_wait3A_775 = tpu.memref_slice %arg5[%dma_wait3A_774] : memref<16384xf32, #tpu.memory_space<vmem>> -> memref<512xf32, #tpu.memory_space<vmem>>
    %dma_wait3A_776 = tpu.memref_slice %arg2[%add3A_91] : memref<524288xf32, #tpu.memory_space<hbm>> -> memref<512xf32, #tpu.memory_space<hbm>>
    tpu.wait_dma2 semaphore(%arg9 : memref<!tpu.dma_semaphore, #tpu.memory_space<semaphore_mem>>) src(%dma_wait3A_776 : memref<512xf32, #tpu.memory_space<hbm>>) dst(%dma_wait3A_775 : memref<512xf32, #tpu.memory_space<vmem>>)
    %dma_wait3A_777 = arith.constant 6144 : i32
    %dma_wait3A_778 = tpu.memref_slice %arg5[%dma_wait3A_777] : memref<16384xf32, #tpu.memory_space<vmem>> -> memref<512xf32, #tpu.memory_space<vmem>>
    %dma_wait3A_779 = tpu.memref_slice %arg2[%add3A_99] : memref<524288xf32, #tpu.memory_space<hbm>> -> memref<512xf32, #tpu.memory_space<hbm>>
    %dma_wait3A_780 = arith.constant 6144 : i32
    %dma_wait3A_781 = tpu.memref_slice %arg5[%dma_wait3A_780] : memref<16384xf32, #tpu.memory_space<vmem>> -> memref<512xf32, #tpu.memory_space<vmem>>
    %dma_wait3A_782 = tpu.memref_slice %arg2[%add3A_99] : memref<524288xf32, #tpu.memory_space<hbm>> -> memref<512xf32, #tpu.memory_space<hbm>>
    tpu.wait_dma2 semaphore(%arg9 : memref<!tpu.dma_semaphore, #tpu.memory_space<semaphore_mem>>) src(%dma_wait3A_782 : memref<512xf32, #tpu.memory_space<hbm>>) dst(%dma_wait3A_781 : memref<512xf32, #tpu.memory_space<vmem>>)
    %dma_wait3A_783 = arith.constant 6656 : i32
    %dma_wait3A_784 = tpu.memref_slice %arg5[%dma_wait3A_783] : memref<16384xf32, #tpu.memory_space<vmem>> -> memref<512xf32, #tpu.memory_space<vmem>>
    %dma_wait3A_785 = tpu.memref_slice %arg2[%add3A_107] : memref<524288xf32, #tpu.memory_space<hbm>> -> memref<512xf32, #tpu.memory_space<hbm>>
    %dma_wait3A_786 = arith.constant 6656 : i32
    %dma_wait3A_787 = tpu.memref_slice %arg5[%dma_wait3A_786] : memref<16384xf32, #tpu.memory_space<vmem>> -> memref<512xf32, #tpu.memory_space<vmem>>
    %dma_wait3A_788 = tpu.memref_slice %arg2[%add3A_107] : memref<524288xf32, #tpu.memory_space<hbm>> -> memref<512xf32, #tpu.memory_space<hbm>>
    tpu.wait_dma2 semaphore(%arg9 : memref<!tpu.dma_semaphore, #tpu.memory_space<semaphore_mem>>) src(%dma_wait3A_788 : memref<512xf32, #tpu.memory_space<hbm>>) dst(%dma_wait3A_787 : memref<512xf32, #tpu.memory_space<vmem>>)
    %dma_wait3A_789 = arith.constant 7168 : i32
    %dma_wait3A_790 = tpu.memref_slice %arg5[%dma_wait3A_789] : memref<16384xf32, #tpu.memory_space<vmem>> -> memref<512xf32, #tpu.memory_space<vmem>>
    %dma_wait3A_791 = tpu.memref_slice %arg2[%add3A_115] : memref<524288xf32, #tpu.memory_space<hbm>> -> memref<512xf32, #tpu.memory_space<hbm>>
    %dma_wait3A_792 = arith.constant 7168 : i32
    %dma_wait3A_793 = tpu.memref_slice %arg5[%dma_wait3A_792] : memref<16384xf32, #tpu.memory_space<vmem>> -> memref<512xf32, #tpu.memory_space<vmem>>
    %dma_wait3A_794 = tpu.memref_slice %arg2[%add3A_115] : memref<524288xf32, #tpu.memory_space<hbm>> -> memref<512xf32, #tpu.memory_space<hbm>>
    tpu.wait_dma2 semaphore(%arg9 : memref<!tpu.dma_semaphore, #tpu.memory_space<semaphore_mem>>) src(%dma_wait3A_794 : memref<512xf32, #tpu.memory_space<hbm>>) dst(%dma_wait3A_793 : memref<512xf32, #tpu.memory_space<vmem>>)
    %dma_wait3A_795 = arith.constant 7680 : i32
    %dma_wait3A_796 = tpu.memref_slice %arg5[%dma_wait3A_795] : memref<16384xf32, #tpu.memory_space<vmem>> -> memref<512xf32, #tpu.memory_space<vmem>>
    %dma_wait3A_797 = tpu.memref_slice %arg2[%add3A_123] : memref<524288xf32, #tpu.memory_space<hbm>> -> memref<512xf32, #tpu.memory_space<hbm>>
    %dma_wait3A_798 = arith.constant 7680 : i32
    %dma_wait3A_799 = tpu.memref_slice %arg5[%dma_wait3A_798] : memref<16384xf32, #tpu.memory_space<vmem>> -> memref<512xf32, #tpu.memory_space<vmem>>
    %dma_wait3A_800 = tpu.memref_slice %arg2[%add3A_123] : memref<524288xf32, #tpu.memory_space<hbm>> -> memref<512xf32, #tpu.memory_space<hbm>>
    tpu.wait_dma2 semaphore(%arg9 : memref<!tpu.dma_semaphore, #tpu.memory_space<semaphore_mem>>) src(%dma_wait3A_800 : memref<512xf32, #tpu.memory_space<hbm>>) dst(%dma_wait3A_799 : memref<512xf32, #tpu.memory_space<vmem>>)
    %dma_wait3A_801 = arith.constant 8192 : i32
    %dma_wait3A_802 = tpu.memref_slice %arg5[%dma_wait3A_801] : memref<16384xf32, #tpu.memory_space<vmem>> -> memref<512xf32, #tpu.memory_space<vmem>>
    %dma_wait3A_803 = tpu.memref_slice %arg2[%add3A_131] : memref<524288xf32, #tpu.memory_space<hbm>> -> memref<512xf32, #tpu.memory_space<hbm>>
    %dma_wait3A_804 = arith.constant 8192 : i32
    %dma_wait3A_805 = tpu.memref_slice %arg5[%dma_wait3A_804] : memref<16384xf32, #tpu.memory_space<vmem>> -> memref<512xf32, #tpu.memory_space<vmem>>
    %dma_wait3A_806 = tpu.memref_slice %arg2[%add3A_131] : memref<524288xf32, #tpu.memory_space<hbm>> -> memref<512xf32, #tpu.memory_space<hbm>>
    tpu.wait_dma2 semaphore(%arg9 : memref<!tpu.dma_semaphore, #tpu.memory_space<semaphore_mem>>) src(%dma_wait3A_806 : memref<512xf32, #tpu.memory_space<hbm>>) dst(%dma_wait3A_805 : memref<512xf32, #tpu.memory_space<vmem>>)
    %dma_wait3A_807 = arith.constant 8704 : i32
    %dma_wait3A_808 = tpu.memref_slice %arg5[%dma_wait3A_807] : memref<16384xf32, #tpu.memory_space<vmem>> -> memref<512xf32, #tpu.memory_space<vmem>>
    %dma_wait3A_809 = tpu.memref_slice %arg2[%add3A_139] : memref<524288xf32, #tpu.memory_space<hbm>> -> memref<512xf32, #tpu.memory_space<hbm>>
    %dma_wait3A_810 = arith.constant 8704 : i32
    %dma_wait3A_811 = tpu.memref_slice %arg5[%dma_wait3A_810] : memref<16384xf32, #tpu.memory_space<vmem>> -> memref<512xf32, #tpu.memory_space<vmem>>
    %dma_wait3A_812 = tpu.memref_slice %arg2[%add3A_139] : memref<524288xf32, #tpu.memory_space<hbm>> -> memref<512xf32, #tpu.memory_space<hbm>>
    tpu.wait_dma2 semaphore(%arg9 : memref<!tpu.dma_semaphore, #tpu.memory_space<semaphore_mem>>) src(%dma_wait3A_812 : memref<512xf32, #tpu.memory_space<hbm>>) dst(%dma_wait3A_811 : memref<512xf32, #tpu.memory_space<vmem>>)
    %dma_wait3A_813 = arith.constant 9216 : i32
    %dma_wait3A_814 = tpu.memref_slice %arg5[%dma_wait3A_813] : memref<16384xf32, #tpu.memory_space<vmem>> -> memref<512xf32, #tpu.memory_space<vmem>>
    %dma_wait3A_815 = tpu.memref_slice %arg2[%add3A_147] : memref<524288xf32, #tpu.memory_space<hbm>> -> memref<512xf32, #tpu.memory_space<hbm>>
    %dma_wait3A_816 = arith.constant 9216 : i32
    %dma_wait3A_817 = tpu.memref_slice %arg5[%dma_wait3A_816] : memref<16384xf32, #tpu.memory_space<vmem>> -> memref<512xf32, #tpu.memory_space<vmem>>
    %dma_wait3A_818 = tpu.memref_slice %arg2[%add3A_147] : memref<524288xf32, #tpu.memory_space<hbm>> -> memref<512xf32, #tpu.memory_space<hbm>>
    tpu.wait_dma2 semaphore(%arg9 : memref<!tpu.dma_semaphore, #tpu.memory_space<semaphore_mem>>) src(%dma_wait3A_818 : memref<512xf32, #tpu.memory_space<hbm>>) dst(%dma_wait3A_817 : memref<512xf32, #tpu.memory_space<vmem>>)
    %dma_wait3A_819 = arith.constant 9728 : i32
    %dma_wait3A_820 = tpu.memref_slice %arg5[%dma_wait3A_819] : memref<16384xf32, #tpu.memory_space<vmem>> -> memref<512xf32, #tpu.memory_space<vmem>>
    %dma_wait3A_821 = tpu.memref_slice %arg2[%add3A_155] : memref<524288xf32, #tpu.memory_space<hbm>> -> memref<512xf32, #tpu.memory_space<hbm>>
    %dma_wait3A_822 = arith.constant 9728 : i32
    %dma_wait3A_823 = tpu.memref_slice %arg5[%dma_wait3A_822] : memref<16384xf32, #tpu.memory_space<vmem>> -> memref<512xf32, #tpu.memory_space<vmem>>
    %dma_wait3A_824 = tpu.memref_slice %arg2[%add3A_155] : memref<524288xf32, #tpu.memory_space<hbm>> -> memref<512xf32, #tpu.memory_space<hbm>>
    tpu.wait_dma2 semaphore(%arg9 : memref<!tpu.dma_semaphore, #tpu.memory_space<semaphore_mem>>) src(%dma_wait3A_824 : memref<512xf32, #tpu.memory_space<hbm>>) dst(%dma_wait3A_823 : memref<512xf32, #tpu.memory_space<vmem>>)
    %dma_wait3A_825 = arith.constant 10240 : i32
    %dma_wait3A_826 = tpu.memref_slice %arg5[%dma_wait3A_825] : memref<16384xf32, #tpu.memory_space<vmem>> -> memref<512xf32, #tpu.memory_space<vmem>>
    %dma_wait3A_827 = tpu.memref_slice %arg2[%add3A_163] : memref<524288xf32, #tpu.memory_space<hbm>> -> memref<512xf32, #tpu.memory_space<hbm>>
    %dma_wait3A_828 = arith.constant 10240 : i32
    %dma_wait3A_829 = tpu.memref_slice %arg5[%dma_wait3A_828] : memref<16384xf32, #tpu.memory_space<vmem>> -> memref<512xf32, #tpu.memory_space<vmem>>
    %dma_wait3A_830 = tpu.memref_slice %arg2[%add3A_163] : memref<524288xf32, #tpu.memory_space<hbm>> -> memref<512xf32, #tpu.memory_space<hbm>>
    tpu.wait_dma2 semaphore(%arg9 : memref<!tpu.dma_semaphore, #tpu.memory_space<semaphore_mem>>) src(%dma_wait3A_830 : memref<512xf32, #tpu.memory_space<hbm>>) dst(%dma_wait3A_829 : memref<512xf32, #tpu.memory_space<vmem>>)
    %dma_wait3A_831 = arith.constant 10752 : i32
    %dma_wait3A_832 = tpu.memref_slice %arg5[%dma_wait3A_831] : memref<16384xf32, #tpu.memory_space<vmem>> -> memref<512xf32, #tpu.memory_space<vmem>>
    %dma_wait3A_833 = tpu.memref_slice %arg2[%add3A_171] : memref<524288xf32, #tpu.memory_space<hbm>> -> memref<512xf32, #tpu.memory_space<hbm>>
    %dma_wait3A_834 = arith.constant 10752 : i32
    %dma_wait3A_835 = tpu.memref_slice %arg5[%dma_wait3A_834] : memref<16384xf32, #tpu.memory_space<vmem>> -> memref<512xf32, #tpu.memory_space<vmem>>
    %dma_wait3A_836 = tpu.memref_slice %arg2[%add3A_171] : memref<524288xf32, #tpu.memory_space<hbm>> -> memref<512xf32, #tpu.memory_space<hbm>>
    tpu.wait_dma2 semaphore(%arg9 : memref<!tpu.dma_semaphore, #tpu.memory_space<semaphore_mem>>) src(%dma_wait3A_836 : memref<512xf32, #tpu.memory_space<hbm>>) dst(%dma_wait3A_835 : memref<512xf32, #tpu.memory_space<vmem>>)
    %dma_wait3A_837 = arith.constant 11264 : i32
    %dma_wait3A_838 = tpu.memref_slice %arg5[%dma_wait3A_837] : memref<16384xf32, #tpu.memory_space<vmem>> -> memref<512xf32, #tpu.memory_space<vmem>>
    %dma_wait3A_839 = tpu.memref_slice %arg2[%add3A_179] : memref<524288xf32, #tpu.memory_space<hbm>> -> memref<512xf32, #tpu.memory_space<hbm>>
    %dma_wait3A_840 = arith.constant 11264 : i32
    %dma_wait3A_841 = tpu.memref_slice %arg5[%dma_wait3A_840] : memref<16384xf32, #tpu.memory_space<vmem>> -> memref<512xf32, #tpu.memory_space<vmem>>
    %dma_wait3A_842 = tpu.memref_slice %arg2[%add3A_179] : memref<524288xf32, #tpu.memory_space<hbm>> -> memref<512xf32, #tpu.memory_space<hbm>>
    tpu.wait_dma2 semaphore(%arg9 : memref<!tpu.dma_semaphore, #tpu.memory_space<semaphore_mem>>) src(%dma_wait3A_842 : memref<512xf32, #tpu.memory_space<hbm>>) dst(%dma_wait3A_841 : memref<512xf32, #tpu.memory_space<vmem>>)
    %dma_wait3A_843 = arith.constant 11776 : i32
    %dma_wait3A_844 = tpu.memref_slice %arg5[%dma_wait3A_843] : memref<16384xf32, #tpu.memory_space<vmem>> -> memref<512xf32, #tpu.memory_space<vmem>>
    %dma_wait3A_845 = tpu.memref_slice %arg2[%add3A_187] : memref<524288xf32, #tpu.memory_space<hbm>> -> memref<512xf32, #tpu.memory_space<hbm>>
    %dma_wait3A_846 = arith.constant 11776 : i32
    %dma_wait3A_847 = tpu.memref_slice %arg5[%dma_wait3A_846] : memref<16384xf32, #tpu.memory_space<vmem>> -> memref<512xf32, #tpu.memory_space<vmem>>
    %dma_wait3A_848 = tpu.memref_slice %arg2[%add3A_187] : memref<524288xf32, #tpu.memory_space<hbm>> -> memref<512xf32, #tpu.memory_space<hbm>>
    tpu.wait_dma2 semaphore(%arg9 : memref<!tpu.dma_semaphore, #tpu.memory_space<semaphore_mem>>) src(%dma_wait3A_848 : memref<512xf32, #tpu.memory_space<hbm>>) dst(%dma_wait3A_847 : memref<512xf32, #tpu.memory_space<vmem>>)
    %dma_wait3A_849 = arith.constant 12288 : i32
    %dma_wait3A_850 = tpu.memref_slice %arg5[%dma_wait3A_849] : memref<16384xf32, #tpu.memory_space<vmem>> -> memref<512xf32, #tpu.memory_space<vmem>>
    %dma_wait3A_851 = tpu.memref_slice %arg2[%add3A_195] : memref<524288xf32, #tpu.memory_space<hbm>> -> memref<512xf32, #tpu.memory_space<hbm>>
    %dma_wait3A_852 = arith.constant 12288 : i32
    %dma_wait3A_853 = tpu.memref_slice %arg5[%dma_wait3A_852] : memref<16384xf32, #tpu.memory_space<vmem>> -> memref<512xf32, #tpu.memory_space<vmem>>
    %dma_wait3A_854 = tpu.memref_slice %arg2[%add3A_195] : memref<524288xf32, #tpu.memory_space<hbm>> -> memref<512xf32, #tpu.memory_space<hbm>>
    tpu.wait_dma2 semaphore(%arg9 : memref<!tpu.dma_semaphore, #tpu.memory_space<semaphore_mem>>) src(%dma_wait3A_854 : memref<512xf32, #tpu.memory_space<hbm>>) dst(%dma_wait3A_853 : memref<512xf32, #tpu.memory_space<vmem>>)
    %dma_wait3A_855 = arith.constant 12800 : i32
    %dma_wait3A_856 = tpu.memref_slice %arg5[%dma_wait3A_855] : memref<16384xf32, #tpu.memory_space<vmem>> -> memref<512xf32, #tpu.memory_space<vmem>>
    %dma_wait3A_857 = tpu.memref_slice %arg2[%add3A_203] : memref<524288xf32, #tpu.memory_space<hbm>> -> memref<512xf32, #tpu.memory_space<hbm>>
    %dma_wait3A_858 = arith.constant 12800 : i32
    %dma_wait3A_859 = tpu.memref_slice %arg5[%dma_wait3A_858] : memref<16384xf32, #tpu.memory_space<vmem>> -> memref<512xf32, #tpu.memory_space<vmem>>
    %dma_wait3A_860 = tpu.memref_slice %arg2[%add3A_203] : memref<524288xf32, #tpu.memory_space<hbm>> -> memref<512xf32, #tpu.memory_space<hbm>>
    tpu.wait_dma2 semaphore(%arg9 : memref<!tpu.dma_semaphore, #tpu.memory_space<semaphore_mem>>) src(%dma_wait3A_860 : memref<512xf32, #tpu.memory_space<hbm>>) dst(%dma_wait3A_859 : memref<512xf32, #tpu.memory_space<vmem>>)
    %dma_wait3A_861 = arith.constant 13312 : i32
    %dma_wait3A_862 = tpu.memref_slice %arg5[%dma_wait3A_861] : memref<16384xf32, #tpu.memory_space<vmem>> -> memref<512xf32, #tpu.memory_space<vmem>>
    %dma_wait3A_863 = tpu.memref_slice %arg2[%add3A_211] : memref<524288xf32, #tpu.memory_space<hbm>> -> memref<512xf32, #tpu.memory_space<hbm>>
    %dma_wait3A_864 = arith.constant 13312 : i32
    %dma_wait3A_865 = tpu.memref_slice %arg5[%dma_wait3A_864] : memref<16384xf32, #tpu.memory_space<vmem>> -> memref<512xf32, #tpu.memory_space<vmem>>
    %dma_wait3A_866 = tpu.memref_slice %arg2[%add3A_211] : memref<524288xf32, #tpu.memory_space<hbm>> -> memref<512xf32, #tpu.memory_space<hbm>>
    tpu.wait_dma2 semaphore(%arg9 : memref<!tpu.dma_semaphore, #tpu.memory_space<semaphore_mem>>) src(%dma_wait3A_866 : memref<512xf32, #tpu.memory_space<hbm>>) dst(%dma_wait3A_865 : memref<512xf32, #tpu.memory_space<vmem>>)
    %dma_wait3A_867 = arith.constant 13824 : i32
    %dma_wait3A_868 = tpu.memref_slice %arg5[%dma_wait3A_867] : memref<16384xf32, #tpu.memory_space<vmem>> -> memref<512xf32, #tpu.memory_space<vmem>>
    %dma_wait3A_869 = tpu.memref_slice %arg2[%add3A_219] : memref<524288xf32, #tpu.memory_space<hbm>> -> memref<512xf32, #tpu.memory_space<hbm>>
    %dma_wait3A_870 = arith.constant 13824 : i32
    %dma_wait3A_871 = tpu.memref_slice %arg5[%dma_wait3A_870] : memref<16384xf32, #tpu.memory_space<vmem>> -> memref<512xf32, #tpu.memory_space<vmem>>
    %dma_wait3A_872 = tpu.memref_slice %arg2[%add3A_219] : memref<524288xf32, #tpu.memory_space<hbm>> -> memref<512xf32, #tpu.memory_space<hbm>>
    tpu.wait_dma2 semaphore(%arg9 : memref<!tpu.dma_semaphore, #tpu.memory_space<semaphore_mem>>) src(%dma_wait3A_872 : memref<512xf32, #tpu.memory_space<hbm>>) dst(%dma_wait3A_871 : memref<512xf32, #tpu.memory_space<vmem>>)
    %dma_wait3A_873 = arith.constant 14336 : i32
    %dma_wait3A_874 = tpu.memref_slice %arg5[%dma_wait3A_873] : memref<16384xf32, #tpu.memory_space<vmem>> -> memref<512xf32, #tpu.memory_space<vmem>>
    %dma_wait3A_875 = tpu.memref_slice %arg2[%add3A_227] : memref<524288xf32, #tpu.memory_space<hbm>> -> memref<512xf32, #tpu.memory_space<hbm>>
    %dma_wait3A_876 = arith.constant 14336 : i32
    %dma_wait3A_877 = tpu.memref_slice %arg5[%dma_wait3A_876] : memref<16384xf32, #tpu.memory_space<vmem>> -> memref<512xf32, #tpu.memory_space<vmem>>
    %dma_wait3A_878 = tpu.memref_slice %arg2[%add3A_227] : memref<524288xf32, #tpu.memory_space<hbm>> -> memref<512xf32, #tpu.memory_space<hbm>>
    tpu.wait_dma2 semaphore(%arg9 : memref<!tpu.dma_semaphore, #tpu.memory_space<semaphore_mem>>) src(%dma_wait3A_878 : memref<512xf32, #tpu.memory_space<hbm>>) dst(%dma_wait3A_877 : memref<512xf32, #tpu.memory_space<vmem>>)
    %dma_wait3A_879 = arith.constant 14848 : i32
    %dma_wait3A_880 = tpu.memref_slice %arg5[%dma_wait3A_879] : memref<16384xf32, #tpu.memory_space<vmem>> -> memref<512xf32, #tpu.memory_space<vmem>>
    %dma_wait3A_881 = tpu.memref_slice %arg2[%add3A_235] : memref<524288xf32, #tpu.memory_space<hbm>> -> memref<512xf32, #tpu.memory_space<hbm>>
    %dma_wait3A_882 = arith.constant 14848 : i32
    %dma_wait3A_883 = tpu.memref_slice %arg5[%dma_wait3A_882] : memref<16384xf32, #tpu.memory_space<vmem>> -> memref<512xf32, #tpu.memory_space<vmem>>
    %dma_wait3A_884 = tpu.memref_slice %arg2[%add3A_235] : memref<524288xf32, #tpu.memory_space<hbm>> -> memref<512xf32, #tpu.memory_space<hbm>>
    tpu.wait_dma2 semaphore(%arg9 : memref<!tpu.dma_semaphore, #tpu.memory_space<semaphore_mem>>) src(%dma_wait3A_884 : memref<512xf32, #tpu.memory_space<hbm>>) dst(%dma_wait3A_883 : memref<512xf32, #tpu.memory_space<vmem>>)
    %dma_wait3A_885 = arith.constant 15360 : i32
    %dma_wait3A_886 = tpu.memref_slice %arg5[%dma_wait3A_885] : memref<16384xf32, #tpu.memory_space<vmem>> -> memref<512xf32, #tpu.memory_space<vmem>>
    %dma_wait3A_887 = tpu.memref_slice %arg2[%add3A_243] : memref<524288xf32, #tpu.memory_space<hbm>> -> memref<512xf32, #tpu.memory_space<hbm>>
    %dma_wait3A_888 = arith.constant 15360 : i32
    %dma_wait3A_889 = tpu.memref_slice %arg5[%dma_wait3A_888] : memref<16384xf32, #tpu.memory_space<vmem>> -> memref<512xf32, #tpu.memory_space<vmem>>
    %dma_wait3A_890 = tpu.memref_slice %arg2[%add3A_243] : memref<524288xf32, #tpu.memory_space<hbm>> -> memref<512xf32, #tpu.memory_space<hbm>>
    tpu.wait_dma2 semaphore(%arg9 : memref<!tpu.dma_semaphore, #tpu.memory_space<semaphore_mem>>) src(%dma_wait3A_890 : memref<512xf32, #tpu.memory_space<hbm>>) dst(%dma_wait3A_889 : memref<512xf32, #tpu.memory_space<vmem>>)
    %dma_wait3A_891 = arith.constant 15872 : i32
    %dma_wait3A_892 = tpu.memref_slice %arg5[%dma_wait3A_891] : memref<16384xf32, #tpu.memory_space<vmem>> -> memref<512xf32, #tpu.memory_space<vmem>>
    %dma_wait3A_893 = tpu.memref_slice %arg2[%add3A_251] : memref<524288xf32, #tpu.memory_space<hbm>> -> memref<512xf32, #tpu.memory_space<hbm>>
    %dma_wait3A_894 = arith.constant 15872 : i32
    %dma_wait3A_895 = tpu.memref_slice %arg5[%dma_wait3A_894] : memref<16384xf32, #tpu.memory_space<vmem>> -> memref<512xf32, #tpu.memory_space<vmem>>
    %dma_wait3A_896 = tpu.memref_slice %arg2[%add3A_251] : memref<524288xf32, #tpu.memory_space<hbm>> -> memref<512xf32, #tpu.memory_space<hbm>>
    tpu.wait_dma2 semaphore(%arg9 : memref<!tpu.dma_semaphore, #tpu.memory_space<semaphore_mem>>) src(%dma_wait3A_896 : memref<512xf32, #tpu.memory_space<hbm>>) dst(%dma_wait3A_895 : memref<512xf32, #tpu.memory_space<vmem>>)
    %dma_wait3A_897 = arith.constant 0 : i32
    %dma_wait3A_898 = tpu.memref_slice %arg6[%dma_wait3A_897] : memref<16384xf32, #tpu.memory_space<vmem>> -> memref<512xf32, #tpu.memory_space<vmem>>
    %dma_wait3A_899 = tpu.memref_slice %arg3[%add3A_259] : memref<524288xf32, #tpu.memory_space<hbm>> -> memref<512xf32, #tpu.memory_space<hbm>>
    %dma_wait3A_900 = arith.constant 0 : i32
    %dma_wait3A_901 = tpu.memref_slice %arg6[%dma_wait3A_900] : memref<16384xf32, #tpu.memory_space<vmem>> -> memref<512xf32, #tpu.memory_space<vmem>>
    %dma_wait3A_902 = tpu.memref_slice %arg3[%add3A_259] : memref<524288xf32, #tpu.memory_space<hbm>> -> memref<512xf32, #tpu.memory_space<hbm>>
    tpu.wait_dma2 semaphore(%arg10 : memref<!tpu.dma_semaphore, #tpu.memory_space<semaphore_mem>>) src(%dma_wait3A_902 : memref<512xf32, #tpu.memory_space<hbm>>) dst(%dma_wait3A_901 : memref<512xf32, #tpu.memory_space<vmem>>)
    %dma_wait3A_903 = arith.constant 512 : i32
    %dma_wait3A_904 = tpu.memref_slice %arg6[%dma_wait3A_903] : memref<16384xf32, #tpu.memory_space<vmem>> -> memref<512xf32, #tpu.memory_space<vmem>>
    %dma_wait3A_905 = tpu.memref_slice %arg3[%add3A_267] : memref<524288xf32, #tpu.memory_space<hbm>> -> memref<512xf32, #tpu.memory_space<hbm>>
    %dma_wait3A_906 = arith.constant 512 : i32
    %dma_wait3A_907 = tpu.memref_slice %arg6[%dma_wait3A_906] : memref<16384xf32, #tpu.memory_space<vmem>> -> memref<512xf32, #tpu.memory_space<vmem>>
    %dma_wait3A_908 = tpu.memref_slice %arg3[%add3A_267] : memref<524288xf32, #tpu.memory_space<hbm>> -> memref<512xf32, #tpu.memory_space<hbm>>
    tpu.wait_dma2 semaphore(%arg10 : memref<!tpu.dma_semaphore, #tpu.memory_space<semaphore_mem>>) src(%dma_wait3A_908 : memref<512xf32, #tpu.memory_space<hbm>>) dst(%dma_wait3A_907 : memref<512xf32, #tpu.memory_space<vmem>>)
    %dma_wait3A_909 = arith.constant 1024 : i32
    %dma_wait3A_910 = tpu.memref_slice %arg6[%dma_wait3A_909] : memref<16384xf32, #tpu.memory_space<vmem>> -> memref<512xf32, #tpu.memory_space<vmem>>
    %dma_wait3A_911 = tpu.memref_slice %arg3[%add3A_275] : memref<524288xf32, #tpu.memory_space<hbm>> -> memref<512xf32, #tpu.memory_space<hbm>>
    %dma_wait3A_912 = arith.constant 1024 : i32
    %dma_wait3A_913 = tpu.memref_slice %arg6[%dma_wait3A_912] : memref<16384xf32, #tpu.memory_space<vmem>> -> memref<512xf32, #tpu.memory_space<vmem>>
    %dma_wait3A_914 = tpu.memref_slice %arg3[%add3A_275] : memref<524288xf32, #tpu.memory_space<hbm>> -> memref<512xf32, #tpu.memory_space<hbm>>
    tpu.wait_dma2 semaphore(%arg10 : memref<!tpu.dma_semaphore, #tpu.memory_space<semaphore_mem>>) src(%dma_wait3A_914 : memref<512xf32, #tpu.memory_space<hbm>>) dst(%dma_wait3A_913 : memref<512xf32, #tpu.memory_space<vmem>>)
    %dma_wait3A_915 = arith.constant 1536 : i32
    %dma_wait3A_916 = tpu.memref_slice %arg6[%dma_wait3A_915] : memref<16384xf32, #tpu.memory_space<vmem>> -> memref<512xf32, #tpu.memory_space<vmem>>
    %dma_wait3A_917 = tpu.memref_slice %arg3[%add3A_283] : memref<524288xf32, #tpu.memory_space<hbm>> -> memref<512xf32, #tpu.memory_space<hbm>>
    %dma_wait3A_918 = arith.constant 1536 : i32
    %dma_wait3A_919 = tpu.memref_slice %arg6[%dma_wait3A_918] : memref<16384xf32, #tpu.memory_space<vmem>> -> memref<512xf32, #tpu.memory_space<vmem>>
    %dma_wait3A_920 = tpu.memref_slice %arg3[%add3A_283] : memref<524288xf32, #tpu.memory_space<hbm>> -> memref<512xf32, #tpu.memory_space<hbm>>
    tpu.wait_dma2 semaphore(%arg10 : memref<!tpu.dma_semaphore, #tpu.memory_space<semaphore_mem>>) src(%dma_wait3A_920 : memref<512xf32, #tpu.memory_space<hbm>>) dst(%dma_wait3A_919 : memref<512xf32, #tpu.memory_space<vmem>>)
    %dma_wait3A_921 = arith.constant 2048 : i32
    %dma_wait3A_922 = tpu.memref_slice %arg6[%dma_wait3A_921] : memref<16384xf32, #tpu.memory_space<vmem>> -> memref<512xf32, #tpu.memory_space<vmem>>
    %dma_wait3A_923 = tpu.memref_slice %arg3[%add3A_291] : memref<524288xf32, #tpu.memory_space<hbm>> -> memref<512xf32, #tpu.memory_space<hbm>>
    %dma_wait3A_924 = arith.constant 2048 : i32
    %dma_wait3A_925 = tpu.memref_slice %arg6[%dma_wait3A_924] : memref<16384xf32, #tpu.memory_space<vmem>> -> memref<512xf32, #tpu.memory_space<vmem>>
    %dma_wait3A_926 = tpu.memref_slice %arg3[%add3A_291] : memref<524288xf32, #tpu.memory_space<hbm>> -> memref<512xf32, #tpu.memory_space<hbm>>
    tpu.wait_dma2 semaphore(%arg10 : memref<!tpu.dma_semaphore, #tpu.memory_space<semaphore_mem>>) src(%dma_wait3A_926 : memref<512xf32, #tpu.memory_space<hbm>>) dst(%dma_wait3A_925 : memref<512xf32, #tpu.memory_space<vmem>>)
    %dma_wait3A_927 = arith.constant 2560 : i32
    %dma_wait3A_928 = tpu.memref_slice %arg6[%dma_wait3A_927] : memref<16384xf32, #tpu.memory_space<vmem>> -> memref<512xf32, #tpu.memory_space<vmem>>
    %dma_wait3A_929 = tpu.memref_slice %arg3[%add3A_299] : memref<524288xf32, #tpu.memory_space<hbm>> -> memref<512xf32, #tpu.memory_space<hbm>>
    %dma_wait3A_930 = arith.constant 2560 : i32
    %dma_wait3A_931 = tpu.memref_slice %arg6[%dma_wait3A_930] : memref<16384xf32, #tpu.memory_space<vmem>> -> memref<512xf32, #tpu.memory_space<vmem>>
    %dma_wait3A_932 = tpu.memref_slice %arg3[%add3A_299] : memref<524288xf32, #tpu.memory_space<hbm>> -> memref<512xf32, #tpu.memory_space<hbm>>
    tpu.wait_dma2 semaphore(%arg10 : memref<!tpu.dma_semaphore, #tpu.memory_space<semaphore_mem>>) src(%dma_wait3A_932 : memref<512xf32, #tpu.memory_space<hbm>>) dst(%dma_wait3A_931 : memref<512xf32, #tpu.memory_space<vmem>>)
    %dma_wait3A_933 = arith.constant 3072 : i32
    %dma_wait3A_934 = tpu.memref_slice %arg6[%dma_wait3A_933] : memref<16384xf32, #tpu.memory_space<vmem>> -> memref<512xf32, #tpu.memory_space<vmem>>
    %dma_wait3A_935 = tpu.memref_slice %arg3[%add3A_307] : memref<524288xf32, #tpu.memory_space<hbm>> -> memref<512xf32, #tpu.memory_space<hbm>>
    %dma_wait3A_936 = arith.constant 3072 : i32
    %dma_wait3A_937 = tpu.memref_slice %arg6[%dma_wait3A_936] : memref<16384xf32, #tpu.memory_space<vmem>> -> memref<512xf32, #tpu.memory_space<vmem>>
    %dma_wait3A_938 = tpu.memref_slice %arg3[%add3A_307] : memref<524288xf32, #tpu.memory_space<hbm>> -> memref<512xf32, #tpu.memory_space<hbm>>
    tpu.wait_dma2 semaphore(%arg10 : memref<!tpu.dma_semaphore, #tpu.memory_space<semaphore_mem>>) src(%dma_wait3A_938 : memref<512xf32, #tpu.memory_space<hbm>>) dst(%dma_wait3A_937 : memref<512xf32, #tpu.memory_space<vmem>>)
    %dma_wait3A_939 = arith.constant 3584 : i32
    %dma_wait3A_940 = tpu.memref_slice %arg6[%dma_wait3A_939] : memref<16384xf32, #tpu.memory_space<vmem>> -> memref<512xf32, #tpu.memory_space<vmem>>
    %dma_wait3A_941 = tpu.memref_slice %arg3[%add3A_315] : memref<524288xf32, #tpu.memory_space<hbm>> -> memref<512xf32, #tpu.memory_space<hbm>>
    %dma_wait3A_942 = arith.constant 3584 : i32
    %dma_wait3A_943 = tpu.memref_slice %arg6[%dma_wait3A_942] : memref<16384xf32, #tpu.memory_space<vmem>> -> memref<512xf32, #tpu.memory_space<vmem>>
    %dma_wait3A_944 = tpu.memref_slice %arg3[%add3A_315] : memref<524288xf32, #tpu.memory_space<hbm>> -> memref<512xf32, #tpu.memory_space<hbm>>
    tpu.wait_dma2 semaphore(%arg10 : memref<!tpu.dma_semaphore, #tpu.memory_space<semaphore_mem>>) src(%dma_wait3A_944 : memref<512xf32, #tpu.memory_space<hbm>>) dst(%dma_wait3A_943 : memref<512xf32, #tpu.memory_space<vmem>>)
    %dma_wait3A_945 = arith.constant 4096 : i32
    %dma_wait3A_946 = tpu.memref_slice %arg6[%dma_wait3A_945] : memref<16384xf32, #tpu.memory_space<vmem>> -> memref<512xf32, #tpu.memory_space<vmem>>
    %dma_wait3A_947 = tpu.memref_slice %arg3[%add3A_323] : memref<524288xf32, #tpu.memory_space<hbm>> -> memref<512xf32, #tpu.memory_space<hbm>>
    %dma_wait3A_948 = arith.constant 4096 : i32
    %dma_wait3A_949 = tpu.memref_slice %arg6[%dma_wait3A_948] : memref<16384xf32, #tpu.memory_space<vmem>> -> memref<512xf32, #tpu.memory_space<vmem>>
    %dma_wait3A_950 = tpu.memref_slice %arg3[%add3A_323] : memref<524288xf32, #tpu.memory_space<hbm>> -> memref<512xf32, #tpu.memory_space<hbm>>
    tpu.wait_dma2 semaphore(%arg10 : memref<!tpu.dma_semaphore, #tpu.memory_space<semaphore_mem>>) src(%dma_wait3A_950 : memref<512xf32, #tpu.memory_space<hbm>>) dst(%dma_wait3A_949 : memref<512xf32, #tpu.memory_space<vmem>>)
    %dma_wait3A_951 = arith.constant 4608 : i32
    %dma_wait3A_952 = tpu.memref_slice %arg6[%dma_wait3A_951] : memref<16384xf32, #tpu.memory_space<vmem>> -> memref<512xf32, #tpu.memory_space<vmem>>
    %dma_wait3A_953 = tpu.memref_slice %arg3[%add3A_331] : memref<524288xf32, #tpu.memory_space<hbm>> -> memref<512xf32, #tpu.memory_space<hbm>>
    %dma_wait3A_954 = arith.constant 4608 : i32
    %dma_wait3A_955 = tpu.memref_slice %arg6[%dma_wait3A_954] : memref<16384xf32, #tpu.memory_space<vmem>> -> memref<512xf32, #tpu.memory_space<vmem>>
    %dma_wait3A_956 = tpu.memref_slice %arg3[%add3A_331] : memref<524288xf32, #tpu.memory_space<hbm>> -> memref<512xf32, #tpu.memory_space<hbm>>
    tpu.wait_dma2 semaphore(%arg10 : memref<!tpu.dma_semaphore, #tpu.memory_space<semaphore_mem>>) src(%dma_wait3A_956 : memref<512xf32, #tpu.memory_space<hbm>>) dst(%dma_wait3A_955 : memref<512xf32, #tpu.memory_space<vmem>>)
    %dma_wait3A_957 = arith.constant 5120 : i32
    %dma_wait3A_958 = tpu.memref_slice %arg6[%dma_wait3A_957] : memref<16384xf32, #tpu.memory_space<vmem>> -> memref<512xf32, #tpu.memory_space<vmem>>
    %dma_wait3A_959 = tpu.memref_slice %arg3[%add3A_339] : memref<524288xf32, #tpu.memory_space<hbm>> -> memref<512xf32, #tpu.memory_space<hbm>>
    %dma_wait3A_960 = arith.constant 5120 : i32
    %dma_wait3A_961 = tpu.memref_slice %arg6[%dma_wait3A_960] : memref<16384xf32, #tpu.memory_space<vmem>> -> memref<512xf32, #tpu.memory_space<vmem>>
    %dma_wait3A_962 = tpu.memref_slice %arg3[%add3A_339] : memref<524288xf32, #tpu.memory_space<hbm>> -> memref<512xf32, #tpu.memory_space<hbm>>
    tpu.wait_dma2 semaphore(%arg10 : memref<!tpu.dma_semaphore, #tpu.memory_space<semaphore_mem>>) src(%dma_wait3A_962 : memref<512xf32, #tpu.memory_space<hbm>>) dst(%dma_wait3A_961 : memref<512xf32, #tpu.memory_space<vmem>>)
    %dma_wait3A_963 = arith.constant 5632 : i32
    %dma_wait3A_964 = tpu.memref_slice %arg6[%dma_wait3A_963] : memref<16384xf32, #tpu.memory_space<vmem>> -> memref<512xf32, #tpu.memory_space<vmem>>
    %dma_wait3A_965 = tpu.memref_slice %arg3[%add3A_347] : memref<524288xf32, #tpu.memory_space<hbm>> -> memref<512xf32, #tpu.memory_space<hbm>>
    %dma_wait3A_966 = arith.constant 5632 : i32
    %dma_wait3A_967 = tpu.memref_slice %arg6[%dma_wait3A_966] : memref<16384xf32, #tpu.memory_space<vmem>> -> memref<512xf32, #tpu.memory_space<vmem>>
    %dma_wait3A_968 = tpu.memref_slice %arg3[%add3A_347] : memref<524288xf32, #tpu.memory_space<hbm>> -> memref<512xf32, #tpu.memory_space<hbm>>
    tpu.wait_dma2 semaphore(%arg10 : memref<!tpu.dma_semaphore, #tpu.memory_space<semaphore_mem>>) src(%dma_wait3A_968 : memref<512xf32, #tpu.memory_space<hbm>>) dst(%dma_wait3A_967 : memref<512xf32, #tpu.memory_space<vmem>>)
    %dma_wait3A_969 = arith.constant 6144 : i32
    %dma_wait3A_970 = tpu.memref_slice %arg6[%dma_wait3A_969] : memref<16384xf32, #tpu.memory_space<vmem>> -> memref<512xf32, #tpu.memory_space<vmem>>
    %dma_wait3A_971 = tpu.memref_slice %arg3[%add3A_355] : memref<524288xf32, #tpu.memory_space<hbm>> -> memref<512xf32, #tpu.memory_space<hbm>>
    %dma_wait3A_972 = arith.constant 6144 : i32
    %dma_wait3A_973 = tpu.memref_slice %arg6[%dma_wait3A_972] : memref<16384xf32, #tpu.memory_space<vmem>> -> memref<512xf32, #tpu.memory_space<vmem>>
    %dma_wait3A_974 = tpu.memref_slice %arg3[%add3A_355] : memref<524288xf32, #tpu.memory_space<hbm>> -> memref<512xf32, #tpu.memory_space<hbm>>
    tpu.wait_dma2 semaphore(%arg10 : memref<!tpu.dma_semaphore, #tpu.memory_space<semaphore_mem>>) src(%dma_wait3A_974 : memref<512xf32, #tpu.memory_space<hbm>>) dst(%dma_wait3A_973 : memref<512xf32, #tpu.memory_space<vmem>>)
    %dma_wait3A_975 = arith.constant 6656 : i32
    %dma_wait3A_976 = tpu.memref_slice %arg6[%dma_wait3A_975] : memref<16384xf32, #tpu.memory_space<vmem>> -> memref<512xf32, #tpu.memory_space<vmem>>
    %dma_wait3A_977 = tpu.memref_slice %arg3[%add3A_363] : memref<524288xf32, #tpu.memory_space<hbm>> -> memref<512xf32, #tpu.memory_space<hbm>>
    %dma_wait3A_978 = arith.constant 6656 : i32
    %dma_wait3A_979 = tpu.memref_slice %arg6[%dma_wait3A_978] : memref<16384xf32, #tpu.memory_space<vmem>> -> memref<512xf32, #tpu.memory_space<vmem>>
    %dma_wait3A_980 = tpu.memref_slice %arg3[%add3A_363] : memref<524288xf32, #tpu.memory_space<hbm>> -> memref<512xf32, #tpu.memory_space<hbm>>
    tpu.wait_dma2 semaphore(%arg10 : memref<!tpu.dma_semaphore, #tpu.memory_space<semaphore_mem>>) src(%dma_wait3A_980 : memref<512xf32, #tpu.memory_space<hbm>>) dst(%dma_wait3A_979 : memref<512xf32, #tpu.memory_space<vmem>>)
    %dma_wait3A_981 = arith.constant 7168 : i32
    %dma_wait3A_982 = tpu.memref_slice %arg6[%dma_wait3A_981] : memref<16384xf32, #tpu.memory_space<vmem>> -> memref<512xf32, #tpu.memory_space<vmem>>
    %dma_wait3A_983 = tpu.memref_slice %arg3[%add3A_371] : memref<524288xf32, #tpu.memory_space<hbm>> -> memref<512xf32, #tpu.memory_space<hbm>>
    %dma_wait3A_984 = arith.constant 7168 : i32
    %dma_wait3A_985 = tpu.memref_slice %arg6[%dma_wait3A_984] : memref<16384xf32, #tpu.memory_space<vmem>> -> memref<512xf32, #tpu.memory_space<vmem>>
    %dma_wait3A_986 = tpu.memref_slice %arg3[%add3A_371] : memref<524288xf32, #tpu.memory_space<hbm>> -> memref<512xf32, #tpu.memory_space<hbm>>
    tpu.wait_dma2 semaphore(%arg10 : memref<!tpu.dma_semaphore, #tpu.memory_space<semaphore_mem>>) src(%dma_wait3A_986 : memref<512xf32, #tpu.memory_space<hbm>>) dst(%dma_wait3A_985 : memref<512xf32, #tpu.memory_space<vmem>>)
    %dma_wait3A_987 = arith.constant 7680 : i32
    %dma_wait3A_988 = tpu.memref_slice %arg6[%dma_wait3A_987] : memref<16384xf32, #tpu.memory_space<vmem>> -> memref<512xf32, #tpu.memory_space<vmem>>
    %dma_wait3A_989 = tpu.memref_slice %arg3[%add3A_379] : memref<524288xf32, #tpu.memory_space<hbm>> -> memref<512xf32, #tpu.memory_space<hbm>>
    %dma_wait3A_990 = arith.constant 7680 : i32
    %dma_wait3A_991 = tpu.memref_slice %arg6[%dma_wait3A_990] : memref<16384xf32, #tpu.memory_space<vmem>> -> memref<512xf32, #tpu.memory_space<vmem>>
    %dma_wait3A_992 = tpu.memref_slice %arg3[%add3A_379] : memref<524288xf32, #tpu.memory_space<hbm>> -> memref<512xf32, #tpu.memory_space<hbm>>
    tpu.wait_dma2 semaphore(%arg10 : memref<!tpu.dma_semaphore, #tpu.memory_space<semaphore_mem>>) src(%dma_wait3A_992 : memref<512xf32, #tpu.memory_space<hbm>>) dst(%dma_wait3A_991 : memref<512xf32, #tpu.memory_space<vmem>>)
    %dma_wait3A_993 = arith.constant 8192 : i32
    %dma_wait3A_994 = tpu.memref_slice %arg6[%dma_wait3A_993] : memref<16384xf32, #tpu.memory_space<vmem>> -> memref<512xf32, #tpu.memory_space<vmem>>
    %dma_wait3A_995 = tpu.memref_slice %arg3[%add3A_387] : memref<524288xf32, #tpu.memory_space<hbm>> -> memref<512xf32, #tpu.memory_space<hbm>>
    %dma_wait3A_996 = arith.constant 8192 : i32
    %dma_wait3A_997 = tpu.memref_slice %arg6[%dma_wait3A_996] : memref<16384xf32, #tpu.memory_space<vmem>> -> memref<512xf32, #tpu.memory_space<vmem>>
    %dma_wait3A_998 = tpu.memref_slice %arg3[%add3A_387] : memref<524288xf32, #tpu.memory_space<hbm>> -> memref<512xf32, #tpu.memory_space<hbm>>
    tpu.wait_dma2 semaphore(%arg10 : memref<!tpu.dma_semaphore, #tpu.memory_space<semaphore_mem>>) src(%dma_wait3A_998 : memref<512xf32, #tpu.memory_space<hbm>>) dst(%dma_wait3A_997 : memref<512xf32, #tpu.memory_space<vmem>>)
    %dma_wait3A_999 = arith.constant 8704 : i32
    %dma_wait3A_1000 = tpu.memref_slice %arg6[%dma_wait3A_999] : memref<16384xf32, #tpu.memory_space<vmem>> -> memref<512xf32, #tpu.memory_space<vmem>>
    %dma_wait3A_1001 = tpu.memref_slice %arg3[%add3A_395] : memref<524288xf32, #tpu.memory_space<hbm>> -> memref<512xf32, #tpu.memory_space<hbm>>
    %dma_wait3A_1002 = arith.constant 8704 : i32
    %dma_wait3A_1003 = tpu.memref_slice %arg6[%dma_wait3A_1002] : memref<16384xf32, #tpu.memory_space<vmem>> -> memref<512xf32, #tpu.memory_space<vmem>>
    %dma_wait3A_1004 = tpu.memref_slice %arg3[%add3A_395] : memref<524288xf32, #tpu.memory_space<hbm>> -> memref<512xf32, #tpu.memory_space<hbm>>
    tpu.wait_dma2 semaphore(%arg10 : memref<!tpu.dma_semaphore, #tpu.memory_space<semaphore_mem>>) src(%dma_wait3A_1004 : memref<512xf32, #tpu.memory_space<hbm>>) dst(%dma_wait3A_1003 : memref<512xf32, #tpu.memory_space<vmem>>)
    %dma_wait3A_1005 = arith.constant 9216 : i32
    %dma_wait3A_1006 = tpu.memref_slice %arg6[%dma_wait3A_1005] : memref<16384xf32, #tpu.memory_space<vmem>> -> memref<512xf32, #tpu.memory_space<vmem>>
    %dma_wait3A_1007 = tpu.memref_slice %arg3[%add3A_403] : memref<524288xf32, #tpu.memory_space<hbm>> -> memref<512xf32, #tpu.memory_space<hbm>>
    %dma_wait3A_1008 = arith.constant 9216 : i32
    %dma_wait3A_1009 = tpu.memref_slice %arg6[%dma_wait3A_1008] : memref<16384xf32, #tpu.memory_space<vmem>> -> memref<512xf32, #tpu.memory_space<vmem>>
    %dma_wait3A_1010 = tpu.memref_slice %arg3[%add3A_403] : memref<524288xf32, #tpu.memory_space<hbm>> -> memref<512xf32, #tpu.memory_space<hbm>>
    tpu.wait_dma2 semaphore(%arg10 : memref<!tpu.dma_semaphore, #tpu.memory_space<semaphore_mem>>) src(%dma_wait3A_1010 : memref<512xf32, #tpu.memory_space<hbm>>) dst(%dma_wait3A_1009 : memref<512xf32, #tpu.memory_space<vmem>>)
    %dma_wait3A_1011 = arith.constant 9728 : i32
    %dma_wait3A_1012 = tpu.memref_slice %arg6[%dma_wait3A_1011] : memref<16384xf32, #tpu.memory_space<vmem>> -> memref<512xf32, #tpu.memory_space<vmem>>
    %dma_wait3A_1013 = tpu.memref_slice %arg3[%add3A_411] : memref<524288xf32, #tpu.memory_space<hbm>> -> memref<512xf32, #tpu.memory_space<hbm>>
    %dma_wait3A_1014 = arith.constant 9728 : i32
    %dma_wait3A_1015 = tpu.memref_slice %arg6[%dma_wait3A_1014] : memref<16384xf32, #tpu.memory_space<vmem>> -> memref<512xf32, #tpu.memory_space<vmem>>
    %dma_wait3A_1016 = tpu.memref_slice %arg3[%add3A_411] : memref<524288xf32, #tpu.memory_space<hbm>> -> memref<512xf32, #tpu.memory_space<hbm>>
    tpu.wait_dma2 semaphore(%arg10 : memref<!tpu.dma_semaphore, #tpu.memory_space<semaphore_mem>>) src(%dma_wait3A_1016 : memref<512xf32, #tpu.memory_space<hbm>>) dst(%dma_wait3A_1015 : memref<512xf32, #tpu.memory_space<vmem>>)
    %dma_wait3A_1017 = arith.constant 10240 : i32
    %dma_wait3A_1018 = tpu.memref_slice %arg6[%dma_wait3A_1017] : memref<16384xf32, #tpu.memory_space<vmem>> -> memref<512xf32, #tpu.memory_space<vmem>>
    %dma_wait3A_1019 = tpu.memref_slice %arg3[%add3A_419] : memref<524288xf32, #tpu.memory_space<hbm>> -> memref<512xf32, #tpu.memory_space<hbm>>
    %dma_wait3A_1020 = arith.constant 10240 : i32
    %dma_wait3A_1021 = tpu.memref_slice %arg6[%dma_wait3A_1020] : memref<16384xf32, #tpu.memory_space<vmem>> -> memref<512xf32, #tpu.memory_space<vmem>>
    %dma_wait3A_1022 = tpu.memref_slice %arg3[%add3A_419] : memref<524288xf32, #tpu.memory_space<hbm>> -> memref<512xf32, #tpu.memory_space<hbm>>
    tpu.wait_dma2 semaphore(%arg10 : memref<!tpu.dma_semaphore, #tpu.memory_space<semaphore_mem>>) src(%dma_wait3A_1022 : memref<512xf32, #tpu.memory_space<hbm>>) dst(%dma_wait3A_1021 : memref<512xf32, #tpu.memory_space<vmem>>)
    %dma_wait3A_1023 = arith.constant 10752 : i32
    %dma_wait3A_1024 = tpu.memref_slice %arg6[%dma_wait3A_1023] : memref<16384xf32, #tpu.memory_space<vmem>> -> memref<512xf32, #tpu.memory_space<vmem>>
    %dma_wait3A_1025 = tpu.memref_slice %arg3[%add3A_427] : memref<524288xf32, #tpu.memory_space<hbm>> -> memref<512xf32, #tpu.memory_space<hbm>>
    %dma_wait3A_1026 = arith.constant 10752 : i32
    %dma_wait3A_1027 = tpu.memref_slice %arg6[%dma_wait3A_1026] : memref<16384xf32, #tpu.memory_space<vmem>> -> memref<512xf32, #tpu.memory_space<vmem>>
    %dma_wait3A_1028 = tpu.memref_slice %arg3[%add3A_427] : memref<524288xf32, #tpu.memory_space<hbm>> -> memref<512xf32, #tpu.memory_space<hbm>>
    tpu.wait_dma2 semaphore(%arg10 : memref<!tpu.dma_semaphore, #tpu.memory_space<semaphore_mem>>) src(%dma_wait3A_1028 : memref<512xf32, #tpu.memory_space<hbm>>) dst(%dma_wait3A_1027 : memref<512xf32, #tpu.memory_space<vmem>>)
    %dma_wait3A_1029 = arith.constant 11264 : i32
    %dma_wait3A_1030 = tpu.memref_slice %arg6[%dma_wait3A_1029] : memref<16384xf32, #tpu.memory_space<vmem>> -> memref<512xf32, #tpu.memory_space<vmem>>
    %dma_wait3A_1031 = tpu.memref_slice %arg3[%add3A_435] : memref<524288xf32, #tpu.memory_space<hbm>> -> memref<512xf32, #tpu.memory_space<hbm>>
    %dma_wait3A_1032 = arith.constant 11264 : i32
    %dma_wait3A_1033 = tpu.memref_slice %arg6[%dma_wait3A_1032] : memref<16384xf32, #tpu.memory_space<vmem>> -> memref<512xf32, #tpu.memory_space<vmem>>
    %dma_wait3A_1034 = tpu.memref_slice %arg3[%add3A_435] : memref<524288xf32, #tpu.memory_space<hbm>> -> memref<512xf32, #tpu.memory_space<hbm>>
    tpu.wait_dma2 semaphore(%arg10 : memref<!tpu.dma_semaphore, #tpu.memory_space<semaphore_mem>>) src(%dma_wait3A_1034 : memref<512xf32, #tpu.memory_space<hbm>>) dst(%dma_wait3A_1033 : memref<512xf32, #tpu.memory_space<vmem>>)
    %dma_wait3A_1035 = arith.constant 11776 : i32
    %dma_wait3A_1036 = tpu.memref_slice %arg6[%dma_wait3A_1035] : memref<16384xf32, #tpu.memory_space<vmem>> -> memref<512xf32, #tpu.memory_space<vmem>>
    %dma_wait3A_1037 = tpu.memref_slice %arg3[%add3A_443] : memref<524288xf32, #tpu.memory_space<hbm>> -> memref<512xf32, #tpu.memory_space<hbm>>
    %dma_wait3A_1038 = arith.constant 11776 : i32
    %dma_wait3A_1039 = tpu.memref_slice %arg6[%dma_wait3A_1038] : memref<16384xf32, #tpu.memory_space<vmem>> -> memref<512xf32, #tpu.memory_space<vmem>>
    %dma_wait3A_1040 = tpu.memref_slice %arg3[%add3A_443] : memref<524288xf32, #tpu.memory_space<hbm>> -> memref<512xf32, #tpu.memory_space<hbm>>
    tpu.wait_dma2 semaphore(%arg10 : memref<!tpu.dma_semaphore, #tpu.memory_space<semaphore_mem>>) src(%dma_wait3A_1040 : memref<512xf32, #tpu.memory_space<hbm>>) dst(%dma_wait3A_1039 : memref<512xf32, #tpu.memory_space<vmem>>)
    %dma_wait3A_1041 = arith.constant 12288 : i32
    %dma_wait3A_1042 = tpu.memref_slice %arg6[%dma_wait3A_1041] : memref<16384xf32, #tpu.memory_space<vmem>> -> memref<512xf32, #tpu.memory_space<vmem>>
    %dma_wait3A_1043 = tpu.memref_slice %arg3[%add3A_451] : memref<524288xf32, #tpu.memory_space<hbm>> -> memref<512xf32, #tpu.memory_space<hbm>>
    %dma_wait3A_1044 = arith.constant 12288 : i32
    %dma_wait3A_1045 = tpu.memref_slice %arg6[%dma_wait3A_1044] : memref<16384xf32, #tpu.memory_space<vmem>> -> memref<512xf32, #tpu.memory_space<vmem>>
    %dma_wait3A_1046 = tpu.memref_slice %arg3[%add3A_451] : memref<524288xf32, #tpu.memory_space<hbm>> -> memref<512xf32, #tpu.memory_space<hbm>>
    tpu.wait_dma2 semaphore(%arg10 : memref<!tpu.dma_semaphore, #tpu.memory_space<semaphore_mem>>) src(%dma_wait3A_1046 : memref<512xf32, #tpu.memory_space<hbm>>) dst(%dma_wait3A_1045 : memref<512xf32, #tpu.memory_space<vmem>>)
    %dma_wait3A_1047 = arith.constant 12800 : i32
    %dma_wait3A_1048 = tpu.memref_slice %arg6[%dma_wait3A_1047] : memref<16384xf32, #tpu.memory_space<vmem>> -> memref<512xf32, #tpu.memory_space<vmem>>
    %dma_wait3A_1049 = tpu.memref_slice %arg3[%add3A_459] : memref<524288xf32, #tpu.memory_space<hbm>> -> memref<512xf32, #tpu.memory_space<hbm>>
    %dma_wait3A_1050 = arith.constant 12800 : i32
    %dma_wait3A_1051 = tpu.memref_slice %arg6[%dma_wait3A_1050] : memref<16384xf32, #tpu.memory_space<vmem>> -> memref<512xf32, #tpu.memory_space<vmem>>
    %dma_wait3A_1052 = tpu.memref_slice %arg3[%add3A_459] : memref<524288xf32, #tpu.memory_space<hbm>> -> memref<512xf32, #tpu.memory_space<hbm>>
    tpu.wait_dma2 semaphore(%arg10 : memref<!tpu.dma_semaphore, #tpu.memory_space<semaphore_mem>>) src(%dma_wait3A_1052 : memref<512xf32, #tpu.memory_space<hbm>>) dst(%dma_wait3A_1051 : memref<512xf32, #tpu.memory_space<vmem>>)
    %dma_wait3A_1053 = arith.constant 13312 : i32
    %dma_wait3A_1054 = tpu.memref_slice %arg6[%dma_wait3A_1053] : memref<16384xf32, #tpu.memory_space<vmem>> -> memref<512xf32, #tpu.memory_space<vmem>>
    %dma_wait3A_1055 = tpu.memref_slice %arg3[%add3A_467] : memref<524288xf32, #tpu.memory_space<hbm>> -> memref<512xf32, #tpu.memory_space<hbm>>
    %dma_wait3A_1056 = arith.constant 13312 : i32
    %dma_wait3A_1057 = tpu.memref_slice %arg6[%dma_wait3A_1056] : memref<16384xf32, #tpu.memory_space<vmem>> -> memref<512xf32, #tpu.memory_space<vmem>>
    %dma_wait3A_1058 = tpu.memref_slice %arg3[%add3A_467] : memref<524288xf32, #tpu.memory_space<hbm>> -> memref<512xf32, #tpu.memory_space<hbm>>
    tpu.wait_dma2 semaphore(%arg10 : memref<!tpu.dma_semaphore, #tpu.memory_space<semaphore_mem>>) src(%dma_wait3A_1058 : memref<512xf32, #tpu.memory_space<hbm>>) dst(%dma_wait3A_1057 : memref<512xf32, #tpu.memory_space<vmem>>)
    %dma_wait3A_1059 = arith.constant 13824 : i32
    %dma_wait3A_1060 = tpu.memref_slice %arg6[%dma_wait3A_1059] : memref<16384xf32, #tpu.memory_space<vmem>> -> memref<512xf32, #tpu.memory_space<vmem>>
    %dma_wait3A_1061 = tpu.memref_slice %arg3[%add3A_475] : memref<524288xf32, #tpu.memory_space<hbm>> -> memref<512xf32, #tpu.memory_space<hbm>>
    %dma_wait3A_1062 = arith.constant 13824 : i32
    %dma_wait3A_1063 = tpu.memref_slice %arg6[%dma_wait3A_1062] : memref<16384xf32, #tpu.memory_space<vmem>> -> memref<512xf32, #tpu.memory_space<vmem>>
    %dma_wait3A_1064 = tpu.memref_slice %arg3[%add3A_475] : memref<524288xf32, #tpu.memory_space<hbm>> -> memref<512xf32, #tpu.memory_space<hbm>>
    tpu.wait_dma2 semaphore(%arg10 : memref<!tpu.dma_semaphore, #tpu.memory_space<semaphore_mem>>) src(%dma_wait3A_1064 : memref<512xf32, #tpu.memory_space<hbm>>) dst(%dma_wait3A_1063 : memref<512xf32, #tpu.memory_space<vmem>>)
    %dma_wait3A_1065 = arith.constant 14336 : i32
    %dma_wait3A_1066 = tpu.memref_slice %arg6[%dma_wait3A_1065] : memref<16384xf32, #tpu.memory_space<vmem>> -> memref<512xf32, #tpu.memory_space<vmem>>
    %dma_wait3A_1067 = tpu.memref_slice %arg3[%add3A_483] : memref<524288xf32, #tpu.memory_space<hbm>> -> memref<512xf32, #tpu.memory_space<hbm>>
    %dma_wait3A_1068 = arith.constant 14336 : i32
    %dma_wait3A_1069 = tpu.memref_slice %arg6[%dma_wait3A_1068] : memref<16384xf32, #tpu.memory_space<vmem>> -> memref<512xf32, #tpu.memory_space<vmem>>
    %dma_wait3A_1070 = tpu.memref_slice %arg3[%add3A_483] : memref<524288xf32, #tpu.memory_space<hbm>> -> memref<512xf32, #tpu.memory_space<hbm>>
    tpu.wait_dma2 semaphore(%arg10 : memref<!tpu.dma_semaphore, #tpu.memory_space<semaphore_mem>>) src(%dma_wait3A_1070 : memref<512xf32, #tpu.memory_space<hbm>>) dst(%dma_wait3A_1069 : memref<512xf32, #tpu.memory_space<vmem>>)
    %dma_wait3A_1071 = arith.constant 14848 : i32
    %dma_wait3A_1072 = tpu.memref_slice %arg6[%dma_wait3A_1071] : memref<16384xf32, #tpu.memory_space<vmem>> -> memref<512xf32, #tpu.memory_space<vmem>>
    %dma_wait3A_1073 = tpu.memref_slice %arg3[%add3A_491] : memref<524288xf32, #tpu.memory_space<hbm>> -> memref<512xf32, #tpu.memory_space<hbm>>
    %dma_wait3A_1074 = arith.constant 14848 : i32
    %dma_wait3A_1075 = tpu.memref_slice %arg6[%dma_wait3A_1074] : memref<16384xf32, #tpu.memory_space<vmem>> -> memref<512xf32, #tpu.memory_space<vmem>>
    %dma_wait3A_1076 = tpu.memref_slice %arg3[%add3A_491] : memref<524288xf32, #tpu.memory_space<hbm>> -> memref<512xf32, #tpu.memory_space<hbm>>
    tpu.wait_dma2 semaphore(%arg10 : memref<!tpu.dma_semaphore, #tpu.memory_space<semaphore_mem>>) src(%dma_wait3A_1076 : memref<512xf32, #tpu.memory_space<hbm>>) dst(%dma_wait3A_1075 : memref<512xf32, #tpu.memory_space<vmem>>)
    %dma_wait3A_1077 = arith.constant 15360 : i32
    %dma_wait3A_1078 = tpu.memref_slice %arg6[%dma_wait3A_1077] : memref<16384xf32, #tpu.memory_space<vmem>> -> memref<512xf32, #tpu.memory_space<vmem>>
    %dma_wait3A_1079 = tpu.memref_slice %arg3[%add3A_499] : memref<524288xf32, #tpu.memory_space<hbm>> -> memref<512xf32, #tpu.memory_space<hbm>>
    %dma_wait3A_1080 = arith.constant 15360 : i32
    %dma_wait3A_1081 = tpu.memref_slice %arg6[%dma_wait3A_1080] : memref<16384xf32, #tpu.memory_space<vmem>> -> memref<512xf32, #tpu.memory_space<vmem>>
    %dma_wait3A_1082 = tpu.memref_slice %arg3[%add3A_499] : memref<524288xf32, #tpu.memory_space<hbm>> -> memref<512xf32, #tpu.memory_space<hbm>>
    tpu.wait_dma2 semaphore(%arg10 : memref<!tpu.dma_semaphore, #tpu.memory_space<semaphore_mem>>) src(%dma_wait3A_1082 : memref<512xf32, #tpu.memory_space<hbm>>) dst(%dma_wait3A_1081 : memref<512xf32, #tpu.memory_space<vmem>>)
    %dma_wait3A_1083 = arith.constant 15872 : i32
    %dma_wait3A_1084 = tpu.memref_slice %arg6[%dma_wait3A_1083] : memref<16384xf32, #tpu.memory_space<vmem>> -> memref<512xf32, #tpu.memory_space<vmem>>
    %dma_wait3A_1085 = tpu.memref_slice %arg3[%add3A_507] : memref<524288xf32, #tpu.memory_space<hbm>> -> memref<512xf32, #tpu.memory_space<hbm>>
    %dma_wait3A_1086 = arith.constant 15872 : i32
    %dma_wait3A_1087 = tpu.memref_slice %arg6[%dma_wait3A_1086] : memref<16384xf32, #tpu.memory_space<vmem>> -> memref<512xf32, #tpu.memory_space<vmem>>
    %dma_wait3A_1088 = tpu.memref_slice %arg3[%add3A_507] : memref<524288xf32, #tpu.memory_space<hbm>> -> memref<512xf32, #tpu.memory_space<hbm>>
    tpu.wait_dma2 semaphore(%arg10 : memref<!tpu.dma_semaphore, #tpu.memory_space<semaphore_mem>>) src(%dma_wait3A_1088 : memref<512xf32, #tpu.memory_space<hbm>>) dst(%dma_wait3A_1087 : memref<512xf32, #tpu.memory_space<vmem>>)
    %iota3A = tpu.iota {dimensions = array<i32: 0>} : vector<16xi32>
    %mul3A_1089 = arith.constant 32 : i32
    %mul3A_1090 = vector.broadcast %mul3A_1089 : i32 to vector<16xi32>
    %mul3A_1091 = arith.muli %iota3A, %mul3A_1090 : vector<16xi32>
    %broadcast_in_dim3A_1092 = arith.constant 1.000000e+00 : f32
    %broadcast_in_dim3A_1093 = vector.broadcast %broadcast_in_dim3A_1092 : f32 to vector<16xf32>
    %scan3A = arith.constant 0 : i32
    %scan3A_1094 = arith.constant 0 : i32
    %scan3A_1095 = arith.constant 32 : i32
    %scan3A_1096 = arith.addi %scan3A_1094, %scan3A_1095 : i32
    %scan3A_1097 = arith.constant 1 : i32
    scf.for %scan3A_1410 = %scan3A_1094 to %scan3A_1096 step %scan3A_1097  : i32 {
      %mul3A_1411 = arith.constant 16 : i32
      %mul3A_1412 = arith.muli %scan3A_1410, %mul3A_1411 : i32
      %add3A_1413 = arith.constant 0 : i32
      %add3A_1414 = arith.addi %add3A_1413, %mul3A_1412 : i32
      %get3A_1415 = arith.index_cast %add3A_1414 : i32 to index
      %get3A_1416 = tpu.vector_load %arg5[%get3A_1415] {strides = array<i32>} : memref<16384xf32, #tpu.memory_space<vmem>>, vector<16xf32>,
      %add3A_1417 = arith.constant 512 : i32
      %add3A_1418 = arith.addi %add3A_1417, %mul3A_1412 : i32
      %get3A_1419 = arith.index_cast %add3A_1418 : i32 to index
      %get3A_1420 = tpu.vector_load %arg5[%get3A_1419] {strides = array<i32>} : memref<16384xf32, #tpu.memory_space<vmem>>, vector<16xf32>,
      %add3A_1421 = arith.constant 1024 : i32
      %add3A_1422 = arith.addi %add3A_1421, %mul3A_1412 : i32
      %get3A_1423 = arith.index_cast %add3A_1422 : i32 to index
      %get3A_1424 = tpu.vector_load %arg5[%get3A_1423] {strides = array<i32>} : memref<16384xf32, #tpu.memory_space<vmem>>, vector<16xf32>,
      %add3A_1425 = arith.constant 1536 : i32
      %add3A_1426 = arith.addi %add3A_1425, %mul3A_1412 : i32
      %get3A_1427 = arith.index_cast %add3A_1426 : i32 to index
      %get3A_1428 = tpu.vector_load %arg5[%get3A_1427] {strides = array<i32>} : memref<16384xf32, #tpu.memory_space<vmem>>, vector<16xf32>,
      %add3A_1429 = arith.constant 2048 : i32
      %add3A_1430 = arith.addi %add3A_1429, %mul3A_1412 : i32
      %get3A_1431 = arith.index_cast %add3A_1430 : i32 to index
      %get3A_1432 = tpu.vector_load %arg5[%get3A_1431] {strides = array<i32>} : memref<16384xf32, #tpu.memory_space<vmem>>, vector<16xf32>,
      %add3A_1433 = arith.constant 2560 : i32
      %add3A_1434 = arith.addi %add3A_1433, %mul3A_1412 : i32
      %get3A_1435 = arith.index_cast %add3A_1434 : i32 to index
      %get3A_1436 = tpu.vector_load %arg5[%get3A_1435] {strides = array<i32>} : memref<16384xf32, #tpu.memory_space<vmem>>, vector<16xf32>,
      %add3A_1437 = arith.constant 3072 : i32
      %add3A_1438 = arith.addi %add3A_1437, %mul3A_1412 : i32
      %get3A_1439 = arith.index_cast %add3A_1438 : i32 to index
      %get3A_1440 = tpu.vector_load %arg5[%get3A_1439] {strides = array<i32>} : memref<16384xf32, #tpu.memory_space<vmem>>, vector<16xf32>,
      %add3A_1441 = arith.constant 3584 : i32
      %add3A_1442 = arith.addi %add3A_1441, %mul3A_1412 : i32
      %get3A_1443 = arith.index_cast %add3A_1442 : i32 to index
      %get3A_1444 = tpu.vector_load %arg5[%get3A_1443] {strides = array<i32>} : memref<16384xf32, #tpu.memory_space<vmem>>, vector<16xf32>,
      %ge3A = arith.cmpf oge, %get3A_1416, %get3A_1420 : vector<16xf32>
      %max3A = arith.maximumf %get3A_1416, %get3A_1420 : vector<16xf32>
      %jit3A = arith.constant 0 : i32
      %jit3A_1445 = arith.constant 1 : i32
      %broadcast_in_dim3A_1446 = vector.broadcast %jit3A : i32 to vector<16xi32>
      %broadcast_in_dim3A_1447 = vector.broadcast %jit3A_1445 : i32 to vector<16xi32>
      %select_n3A = arith.select %ge3A, %broadcast_in_dim3A_1446, %broadcast_in_dim3A_1447 : vector<16xi1>, vector<16xi32>
      %ge3A_1448 = arith.cmpf oge, %get3A_1424, %get3A_1428 : vector<16xf32>
      %max3A_1449 = arith.maximumf %get3A_1424, %get3A_1428 : vector<16xf32>
      %jit3A_1450 = arith.constant 2 : i32
      %jit3A_1451 = arith.constant 3 : i32
      %broadcast_in_dim3A_1452 = vector.broadcast %jit3A_1450 : i32 to vector<16xi32>
      %broadcast_in_dim3A_1453 = vector.broadcast %jit3A_1451 : i32 to vector<16xi32>
      %select_n3A_1454 = arith.select %ge3A_1448, %broadcast_in_dim3A_1452, %broadcast_in_dim3A_1453 : vector<16xi1>, vector<16xi32>
      %ge3A_1455 = arith.cmpf oge, %get3A_1432, %get3A_1436 : vector<16xf32>
      %max3A_1456 = arith.maximumf %get3A_1432, %get3A_1436 : vector<16xf32>
      %jit3A_1457 = arith.constant 4 : i32
      %jit3A_1458 = arith.constant 5 : i32
      %broadcast_in_dim3A_1459 = vector.broadcast %jit3A_1457 : i32 to vector<16xi32>
      %broadcast_in_dim3A_1460 = vector.broadcast %jit3A_1458 : i32 to vector<16xi32>
      %select_n3A_1461 = arith.select %ge3A_1455, %broadcast_in_dim3A_1459, %broadcast_in_dim3A_1460 : vector<16xi1>, vector<16xi32>
      %ge3A_1462 = arith.cmpf oge, %get3A_1440, %get3A_1444 : vector<16xf32>
      %max3A_1463 = arith.maximumf %get3A_1440, %get3A_1444 : vector<16xf32>
      %jit3A_1464 = arith.constant 6 : i32
      %jit3A_1465 = arith.constant 7 : i32
      %broadcast_in_dim3A_1466 = vector.broadcast %jit3A_1464 : i32 to vector<16xi32>
      %broadcast_in_dim3A_1467 = vector.broadcast %jit3A_1465 : i32 to vector<16xi32>
      %select_n3A_1468 = arith.select %ge3A_1462, %broadcast_in_dim3A_1466, %broadcast_in_dim3A_1467 : vector<16xi1>, vector<16xi32>
      %ge3A_1469 = arith.cmpf oge, %max3A, %max3A_1449 : vector<16xf32>
      %max3A_1470 = arith.maximumf %max3A, %max3A_1449 : vector<16xf32>
      %select_n3A_1471 = arith.select %ge3A_1469, %select_n3A, %select_n3A_1454 : vector<16xi1>, vector<16xi32>
      %ge3A_1472 = arith.cmpf oge, %max3A_1456, %max3A_1463 : vector<16xf32>
      %max3A_1473 = arith.maximumf %max3A_1456, %max3A_1463 : vector<16xf32>
      %select_n3A_1474 = arith.select %ge3A_1472, %select_n3A_1461, %select_n3A_1468 : vector<16xi1>, vector<16xi32>
      %ge3A_1475 = arith.cmpf oge, %max3A_1470, %max3A_1473 : vector<16xf32>
      %max3A_1476 = arith.maximumf %max3A_1470, %max3A_1473 : vector<16xf32>
      %select_n3A_1477 = arith.select %ge3A_1475, %select_n3A_1471, %select_n3A_1474 : vector<16xi1>, vector<16xi32>
      %add3A_1478 = arith.constant 4096 : i32
      %add3A_1479 = arith.addi %add3A_1478, %mul3A_1412 : i32
      %get3A_1480 = arith.index_cast %add3A_1479 : i32 to index
      %get3A_1481 = tpu.vector_load %arg5[%get3A_1480] {strides = array<i32>} : memref<16384xf32, #tpu.memory_space<vmem>>, vector<16xf32>,
      %add3A_1482 = arith.constant 4608 : i32
      %add3A_1483 = arith.addi %add3A_1482, %mul3A_1412 : i32
      %get3A_1484 = arith.index_cast %add3A_1483 : i32 to index
      %get3A_1485 = tpu.vector_load %arg5[%get3A_1484] {strides = array<i32>} : memref<16384xf32, #tpu.memory_space<vmem>>, vector<16xf32>,
      %add3A_1486 = arith.constant 5120 : i32
      %add3A_1487 = arith.addi %add3A_1486, %mul3A_1412 : i32
      %get3A_1488 = arith.index_cast %add3A_1487 : i32 to index
      %get3A_1489 = tpu.vector_load %arg5[%get3A_1488] {strides = array<i32>} : memref<16384xf32, #tpu.memory_space<vmem>>, vector<16xf32>,
      %add3A_1490 = arith.constant 5632 : i32
      %add3A_1491 = arith.addi %add3A_1490, %mul3A_1412 : i32
      %get3A_1492 = arith.index_cast %add3A_1491 : i32 to index
      %get3A_1493 = tpu.vector_load %arg5[%get3A_1492] {strides = array<i32>} : memref<16384xf32, #tpu.memory_space<vmem>>, vector<16xf32>,
      %add3A_1494 = arith.constant 6144 : i32
      %add3A_1495 = arith.addi %add3A_1494, %mul3A_1412 : i32
      %get3A_1496 = arith.index_cast %add3A_1495 : i32 to index
      %get3A_1497 = tpu.vector_load %arg5[%get3A_1496] {strides = array<i32>} : memref<16384xf32, #tpu.memory_space<vmem>>, vector<16xf32>,
      %add3A_1498 = arith.constant 6656 : i32
      %add3A_1499 = arith.addi %add3A_1498, %mul3A_1412 : i32
      %get3A_1500 = arith.index_cast %add3A_1499 : i32 to index
      %get3A_1501 = tpu.vector_load %arg5[%get3A_1500] {strides = array<i32>} : memref<16384xf32, #tpu.memory_space<vmem>>, vector<16xf32>,
      %add3A_1502 = arith.constant 7168 : i32
      %add3A_1503 = arith.addi %add3A_1502, %mul3A_1412 : i32
      %get3A_1504 = arith.index_cast %add3A_1503 : i32 to index
      %get3A_1505 = tpu.vector_load %arg5[%get3A_1504] {strides = array<i32>} : memref<16384xf32, #tpu.memory_space<vmem>>, vector<16xf32>,
      %add3A_1506 = arith.constant 7680 : i32
      %add3A_1507 = arith.addi %add3A_1506, %mul3A_1412 : i32
      %get3A_1508 = arith.index_cast %add3A_1507 : i32 to index
      %get3A_1509 = tpu.vector_load %arg5[%get3A_1508] {strides = array<i32>} : memref<16384xf32, #tpu.memory_space<vmem>>, vector<16xf32>,
      %ge3A_1510 = arith.cmpf oge, %get3A_1481, %get3A_1485 : vector<16xf32>
      %max3A_1511 = arith.maximumf %get3A_1481, %get3A_1485 : vector<16xf32>
      %jit3A_1512 = arith.constant 8 : i32
      %jit3A_1513 = arith.constant 9 : i32
      %broadcast_in_dim3A_1514 = vector.broadcast %jit3A_1512 : i32 to vector<16xi32>
      %broadcast_in_dim3A_1515 = vector.broadcast %jit3A_1513 : i32 to vector<16xi32>
      %select_n3A_1516 = arith.select %ge3A_1510, %broadcast_in_dim3A_1514, %broadcast_in_dim3A_1515 : vector<16xi1>, vector<16xi32>
      %ge3A_1517 = arith.cmpf oge, %get3A_1489, %get3A_1493 : vector<16xf32>
      %max3A_1518 = arith.maximumf %get3A_1489, %get3A_1493 : vector<16xf32>
      %jit3A_1519 = arith.constant 10 : i32
      %jit3A_1520 = arith.constant 11 : i32
      %broadcast_in_dim3A_1521 = vector.broadcast %jit3A_1519 : i32 to vector<16xi32>
      %broadcast_in_dim3A_1522 = vector.broadcast %jit3A_1520 : i32 to vector<16xi32>
      %select_n3A_1523 = arith.select %ge3A_1517, %broadcast_in_dim3A_1521, %broadcast_in_dim3A_1522 : vector<16xi1>, vector<16xi32>
      %ge3A_1524 = arith.cmpf oge, %get3A_1497, %get3A_1501 : vector<16xf32>
      %max3A_1525 = arith.maximumf %get3A_1497, %get3A_1501 : vector<16xf32>
      %jit3A_1526 = arith.constant 12 : i32
      %jit3A_1527 = arith.constant 13 : i32
      %broadcast_in_dim3A_1528 = vector.broadcast %jit3A_1526 : i32 to vector<16xi32>
      %broadcast_in_dim3A_1529 = vector.broadcast %jit3A_1527 : i32 to vector<16xi32>
      %select_n3A_1530 = arith.select %ge3A_1524, %broadcast_in_dim3A_1528, %broadcast_in_dim3A_1529 : vector<16xi1>, vector<16xi32>
      %ge3A_1531 = arith.cmpf oge, %get3A_1505, %get3A_1509 : vector<16xf32>
      %max3A_1532 = arith.maximumf %get3A_1505, %get3A_1509 : vector<16xf32>
      %jit3A_1533 = arith.constant 14 : i32
      %jit3A_1534 = arith.constant 15 : i32
      %broadcast_in_dim3A_1535 = vector.broadcast %jit3A_1533 : i32 to vector<16xi32>
      %broadcast_in_dim3A_1536 = vector.broadcast %jit3A_1534 : i32 to vector<16xi32>
      %select_n3A_1537 = arith.select %ge3A_1531, %broadcast_in_dim3A_1535, %broadcast_in_dim3A_1536 : vector<16xi1>, vector<16xi32>
      %ge3A_1538 = arith.cmpf oge, %max3A_1511, %max3A_1518 : vector<16xf32>
      %max3A_1539 = arith.maximumf %max3A_1511, %max3A_1518 : vector<16xf32>
      %select_n3A_1540 = arith.select %ge3A_1538, %select_n3A_1516, %select_n3A_1523 : vector<16xi1>, vector<16xi32>
      %ge3A_1541 = arith.cmpf oge, %max3A_1525, %max3A_1532 : vector<16xf32>
      %max3A_1542 = arith.maximumf %max3A_1525, %max3A_1532 : vector<16xf32>
      %select_n3A_1543 = arith.select %ge3A_1541, %select_n3A_1530, %select_n3A_1537 : vector<16xi1>, vector<16xi32>
      %ge3A_1544 = arith.cmpf oge, %max3A_1539, %max3A_1542 : vector<16xf32>
      %max3A_1545 = arith.maximumf %max3A_1539, %max3A_1542 : vector<16xf32>
      %select_n3A_1546 = arith.select %ge3A_1544, %select_n3A_1540, %select_n3A_1543 : vector<16xi1>, vector<16xi32>
      %ge3A_1547 = arith.cmpf oge, %max3A_1476, %max3A_1545 : vector<16xf32>
      %select_n3A_1548 = arith.select %ge3A_1547, %select_n3A_1477, %select_n3A_1546 : vector<16xi1>, vector<16xi32>
      %max3A_1549 = arith.maximumf %max3A_1476, %max3A_1545 : vector<16xf32>
      %add3A_1550 = arith.constant 8192 : i32
      %add3A_1551 = arith.addi %add3A_1550, %mul3A_1412 : i32
      %get3A_1552 = arith.index_cast %add3A_1551 : i32 to index
      %get3A_1553 = tpu.vector_load %arg5[%get3A_1552] {strides = array<i32>} : memref<16384xf32, #tpu.memory_space<vmem>>, vector<16xf32>,
      %add3A_1554 = arith.constant 8704 : i32
      %add3A_1555 = arith.addi %add3A_1554, %mul3A_1412 : i32
      %get3A_1556 = arith.index_cast %add3A_1555 : i32 to index
      %get3A_1557 = tpu.vector_load %arg5[%get3A_1556] {strides = array<i32>} : memref<16384xf32, #tpu.memory_space<vmem>>, vector<16xf32>,
      %add3A_1558 = arith.constant 9216 : i32
      %add3A_1559 = arith.addi %add3A_1558, %mul3A_1412 : i32
      %get3A_1560 = arith.index_cast %add3A_1559 : i32 to index
      %get3A_1561 = tpu.vector_load %arg5[%get3A_1560] {strides = array<i32>} : memref<16384xf32, #tpu.memory_space<vmem>>, vector<16xf32>,
      %add3A_1562 = arith.constant 9728 : i32
      %add3A_1563 = arith.addi %add3A_1562, %mul3A_1412 : i32
      %get3A_1564 = arith.index_cast %add3A_1563 : i32 to index
      %get3A_1565 = tpu.vector_load %arg5[%get3A_1564] {strides = array<i32>} : memref<16384xf32, #tpu.memory_space<vmem>>, vector<16xf32>,
      %add3A_1566 = arith.constant 10240 : i32
      %add3A_1567 = arith.addi %add3A_1566, %mul3A_1412 : i32
      %get3A_1568 = arith.index_cast %add3A_1567 : i32 to index
      %get3A_1569 = tpu.vector_load %arg5[%get3A_1568] {strides = array<i32>} : memref<16384xf32, #tpu.memory_space<vmem>>, vector<16xf32>,
      %add3A_1570 = arith.constant 10752 : i32
      %add3A_1571 = arith.addi %add3A_1570, %mul3A_1412 : i32
      %get3A_1572 = arith.index_cast %add3A_1571 : i32 to index
      %get3A_1573 = tpu.vector_load %arg5[%get3A_1572] {strides = array<i32>} : memref<16384xf32, #tpu.memory_space<vmem>>, vector<16xf32>,
      %add3A_1574 = arith.constant 11264 : i32
      %add3A_1575 = arith.addi %add3A_1574, %mul3A_1412 : i32
      %get3A_1576 = arith.index_cast %add3A_1575 : i32 to index
      %get3A_1577 = tpu.vector_load %arg5[%get3A_1576] {strides = array<i32>} : memref<16384xf32, #tpu.memory_space<vmem>>, vector<16xf32>,
      %add3A_1578 = arith.constant 11776 : i32
      %add3A_1579 = arith.addi %add3A_1578, %mul3A_1412 : i32
      %get3A_1580 = arith.index_cast %add3A_1579 : i32 to index
      %get3A_1581 = tpu.vector_load %arg5[%get3A_1580] {strides = array<i32>} : memref<16384xf32, #tpu.memory_space<vmem>>, vector<16xf32>,
      %ge3A_1582 = arith.cmpf oge, %get3A_1553, %get3A_1557 : vector<16xf32>
      %max3A_1583 = arith.maximumf %get3A_1553, %get3A_1557 : vector<16xf32>
      %jit3A_1584 = arith.constant 16 : i32
      %jit3A_1585 = arith.constant 17 : i32
      %broadcast_in_dim3A_1586 = vector.broadcast %jit3A_1584 : i32 to vector<16xi32>
      %broadcast_in_dim3A_1587 = vector.broadcast %jit3A_1585 : i32 to vector<16xi32>
      %select_n3A_1588 = arith.select %ge3A_1582, %broadcast_in_dim3A_1586, %broadcast_in_dim3A_1587 : vector<16xi1>, vector<16xi32>
      %ge3A_1589 = arith.cmpf oge, %get3A_1561, %get3A_1565 : vector<16xf32>
      %max3A_1590 = arith.maximumf %get3A_1561, %get3A_1565 : vector<16xf32>
      %jit3A_1591 = arith.constant 18 : i32
      %jit3A_1592 = arith.constant 19 : i32
      %broadcast_in_dim3A_1593 = vector.broadcast %jit3A_1591 : i32 to vector<16xi32>
      %broadcast_in_dim3A_1594 = vector.broadcast %jit3A_1592 : i32 to vector<16xi32>
      %select_n3A_1595 = arith.select %ge3A_1589, %broadcast_in_dim3A_1593, %broadcast_in_dim3A_1594 : vector<16xi1>, vector<16xi32>
      %ge3A_1596 = arith.cmpf oge, %get3A_1569, %get3A_1573 : vector<16xf32>
      %max3A_1597 = arith.maximumf %get3A_1569, %get3A_1573 : vector<16xf32>
      %jit3A_1598 = arith.constant 20 : i32
      %jit3A_1599 = arith.constant 21 : i32
      %broadcast_in_dim3A_1600 = vector.broadcast %jit3A_1598 : i32 to vector<16xi32>
      %broadcast_in_dim3A_1601 = vector.broadcast %jit3A_1599 : i32 to vector<16xi32>
      %select_n3A_1602 = arith.select %ge3A_1596, %broadcast_in_dim3A_1600, %broadcast_in_dim3A_1601 : vector<16xi1>, vector<16xi32>
      %ge3A_1603 = arith.cmpf oge, %get3A_1577, %get3A_1581 : vector<16xf32>
      %max3A_1604 = arith.maximumf %get3A_1577, %get3A_1581 : vector<16xf32>
      %jit3A_1605 = arith.constant 22 : i32
      %jit3A_1606 = arith.constant 23 : i32
      %broadcast_in_dim3A_1607 = vector.broadcast %jit3A_1605 : i32 to vector<16xi32>
      %broadcast_in_dim3A_1608 = vector.broadcast %jit3A_1606 : i32 to vector<16xi32>
      %select_n3A_1609 = arith.select %ge3A_1603, %broadcast_in_dim3A_1607, %broadcast_in_dim3A_1608 : vector<16xi1>, vector<16xi32>
      %ge3A_1610 = arith.cmpf oge, %max3A_1583, %max3A_1590 : vector<16xf32>
      %max3A_1611 = arith.maximumf %max3A_1583, %max3A_1590 : vector<16xf32>
      %select_n3A_1612 = arith.select %ge3A_1610, %select_n3A_1588, %select_n3A_1595 : vector<16xi1>, vector<16xi32>
      %ge3A_1613 = arith.cmpf oge, %max3A_1597, %max3A_1604 : vector<16xf32>
      %max3A_1614 = arith.maximumf %max3A_1597, %max3A_1604 : vector<16xf32>
      %select_n3A_1615 = arith.select %ge3A_1613, %select_n3A_1602, %select_n3A_1609 : vector<16xi1>, vector<16xi32>
      %ge3A_1616 = arith.cmpf oge, %max3A_1611, %max3A_1614 : vector<16xf32>
      %max3A_1617 = arith.maximumf %max3A_1611, %max3A_1614 : vector<16xf32>
      %select_n3A_1618 = arith.select %ge3A_1616, %select_n3A_1612, %select_n3A_1615 : vector<16xi1>, vector<16xi32>
      %ge3A_1619 = arith.cmpf oge, %max3A_1549, %max3A_1617 : vector<16xf32>
      %select_n3A_1620 = arith.select %ge3A_1619, %select_n3A_1548, %select_n3A_1618 : vector<16xi1>, vector<16xi32>
      %max3A_1621 = arith.maximumf %max3A_1549, %max3A_1617 : vector<16xf32>
      %add3A_1622 = arith.constant 12288 : i32
      %add3A_1623 = arith.addi %add3A_1622, %mul3A_1412 : i32
      %get3A_1624 = arith.index_cast %add3A_1623 : i32 to index
      %get3A_1625 = tpu.vector_load %arg5[%get3A_1624] {strides = array<i32>} : memref<16384xf32, #tpu.memory_space<vmem>>, vector<16xf32>,
      %add3A_1626 = arith.constant 12800 : i32
      %add3A_1627 = arith.addi %add3A_1626, %mul3A_1412 : i32
      %get3A_1628 = arith.index_cast %add3A_1627 : i32 to index
      %get3A_1629 = tpu.vector_load %arg5[%get3A_1628] {strides = array<i32>} : memref<16384xf32, #tpu.memory_space<vmem>>, vector<16xf32>,
      %add3A_1630 = arith.constant 13312 : i32
      %add3A_1631 = arith.addi %add3A_1630, %mul3A_1412 : i32
      %get3A_1632 = arith.index_cast %add3A_1631 : i32 to index
      %get3A_1633 = tpu.vector_load %arg5[%get3A_1632] {strides = array<i32>} : memref<16384xf32, #tpu.memory_space<vmem>>, vector<16xf32>,
      %add3A_1634 = arith.constant 13824 : i32
      %add3A_1635 = arith.addi %add3A_1634, %mul3A_1412 : i32
      %get3A_1636 = arith.index_cast %add3A_1635 : i32 to index
      %get3A_1637 = tpu.vector_load %arg5[%get3A_1636] {strides = array<i32>} : memref<16384xf32, #tpu.memory_space<vmem>>, vector<16xf32>,
      %add3A_1638 = arith.constant 14336 : i32
      %add3A_1639 = arith.addi %add3A_1638, %mul3A_1412 : i32
      %get3A_1640 = arith.index_cast %add3A_1639 : i32 to index
      %get3A_1641 = tpu.vector_load %arg5[%get3A_1640] {strides = array<i32>} : memref<16384xf32, #tpu.memory_space<vmem>>, vector<16xf32>,
      %add3A_1642 = arith.constant 14848 : i32
      %add3A_1643 = arith.addi %add3A_1642, %mul3A_1412 : i32
      %get3A_1644 = arith.index_cast %add3A_1643 : i32 to index
      %get3A_1645 = tpu.vector_load %arg5[%get3A_1644] {strides = array<i32>} : memref<16384xf32, #tpu.memory_space<vmem>>, vector<16xf32>,
      %add3A_1646 = arith.constant 15360 : i32
      %add3A_1647 = arith.addi %add3A_1646, %mul3A_1412 : i32
      %get3A_1648 = arith.index_cast %add3A_1647 : i32 to index
      %get3A_1649 = tpu.vector_load %arg5[%get3A_1648] {strides = array<i32>} : memref<16384xf32, #tpu.memory_space<vmem>>, vector<16xf32>,
      %add3A_1650 = arith.constant 15872 : i32
      %add3A_1651 = arith.addi %add3A_1650, %mul3A_1412 : i32
      %get3A_1652 = arith.index_cast %add3A_1651 : i32 to index
      %get3A_1653 = tpu.vector_load %arg5[%get3A_1652] {strides = array<i32>} : memref<16384xf32, #tpu.memory_space<vmem>>, vector<16xf32>,
      %ge3A_1654 = arith.cmpf oge, %get3A_1625, %get3A_1629 : vector<16xf32>
      %max3A_1655 = arith.maximumf %get3A_1625, %get3A_1629 : vector<16xf32>
      %jit3A_1656 = arith.constant 24 : i32
      %jit3A_1657 = arith.constant 25 : i32
      %broadcast_in_dim3A_1658 = vector.broadcast %jit3A_1656 : i32 to vector<16xi32>
      %broadcast_in_dim3A_1659 = vector.broadcast %jit3A_1657 : i32 to vector<16xi32>
      %select_n3A_1660 = arith.select %ge3A_1654, %broadcast_in_dim3A_1658, %broadcast_in_dim3A_1659 : vector<16xi1>, vector<16xi32>
      %ge3A_1661 = arith.cmpf oge, %get3A_1633, %get3A_1637 : vector<16xf32>
      %max3A_1662 = arith.maximumf %get3A_1633, %get3A_1637 : vector<16xf32>
      %jit3A_1663 = arith.constant 26 : i32
      %jit3A_1664 = arith.constant 27 : i32
      %broadcast_in_dim3A_1665 = vector.broadcast %jit3A_1663 : i32 to vector<16xi32>
      %broadcast_in_dim3A_1666 = vector.broadcast %jit3A_1664 : i32 to vector<16xi32>
      %select_n3A_1667 = arith.select %ge3A_1661, %broadcast_in_dim3A_1665, %broadcast_in_dim3A_1666 : vector<16xi1>, vector<16xi32>
      %ge3A_1668 = arith.cmpf oge, %get3A_1641, %get3A_1645 : vector<16xf32>
      %max3A_1669 = arith.maximumf %get3A_1641, %get3A_1645 : vector<16xf32>
      %jit3A_1670 = arith.constant 28 : i32
      %jit3A_1671 = arith.constant 29 : i32
      %broadcast_in_dim3A_1672 = vector.broadcast %jit3A_1670 : i32 to vector<16xi32>
      %broadcast_in_dim3A_1673 = vector.broadcast %jit3A_1671 : i32 to vector<16xi32>
      %select_n3A_1674 = arith.select %ge3A_1668, %broadcast_in_dim3A_1672, %broadcast_in_dim3A_1673 : vector<16xi1>, vector<16xi32>
      %ge3A_1675 = arith.cmpf oge, %get3A_1649, %get3A_1653 : vector<16xf32>
      %max3A_1676 = arith.maximumf %get3A_1649, %get3A_1653 : vector<16xf32>
      %jit3A_1677 = arith.constant 30 : i32
      %jit3A_1678 = arith.constant 31 : i32
      %broadcast_in_dim3A_1679 = vector.broadcast %jit3A_1677 : i32 to vector<16xi32>
      %broadcast_in_dim3A_1680 = vector.broadcast %jit3A_1678 : i32 to vector<16xi32>
      %select_n3A_1681 = arith.select %ge3A_1675, %broadcast_in_dim3A_1679, %broadcast_in_dim3A_1680 : vector<16xi1>, vector<16xi32>
      %ge3A_1682 = arith.cmpf oge, %max3A_1655, %max3A_1662 : vector<16xf32>
      %max3A_1683 = arith.maximumf %max3A_1655, %max3A_1662 : vector<16xf32>
      %select_n3A_1684 = arith.select %ge3A_1682, %select_n3A_1660, %select_n3A_1667 : vector<16xi1>, vector<16xi32>
      %ge3A_1685 = arith.cmpf oge, %max3A_1669, %max3A_1676 : vector<16xf32>
      %max3A_1686 = arith.maximumf %max3A_1669, %max3A_1676 : vector<16xf32>
      %select_n3A_1687 = arith.select %ge3A_1685, %select_n3A_1674, %select_n3A_1681 : vector<16xi1>, vector<16xi32>
      %ge3A_1688 = arith.cmpf oge, %max3A_1683, %max3A_1686 : vector<16xf32>
      %max3A_1689 = arith.maximumf %max3A_1683, %max3A_1686 : vector<16xf32>
      %select_n3A_1690 = arith.select %ge3A_1688, %select_n3A_1684, %select_n3A_1687 : vector<16xi1>, vector<16xi32>
      %ge3A_1691 = arith.cmpf oge, %max3A_1621, %max3A_1689 : vector<16xf32>
      %select_n3A_1692 = arith.select %ge3A_1691, %select_n3A_1620, %select_n3A_1690 : vector<16xi1>, vector<16xi32>
      %max3A_1693 = arith.maximumf %max3A_1621, %max3A_1689 : vector<16xf32>
      %add3A_1694 = arith.constant 0 : i32
      %add3A_1695 = arith.addi %add3A_1694, %mul3A_1412 : i32
      %get3A_1696 = arith.index_cast %add3A_1695 : i32 to index
      %get3A_1697 = tpu.vector_load %arg6[%get3A_1696] {strides = array<i32>} : memref<16384xf32, #tpu.memory_space<vmem>>, vector<16xf32>,
      %add3A_1698 = arith.constant 512 : i32
      %add3A_1699 = arith.addi %add3A_1698, %mul3A_1412 : i32
      %get3A_1700 = arith.index_cast %add3A_1699 : i32 to index
      %get3A_1701 = tpu.vector_load %arg6[%get3A_1700] {strides = array<i32>} : memref<16384xf32, #tpu.memory_space<vmem>>, vector<16xf32>,
      %add3A_1702 = arith.constant 1024 : i32
      %add3A_1703 = arith.addi %add3A_1702, %mul3A_1412 : i32
      %get3A_1704 = arith.index_cast %add3A_1703 : i32 to index
      %get3A_1705 = tpu.vector_load %arg6[%get3A_1704] {strides = array<i32>} : memref<16384xf32, #tpu.memory_space<vmem>>, vector<16xf32>,
      %add3A_1706 = arith.constant 1536 : i32
      %add3A_1707 = arith.addi %add3A_1706, %mul3A_1412 : i32
      %get3A_1708 = arith.index_cast %add3A_1707 : i32 to index
      %get3A_1709 = tpu.vector_load %arg6[%get3A_1708] {strides = array<i32>} : memref<16384xf32, #tpu.memory_space<vmem>>, vector<16xf32>,
      %add3A_1710 = arith.constant 2048 : i32
      %add3A_1711 = arith.addi %add3A_1710, %mul3A_1412 : i32
      %get3A_1712 = arith.index_cast %add3A_1711 : i32 to index
      %get3A_1713 = tpu.vector_load %arg6[%get3A_1712] {strides = array<i32>} : memref<16384xf32, #tpu.memory_space<vmem>>, vector<16xf32>,
      %add3A_1714 = arith.constant 2560 : i32
      %add3A_1715 = arith.addi %add3A_1714, %mul3A_1412 : i32
      %get3A_1716 = arith.index_cast %add3A_1715 : i32 to index
      %get3A_1717 = tpu.vector_load %arg6[%get3A_1716] {strides = array<i32>} : memref<16384xf32, #tpu.memory_space<vmem>>, vector<16xf32>,
      %add3A_1718 = arith.constant 3072 : i32
      %add3A_1719 = arith.addi %add3A_1718, %mul3A_1412 : i32
      %get3A_1720 = arith.index_cast %add3A_1719 : i32 to index
      %get3A_1721 = tpu.vector_load %arg6[%get3A_1720] {strides = array<i32>} : memref<16384xf32, #tpu.memory_space<vmem>>, vector<16xf32>,
      %add3A_1722 = arith.constant 3584 : i32
      %add3A_1723 = arith.addi %add3A_1722, %mul3A_1412 : i32
      %get3A_1724 = arith.index_cast %add3A_1723 : i32 to index
      %get3A_1725 = tpu.vector_load %arg6[%get3A_1724] {strides = array<i32>} : memref<16384xf32, #tpu.memory_space<vmem>>, vector<16xf32>,
      %ge3A_1726 = arith.cmpf oge, %get3A_1697, %get3A_1701 : vector<16xf32>
      %max3A_1727 = arith.maximumf %get3A_1697, %get3A_1701 : vector<16xf32>
      %jit3A_1728 = arith.constant 0 : i32
      %jit3A_1729 = arith.constant 1 : i32
      %broadcast_in_dim3A_1730 = vector.broadcast %jit3A_1728 : i32 to vector<16xi32>
      %broadcast_in_dim3A_1731 = vector.broadcast %jit3A_1729 : i32 to vector<16xi32>
      %select_n3A_1732 = arith.select %ge3A_1726, %broadcast_in_dim3A_1730, %broadcast_in_dim3A_1731 : vector<16xi1>, vector<16xi32>
      %ge3A_1733 = arith.cmpf oge, %get3A_1705, %get3A_1709 : vector<16xf32>
      %max3A_1734 = arith.maximumf %get3A_1705, %get3A_1709 : vector<16xf32>
      %jit3A_1735 = arith.constant 2 : i32
      %jit3A_1736 = arith.constant 3 : i32
      %broadcast_in_dim3A_1737 = vector.broadcast %jit3A_1735 : i32 to vector<16xi32>
      %broadcast_in_dim3A_1738 = vector.broadcast %jit3A_1736 : i32 to vector<16xi32>
      %select_n3A_1739 = arith.select %ge3A_1733, %broadcast_in_dim3A_1737, %broadcast_in_dim3A_1738 : vector<16xi1>, vector<16xi32>
      %ge3A_1740 = arith.cmpf oge, %get3A_1713, %get3A_1717 : vector<16xf32>
      %max3A_1741 = arith.maximumf %get3A_1713, %get3A_1717 : vector<16xf32>
      %jit3A_1742 = arith.constant 4 : i32
      %jit3A_1743 = arith.constant 5 : i32
      %broadcast_in_dim3A_1744 = vector.broadcast %jit3A_1742 : i32 to vector<16xi32>
      %broadcast_in_dim3A_1745 = vector.broadcast %jit3A_1743 : i32 to vector<16xi32>
      %select_n3A_1746 = arith.select %ge3A_1740, %broadcast_in_dim3A_1744, %broadcast_in_dim3A_1745 : vector<16xi1>, vector<16xi32>
      %ge3A_1747 = arith.cmpf oge, %get3A_1721, %get3A_1725 : vector<16xf32>
      %max3A_1748 = arith.maximumf %get3A_1721, %get3A_1725 : vector<16xf32>
      %jit3A_1749 = arith.constant 6 : i32
      %jit3A_1750 = arith.constant 7 : i32
      %broadcast_in_dim3A_1751 = vector.broadcast %jit3A_1749 : i32 to vector<16xi32>
      %broadcast_in_dim3A_1752 = vector.broadcast %jit3A_1750 : i32 to vector<16xi32>
      %select_n3A_1753 = arith.select %ge3A_1747, %broadcast_in_dim3A_1751, %broadcast_in_dim3A_1752 : vector<16xi1>, vector<16xi32>
      %ge3A_1754 = arith.cmpf oge, %max3A_1727, %max3A_1734 : vector<16xf32>
      %max3A_1755 = arith.maximumf %max3A_1727, %max3A_1734 : vector<16xf32>
      %select_n3A_1756 = arith.select %ge3A_1754, %select_n3A_1732, %select_n3A_1739 : vector<16xi1>, vector<16xi32>
      %ge3A_1757 = arith.cmpf oge, %max3A_1741, %max3A_1748 : vector<16xf32>
      %max3A_1758 = arith.maximumf %max3A_1741, %max3A_1748 : vector<16xf32>
      %select_n3A_1759 = arith.select %ge3A_1757, %select_n3A_1746, %select_n3A_1753 : vector<16xi1>, vector<16xi32>
      %ge3A_1760 = arith.cmpf oge, %max3A_1755, %max3A_1758 : vector<16xf32>
      %max3A_1761 = arith.maximumf %max3A_1755, %max3A_1758 : vector<16xf32>
      %select_n3A_1762 = arith.select %ge3A_1760, %select_n3A_1756, %select_n3A_1759 : vector<16xi1>, vector<16xi32>
      %add3A_1763 = arith.constant 4096 : i32
      %add3A_1764 = arith.addi %add3A_1763, %mul3A_1412 : i32
      %get3A_1765 = arith.index_cast %add3A_1764 : i32 to index
      %get3A_1766 = tpu.vector_load %arg6[%get3A_1765] {strides = array<i32>} : memref<16384xf32, #tpu.memory_space<vmem>>, vector<16xf32>,
      %add3A_1767 = arith.constant 4608 : i32
      %add3A_1768 = arith.addi %add3A_1767, %mul3A_1412 : i32
      %get3A_1769 = arith.index_cast %add3A_1768 : i32 to index
      %get3A_1770 = tpu.vector_load %arg6[%get3A_1769] {strides = array<i32>} : memref<16384xf32, #tpu.memory_space<vmem>>, vector<16xf32>,
      %add3A_1771 = arith.constant 5120 : i32
      %add3A_1772 = arith.addi %add3A_1771, %mul3A_1412 : i32
      %get3A_1773 = arith.index_cast %add3A_1772 : i32 to index
      %get3A_1774 = tpu.vector_load %arg6[%get3A_1773] {strides = array<i32>} : memref<16384xf32, #tpu.memory_space<vmem>>, vector<16xf32>,
      %add3A_1775 = arith.constant 5632 : i32
      %add3A_1776 = arith.addi %add3A_1775, %mul3A_1412 : i32
      %get3A_1777 = arith.index_cast %add3A_1776 : i32 to index
      %get3A_1778 = tpu.vector_load %arg6[%get3A_1777] {strides = array<i32>} : memref<16384xf32, #tpu.memory_space<vmem>>, vector<16xf32>,
      %add3A_1779 = arith.constant 6144 : i32
      %add3A_1780 = arith.addi %add3A_1779, %mul3A_1412 : i32
      %get3A_1781 = arith.index_cast %add3A_1780 : i32 to index
      %get3A_1782 = tpu.vector_load %arg6[%get3A_1781] {strides = array<i32>} : memref<16384xf32, #tpu.memory_space<vmem>>, vector<16xf32>,
      %add3A_1783 = arith.constant 6656 : i32
      %add3A_1784 = arith.addi %add3A_1783, %mul3A_1412 : i32
      %get3A_1785 = arith.index_cast %add3A_1784 : i32 to index
      %get3A_1786 = tpu.vector_load %arg6[%get3A_1785] {strides = array<i32>} : memref<16384xf32, #tpu.memory_space<vmem>>, vector<16xf32>,
      %add3A_1787 = arith.constant 7168 : i32
      %add3A_1788 = arith.addi %add3A_1787, %mul3A_1412 : i32
      %get3A_1789 = arith.index_cast %add3A_1788 : i32 to index
      %get3A_1790 = tpu.vector_load %arg6[%get3A_1789] {strides = array<i32>} : memref<16384xf32, #tpu.memory_space<vmem>>, vector<16xf32>,
      %add3A_1791 = arith.constant 7680 : i32
      %add3A_1792 = arith.addi %add3A_1791, %mul3A_1412 : i32
      %get3A_1793 = arith.index_cast %add3A_1792 : i32 to index
      %get3A_1794 = tpu.vector_load %arg6[%get3A_1793] {strides = array<i32>} : memref<16384xf32, #tpu.memory_space<vmem>>, vector<16xf32>,
      %ge3A_1795 = arith.cmpf oge, %get3A_1766, %get3A_1770 : vector<16xf32>
      %max3A_1796 = arith.maximumf %get3A_1766, %get3A_1770 : vector<16xf32>
      %jit3A_1797 = arith.constant 8 : i32
      %jit3A_1798 = arith.constant 9 : i32
      %broadcast_in_dim3A_1799 = vector.broadcast %jit3A_1797 : i32 to vector<16xi32>
      %broadcast_in_dim3A_1800 = vector.broadcast %jit3A_1798 : i32 to vector<16xi32>
      %select_n3A_1801 = arith.select %ge3A_1795, %broadcast_in_dim3A_1799, %broadcast_in_dim3A_1800 : vector<16xi1>, vector<16xi32>
      %ge3A_1802 = arith.cmpf oge, %get3A_1774, %get3A_1778 : vector<16xf32>
      %max3A_1803 = arith.maximumf %get3A_1774, %get3A_1778 : vector<16xf32>
      %jit3A_1804 = arith.constant 10 : i32
      %jit3A_1805 = arith.constant 11 : i32
      %broadcast_in_dim3A_1806 = vector.broadcast %jit3A_1804 : i32 to vector<16xi32>
      %broadcast_in_dim3A_1807 = vector.broadcast %jit3A_1805 : i32 to vector<16xi32>
      %select_n3A_1808 = arith.select %ge3A_1802, %broadcast_in_dim3A_1806, %broadcast_in_dim3A_1807 : vector<16xi1>, vector<16xi32>
      %ge3A_1809 = arith.cmpf oge, %get3A_1782, %get3A_1786 : vector<16xf32>
      %max3A_1810 = arith.maximumf %get3A_1782, %get3A_1786 : vector<16xf32>
      %jit3A_1811 = arith.constant 12 : i32
      %jit3A_1812 = arith.constant 13 : i32
      %broadcast_in_dim3A_1813 = vector.broadcast %jit3A_1811 : i32 to vector<16xi32>
      %broadcast_in_dim3A_1814 = vector.broadcast %jit3A_1812 : i32 to vector<16xi32>
      %select_n3A_1815 = arith.select %ge3A_1809, %broadcast_in_dim3A_1813, %broadcast_in_dim3A_1814 : vector<16xi1>, vector<16xi32>
      %ge3A_1816 = arith.cmpf oge, %get3A_1790, %get3A_1794 : vector<16xf32>
      %max3A_1817 = arith.maximumf %get3A_1790, %get3A_1794 : vector<16xf32>
      %jit3A_1818 = arith.constant 14 : i32
      %jit3A_1819 = arith.constant 15 : i32
      %broadcast_in_dim3A_1820 = vector.broadcast %jit3A_1818 : i32 to vector<16xi32>
      %broadcast_in_dim3A_1821 = vector.broadcast %jit3A_1819 : i32 to vector<16xi32>
      %select_n3A_1822 = arith.select %ge3A_1816, %broadcast_in_dim3A_1820, %broadcast_in_dim3A_1821 : vector<16xi1>, vector<16xi32>
      %ge3A_1823 = arith.cmpf oge, %max3A_1796, %max3A_1803 : vector<16xf32>
      %max3A_1824 = arith.maximumf %max3A_1796, %max3A_1803 : vector<16xf32>
      %select_n3A_1825 = arith.select %ge3A_1823, %select_n3A_1801, %select_n3A_1808 : vector<16xi1>, vector<16xi32>
      %ge3A_1826 = arith.cmpf oge, %max3A_1810, %max3A_1817 : vector<16xf32>
      %max3A_1827 = arith.maximumf %max3A_1810, %max3A_1817 : vector<16xf32>
      %select_n3A_1828 = arith.select %ge3A_1826, %select_n3A_1815, %select_n3A_1822 : vector<16xi1>, vector<16xi32>
      %ge3A_1829 = arith.cmpf oge, %max3A_1824, %max3A_1827 : vector<16xf32>
      %max3A_1830 = arith.maximumf %max3A_1824, %max3A_1827 : vector<16xf32>
      %select_n3A_1831 = arith.select %ge3A_1829, %select_n3A_1825, %select_n3A_1828 : vector<16xi1>, vector<16xi32>
      %ge3A_1832 = arith.cmpf oge, %max3A_1761, %max3A_1830 : vector<16xf32>
      %select_n3A_1833 = arith.select %ge3A_1832, %select_n3A_1762, %select_n3A_1831 : vector<16xi1>, vector<16xi32>
      %max3A_1834 = arith.maximumf %max3A_1761, %max3A_1830 : vector<16xf32>
      %add3A_1835 = arith.constant 8192 : i32
      %add3A_1836 = arith.addi %add3A_1835, %mul3A_1412 : i32
      %get3A_1837 = arith.index_cast %add3A_1836 : i32 to index
      %get3A_1838 = tpu.vector_load %arg6[%get3A_1837] {strides = array<i32>} : memref<16384xf32, #tpu.memory_space<vmem>>, vector<16xf32>,
      %add3A_1839 = arith.constant 8704 : i32
      %add3A_1840 = arith.addi %add3A_1839, %mul3A_1412 : i32
      %get3A_1841 = arith.index_cast %add3A_1840 : i32 to index
      %get3A_1842 = tpu.vector_load %arg6[%get3A_1841] {strides = array<i32>} : memref<16384xf32, #tpu.memory_space<vmem>>, vector<16xf32>,
      %add3A_1843 = arith.constant 9216 : i32
      %add3A_1844 = arith.addi %add3A_1843, %mul3A_1412 : i32
      %get3A_1845 = arith.index_cast %add3A_1844 : i32 to index
      %get3A_1846 = tpu.vector_load %arg6[%get3A_1845] {strides = array<i32>} : memref<16384xf32, #tpu.memory_space<vmem>>, vector<16xf32>,
      %add3A_1847 = arith.constant 9728 : i32
      %add3A_1848 = arith.addi %add3A_1847, %mul3A_1412 : i32
      %get3A_1849 = arith.index_cast %add3A_1848 : i32 to index
      %get3A_1850 = tpu.vector_load %arg6[%get3A_1849] {strides = array<i32>} : memref<16384xf32, #tpu.memory_space<vmem>>, vector<16xf32>,
      %add3A_1851 = arith.constant 10240 : i32
      %add3A_1852 = arith.addi %add3A_1851, %mul3A_1412 : i32
      %get3A_1853 = arith.index_cast %add3A_1852 : i32 to index
      %get3A_1854 = tpu.vector_load %arg6[%get3A_1853] {strides = array<i32>} : memref<16384xf32, #tpu.memory_space<vmem>>, vector<16xf32>,
      %add3A_1855 = arith.constant 10752 : i32
      %add3A_1856 = arith.addi %add3A_1855, %mul3A_1412 : i32
      %get3A_1857 = arith.index_cast %add3A_1856 : i32 to index
      %get3A_1858 = tpu.vector_load %arg6[%get3A_1857] {strides = array<i32>} : memref<16384xf32, #tpu.memory_space<vmem>>, vector<16xf32>,
      %add3A_1859 = arith.constant 11264 : i32
      %add3A_1860 = arith.addi %add3A_1859, %mul3A_1412 : i32
      %get3A_1861 = arith.index_cast %add3A_1860 : i32 to index
      %get3A_1862 = tpu.vector_load %arg6[%get3A_1861] {strides = array<i32>} : memref<16384xf32, #tpu.memory_space<vmem>>, vector<16xf32>,
      %add3A_1863 = arith.constant 11776 : i32
      %add3A_1864 = arith.addi %add3A_1863, %mul3A_1412 : i32
      %get3A_1865 = arith.index_cast %add3A_1864 : i32 to index
      %get3A_1866 = tpu.vector_load %arg6[%get3A_1865] {strides = array<i32>} : memref<16384xf32, #tpu.memory_space<vmem>>, vector<16xf32>,
      %ge3A_1867 = arith.cmpf oge, %get3A_1838, %get3A_1842 : vector<16xf32>
      %max3A_1868 = arith.maximumf %get3A_1838, %get3A_1842 : vector<16xf32>
      %jit3A_1869 = arith.constant 16 : i32
      %jit3A_1870 = arith.constant 17 : i32
      %broadcast_in_dim3A_1871 = vector.broadcast %jit3A_1869 : i32 to vector<16xi32>
      %broadcast_in_dim3A_1872 = vector.broadcast %jit3A_1870 : i32 to vector<16xi32>
      %select_n3A_1873 = arith.select %ge3A_1867, %broadcast_in_dim3A_1871, %broadcast_in_dim3A_1872 : vector<16xi1>, vector<16xi32>
      %ge3A_1874 = arith.cmpf oge, %get3A_1846, %get3A_1850 : vector<16xf32>
      %max3A_1875 = arith.maximumf %get3A_1846, %get3A_1850 : vector<16xf32>
      %jit3A_1876 = arith.constant 18 : i32
      %jit3A_1877 = arith.constant 19 : i32
      %broadcast_in_dim3A_1878 = vector.broadcast %jit3A_1876 : i32 to vector<16xi32>
      %broadcast_in_dim3A_1879 = vector.broadcast %jit3A_1877 : i32 to vector<16xi32>
      %select_n3A_1880 = arith.select %ge3A_1874, %broadcast_in_dim3A_1878, %broadcast_in_dim3A_1879 : vector<16xi1>, vector<16xi32>
      %ge3A_1881 = arith.cmpf oge, %get3A_1854, %get3A_1858 : vector<16xf32>
      %max3A_1882 = arith.maximumf %get3A_1854, %get3A_1858 : vector<16xf32>
      %jit3A_1883 = arith.constant 20 : i32
      %jit3A_1884 = arith.constant 21 : i32
      %broadcast_in_dim3A_1885 = vector.broadcast %jit3A_1883 : i32 to vector<16xi32>
      %broadcast_in_dim3A_1886 = vector.broadcast %jit3A_1884 : i32 to vector<16xi32>
      %select_n3A_1887 = arith.select %ge3A_1881, %broadcast_in_dim3A_1885, %broadcast_in_dim3A_1886 : vector<16xi1>, vector<16xi32>
      %ge3A_1888 = arith.cmpf oge, %get3A_1862, %get3A_1866 : vector<16xf32>
      %max3A_1889 = arith.maximumf %get3A_1862, %get3A_1866 : vector<16xf32>
      %jit3A_1890 = arith.constant 22 : i32
      %jit3A_1891 = arith.constant 23 : i32
      %broadcast_in_dim3A_1892 = vector.broadcast %jit3A_1890 : i32 to vector<16xi32>
      %broadcast_in_dim3A_1893 = vector.broadcast %jit3A_1891 : i32 to vector<16xi32>
      %select_n3A_1894 = arith.select %ge3A_1888, %broadcast_in_dim3A_1892, %broadcast_in_dim3A_1893 : vector<16xi1>, vector<16xi32>
      %ge3A_1895 = arith.cmpf oge, %max3A_1868, %max3A_1875 : vector<16xf32>
      %max3A_1896 = arith.maximumf %max3A_1868, %max3A_1875 : vector<16xf32>
      %select_n3A_1897 = arith.select %ge3A_1895, %select_n3A_1873, %select_n3A_1880 : vector<16xi1>, vector<16xi32>
      %ge3A_1898 = arith.cmpf oge, %max3A_1882, %max3A_1889 : vector<16xf32>
      %max3A_1899 = arith.maximumf %max3A_1882, %max3A_1889 : vector<16xf32>
      %select_n3A_1900 = arith.select %ge3A_1898, %select_n3A_1887, %select_n3A_1894 : vector<16xi1>, vector<16xi32>
      %ge3A_1901 = arith.cmpf oge, %max3A_1896, %max3A_1899 : vector<16xf32>
      %max3A_1902 = arith.maximumf %max3A_1896, %max3A_1899 : vector<16xf32>
      %select_n3A_1903 = arith.select %ge3A_1901, %select_n3A_1897, %select_n3A_1900 : vector<16xi1>, vector<16xi32>
      %ge3A_1904 = arith.cmpf oge, %max3A_1834, %max3A_1902 : vector<16xf32>
      %select_n3A_1905 = arith.select %ge3A_1904, %select_n3A_1833, %select_n3A_1903 : vector<16xi1>, vector<16xi32>
      %max3A_1906 = arith.maximumf %max3A_1834, %max3A_1902 : vector<16xf32>
      %add3A_1907 = arith.constant 12288 : i32
      %add3A_1908 = arith.addi %add3A_1907, %mul3A_1412 : i32
      %get3A_1909 = arith.index_cast %add3A_1908 : i32 to index
      %get3A_1910 = tpu.vector_load %arg6[%get3A_1909] {strides = array<i32>} : memref<16384xf32, #tpu.memory_space<vmem>>, vector<16xf32>,
      %add3A_1911 = arith.constant 12800 : i32
      %add3A_1912 = arith.addi %add3A_1911, %mul3A_1412 : i32
      %get3A_1913 = arith.index_cast %add3A_1912 : i32 to index
      %get3A_1914 = tpu.vector_load %arg6[%get3A_1913] {strides = array<i32>} : memref<16384xf32, #tpu.memory_space<vmem>>, vector<16xf32>,
      %add3A_1915 = arith.constant 13312 : i32
      %add3A_1916 = arith.addi %add3A_1915, %mul3A_1412 : i32
      %get3A_1917 = arith.index_cast %add3A_1916 : i32 to index
      %get3A_1918 = tpu.vector_load %arg6[%get3A_1917] {strides = array<i32>} : memref<16384xf32, #tpu.memory_space<vmem>>, vector<16xf32>,
      %add3A_1919 = arith.constant 13824 : i32
      %add3A_1920 = arith.addi %add3A_1919, %mul3A_1412 : i32
      %get3A_1921 = arith.index_cast %add3A_1920 : i32 to index
      %get3A_1922 = tpu.vector_load %arg6[%get3A_1921] {strides = array<i32>} : memref<16384xf32, #tpu.memory_space<vmem>>, vector<16xf32>,
      %add3A_1923 = arith.constant 14336 : i32
      %add3A_1924 = arith.addi %add3A_1923, %mul3A_1412 : i32
      %get3A_1925 = arith.index_cast %add3A_1924 : i32 to index
      %get3A_1926 = tpu.vector_load %arg6[%get3A_1925] {strides = array<i32>} : memref<16384xf32, #tpu.memory_space<vmem>>, vector<16xf32>,
      %add3A_1927 = arith.constant 14848 : i32
      %add3A_1928 = arith.addi %add3A_1927, %mul3A_1412 : i32
      %get3A_1929 = arith.index_cast %add3A_1928 : i32 to index
      %get3A_1930 = tpu.vector_load %arg6[%get3A_1929] {strides = array<i32>} : memref<16384xf32, #tpu.memory_space<vmem>>, vector<16xf32>,
      %add3A_1931 = arith.constant 15360 : i32
      %add3A_1932 = arith.addi %add3A_1931, %mul3A_1412 : i32
      %get3A_1933 = arith.index_cast %add3A_1932 : i32 to index
      %get3A_1934 = tpu.vector_load %arg6[%get3A_1933] {strides = array<i32>} : memref<16384xf32, #tpu.memory_space<vmem>>, vector<16xf32>,
      %add3A_1935 = arith.constant 15872 : i32
      %add3A_1936 = arith.addi %add3A_1935, %mul3A_1412 : i32
      %get3A_1937 = arith.index_cast %add3A_1936 : i32 to index
      %get3A_1938 = tpu.vector_load %arg6[%get3A_1937] {strides = array<i32>} : memref<16384xf32, #tpu.memory_space<vmem>>, vector<16xf32>,
      %ge3A_1939 = arith.cmpf oge, %get3A_1910, %get3A_1914 : vector<16xf32>
      %max3A_1940 = arith.maximumf %get3A_1910, %get3A_1914 : vector<16xf32>
      %jit3A_1941 = arith.constant 24 : i32
      %jit3A_1942 = arith.constant 25 : i32
      %broadcast_in_dim3A_1943 = vector.broadcast %jit3A_1941 : i32 to vector<16xi32>
      %broadcast_in_dim3A_1944 = vector.broadcast %jit3A_1942 : i32 to vector<16xi32>
      %select_n3A_1945 = arith.select %ge3A_1939, %broadcast_in_dim3A_1943, %broadcast_in_dim3A_1944 : vector<16xi1>, vector<16xi32>
      %ge3A_1946 = arith.cmpf oge, %get3A_1918, %get3A_1922 : vector<16xf32>
      %max3A_1947 = arith.maximumf %get3A_1918, %get3A_1922 : vector<16xf32>
      %jit3A_1948 = arith.constant 26 : i32
      %jit3A_1949 = arith.constant 27 : i32
      %broadcast_in_dim3A_1950 = vector.broadcast %jit3A_1948 : i32 to vector<16xi32>
      %broadcast_in_dim3A_1951 = vector.broadcast %jit3A_1949 : i32 to vector<16xi32>
      %select_n3A_1952 = arith.select %ge3A_1946, %broadcast_in_dim3A_1950, %broadcast_in_dim3A_1951 : vector<16xi1>, vector<16xi32>
      %ge3A_1953 = arith.cmpf oge, %get3A_1926, %get3A_1930 : vector<16xf32>
      %max3A_1954 = arith.maximumf %get3A_1926, %get3A_1930 : vector<16xf32>
      %jit3A_1955 = arith.constant 28 : i32
      %jit3A_1956 = arith.constant 29 : i32
      %broadcast_in_dim3A_1957 = vector.broadcast %jit3A_1955 : i32 to vector<16xi32>
      %broadcast_in_dim3A_1958 = vector.broadcast %jit3A_1956 : i32 to vector<16xi32>
      %select_n3A_1959 = arith.select %ge3A_1953, %broadcast_in_dim3A_1957, %broadcast_in_dim3A_1958 : vector<16xi1>, vector<16xi32>
      %ge3A_1960 = arith.cmpf oge, %get3A_1934, %get3A_1938 : vector<16xf32>
      %max3A_1961 = arith.maximumf %get3A_1934, %get3A_1938 : vector<16xf32>
      %jit3A_1962 = arith.constant 30 : i32
      %jit3A_1963 = arith.constant 31 : i32
      %broadcast_in_dim3A_1964 = vector.broadcast %jit3A_1962 : i32 to vector<16xi32>
      %broadcast_in_dim3A_1965 = vector.broadcast %jit3A_1963 : i32 to vector<16xi32>
      %select_n3A_1966 = arith.select %ge3A_1960, %broadcast_in_dim3A_1964, %broadcast_in_dim3A_1965 : vector<16xi1>, vector<16xi32>
      %ge3A_1967 = arith.cmpf oge, %max3A_1940, %max3A_1947 : vector<16xf32>
      %max3A_1968 = arith.maximumf %max3A_1940, %max3A_1947 : vector<16xf32>
      %select_n3A_1969 = arith.select %ge3A_1967, %select_n3A_1945, %select_n3A_1952 : vector<16xi1>, vector<16xi32>
      %ge3A_1970 = arith.cmpf oge, %max3A_1954, %max3A_1961 : vector<16xf32>
      %max3A_1971 = arith.maximumf %max3A_1954, %max3A_1961 : vector<16xf32>
      %select_n3A_1972 = arith.select %ge3A_1970, %select_n3A_1959, %select_n3A_1966 : vector<16xi1>, vector<16xi32>
      %ge3A_1973 = arith.cmpf oge, %max3A_1968, %max3A_1971 : vector<16xf32>
      %max3A_1974 = arith.maximumf %max3A_1968, %max3A_1971 : vector<16xf32>
      %select_n3A_1975 = arith.select %ge3A_1973, %select_n3A_1969, %select_n3A_1972 : vector<16xi1>, vector<16xi32>
      %ge3A_1976 = arith.cmpf oge, %max3A_1906, %max3A_1974 : vector<16xf32>
      %select_n3A_1977 = arith.select %ge3A_1976, %select_n3A_1905, %select_n3A_1975 : vector<16xi1>, vector<16xi32>
      %max3A_1978 = arith.maximumf %max3A_1906, %max3A_1974 : vector<16xf32>
      %add3A_1979 = arith.addi %select_n3A_1977, %mul3A_1091 : vector<16xi32>
      tpu.vector_store_idx %arg7[%add3A_1979], %broadcast_in_dim3A_1093 {add = true} : memref<1536xf32, #tpu.memory_space<vmem>>[vector<16xi32>], vector<16xf32>,
      %add3A_1980 = arith.addi %select_n3A_1692, %mul3A_1091 : vector<16xi32>
      %add3A_1981 = arith.constant 512 : i32
      %add3A_1982 = vector.broadcast %add3A_1981 : i32 to vector<16xi32>
      %add3A_1983 = arith.addi %add3A_1980, %add3A_1982 : vector<16xi32>
      tpu.vector_store_idx %arg7[%add3A_1983], %broadcast_in_dim3A_1093 {add = true} : memref<1536xf32, #tpu.memory_space<vmem>>[vector<16xi32>], vector<16xf32>,
      %add3A_1984 = arith.addi %select_n3A_1977, %mul3A_1091 : vector<16xi32>
      %add3A_1985 = arith.constant 1024 : i32
      %add3A_1986 = vector.broadcast %add3A_1985 : i32 to vector<16xi32>
      %add3A_1987 = arith.addi %add3A_1984, %add3A_1986 : vector<16xi32>
      %eq3A = arith.cmpi eq, %select_n3A_1977, %select_n3A_1692 : vector<16xi32>
      tpu.vector_store_idx %arg7[%add3A_1987], %broadcast_in_dim3A_1093 masked %eq3A {add = true} : memref<1536xf32, #tpu.memory_space<vmem>>[vector<16xi32>], vector<16xf32>, vector<16xi1>
    }
    %scan3A_1098 = arith.constant 32 : i32
    %broadcast_in_dim3A_1099 = arith.constant 0.000000e+00 : f32
    %broadcast_in_dim3A_1100 = vector.broadcast %broadcast_in_dim3A_1099 : f32 to vector<16xf32>
    %get3A = arith.constant 0 : index
    %get3A_1101 = tpu.vector_load %arg7[%get3A] {strides = array<i32>} : memref<1536xf32, #tpu.memory_space<vmem>>, vector<16xf32>,
    %add3A_1102 = arith.addf %broadcast_in_dim3A_1100, %get3A_1101 : vector<16xf32>
    %get3A_1103 = arith.constant 32 : index
    %get3A_1104 = tpu.vector_load %arg7[%get3A_1103] {strides = array<i32>} : memref<1536xf32, #tpu.memory_space<vmem>>, vector<16xf32>,
    %add3A_1105 = arith.addf %add3A_1102, %get3A_1104 : vector<16xf32>
    %get3A_1106 = arith.constant 64 : index
    %get3A_1107 = tpu.vector_load %arg7[%get3A_1106] {strides = array<i32>} : memref<1536xf32, #tpu.memory_space<vmem>>, vector<16xf32>,
    %add3A_1108 = arith.addf %add3A_1105, %get3A_1107 : vector<16xf32>
    %get3A_1109 = arith.constant 96 : index
    %get3A_1110 = tpu.vector_load %arg7[%get3A_1109] {strides = array<i32>} : memref<1536xf32, #tpu.memory_space<vmem>>, vector<16xf32>,
    %add3A_1111 = arith.addf %add3A_1108, %get3A_1110 : vector<16xf32>
    %get3A_1112 = arith.constant 128 : index
    %get3A_1113 = tpu.vector_load %arg7[%get3A_1112] {strides = array<i32>} : memref<1536xf32, #tpu.memory_space<vmem>>, vector<16xf32>,
    %add3A_1114 = arith.addf %add3A_1111, %get3A_1113 : vector<16xf32>
    %get3A_1115 = arith.constant 160 : index
    %get3A_1116 = tpu.vector_load %arg7[%get3A_1115] {strides = array<i32>} : memref<1536xf32, #tpu.memory_space<vmem>>, vector<16xf32>,
    %add3A_1117 = arith.addf %add3A_1114, %get3A_1116 : vector<16xf32>
    %get3A_1118 = arith.constant 192 : index
    %get3A_1119 = tpu.vector_load %arg7[%get3A_1118] {strides = array<i32>} : memref<1536xf32, #tpu.memory_space<vmem>>, vector<16xf32>,
    %add3A_1120 = arith.addf %add3A_1117, %get3A_1119 : vector<16xf32>
    %get3A_1121 = arith.constant 224 : index
    %get3A_1122 = tpu.vector_load %arg7[%get3A_1121] {strides = array<i32>} : memref<1536xf32, #tpu.memory_space<vmem>>, vector<16xf32>,
    %add3A_1123 = arith.addf %add3A_1120, %get3A_1122 : vector<16xf32>
    %get3A_1124 = arith.constant 256 : index
    %get3A_1125 = tpu.vector_load %arg7[%get3A_1124] {strides = array<i32>} : memref<1536xf32, #tpu.memory_space<vmem>>, vector<16xf32>,
    %add3A_1126 = arith.addf %add3A_1123, %get3A_1125 : vector<16xf32>
    %get3A_1127 = arith.constant 288 : index
    %get3A_1128 = tpu.vector_load %arg7[%get3A_1127] {strides = array<i32>} : memref<1536xf32, #tpu.memory_space<vmem>>, vector<16xf32>,
    %add3A_1129 = arith.addf %add3A_1126, %get3A_1128 : vector<16xf32>
    %get3A_1130 = arith.constant 320 : index
    %get3A_1131 = tpu.vector_load %arg7[%get3A_1130] {strides = array<i32>} : memref<1536xf32, #tpu.memory_space<vmem>>, vector<16xf32>,
    %add3A_1132 = arith.addf %add3A_1129, %get3A_1131 : vector<16xf32>
    %get3A_1133 = arith.constant 352 : index
    %get3A_1134 = tpu.vector_load %arg7[%get3A_1133] {strides = array<i32>} : memref<1536xf32, #tpu.memory_space<vmem>>, vector<16xf32>,
    %add3A_1135 = arith.addf %add3A_1132, %get3A_1134 : vector<16xf32>
    %get3A_1136 = arith.constant 384 : index
    %get3A_1137 = tpu.vector_load %arg7[%get3A_1136] {strides = array<i32>} : memref<1536xf32, #tpu.memory_space<vmem>>, vector<16xf32>,
    %add3A_1138 = arith.addf %add3A_1135, %get3A_1137 : vector<16xf32>
    %get3A_1139 = arith.constant 416 : index
    %get3A_1140 = tpu.vector_load %arg7[%get3A_1139] {strides = array<i32>} : memref<1536xf32, #tpu.memory_space<vmem>>, vector<16xf32>,
    %add3A_1141 = arith.addf %add3A_1138, %get3A_1140 : vector<16xf32>
    %get3A_1142 = arith.constant 448 : index
    %get3A_1143 = tpu.vector_load %arg7[%get3A_1142] {strides = array<i32>} : memref<1536xf32, #tpu.memory_space<vmem>>, vector<16xf32>,
    %add3A_1144 = arith.addf %add3A_1141, %get3A_1143 : vector<16xf32>
    %get3A_1145 = arith.constant 480 : index
    %get3A_1146 = tpu.vector_load %arg7[%get3A_1145] {strides = array<i32>} : memref<1536xf32, #tpu.memory_space<vmem>>, vector<16xf32>,
    %add3A_1147 = arith.addf %add3A_1144, %get3A_1146 : vector<16xf32>
    %swap3A_1148 = arith.constant 0 : index
    %swap3A_1149 = tpu.vector_load %arg8[%swap3A_1148] {strides = array<i32>} : memref<96xf32, #tpu.memory_space<vmem>>, vector<16xf32>,
    tpu.vector_store %arg8[%swap3A_1148], %add3A_1147 {strides = array<i32>} : memref<96xf32, #tpu.memory_space<vmem>>, vector<16xf32>,
    %broadcast_in_dim3A_1150 = arith.constant 0.000000e+00 : f32
    %broadcast_in_dim3A_1151 = vector.broadcast %broadcast_in_dim3A_1150 : f32 to vector<16xf32>
    %get3A_1152 = arith.constant 16 : index
    %get3A_1153 = tpu.vector_load %arg7[%get3A_1152] {strides = array<i32>} : memref<1536xf32, #tpu.memory_space<vmem>>, vector<16xf32>,
    %add3A_1154 = arith.addf %broadcast_in_dim3A_1151, %get3A_1153 : vector<16xf32>
    %get3A_1155 = arith.constant 48 : index
    %get3A_1156 = tpu.vector_load %arg7[%get3A_1155] {strides = array<i32>} : memref<1536xf32, #tpu.memory_space<vmem>>, vector<16xf32>,
    %add3A_1157 = arith.addf %add3A_1154, %get3A_1156 : vector<16xf32>
    %get3A_1158 = arith.constant 80 : index
    %get3A_1159 = tpu.vector_load %arg7[%get3A_1158] {strides = array<i32>} : memref<1536xf32, #tpu.memory_space<vmem>>, vector<16xf32>,
    %add3A_1160 = arith.addf %add3A_1157, %get3A_1159 : vector<16xf32>
    %get3A_1161 = arith.constant 112 : index
    %get3A_1162 = tpu.vector_load %arg7[%get3A_1161] {strides = array<i32>} : memref<1536xf32, #tpu.memory_space<vmem>>, vector<16xf32>,
    %add3A_1163 = arith.addf %add3A_1160, %get3A_1162 : vector<16xf32>
    %get3A_1164 = arith.constant 144 : index
    %get3A_1165 = tpu.vector_load %arg7[%get3A_1164] {strides = array<i32>} : memref<1536xf32, #tpu.memory_space<vmem>>, vector<16xf32>,
    %add3A_1166 = arith.addf %add3A_1163, %get3A_1165 : vector<16xf32>
    %get3A_1167 = arith.constant 176 : index
    %get3A_1168 = tpu.vector_load %arg7[%get3A_1167] {strides = array<i32>} : memref<1536xf32, #tpu.memory_space<vmem>>, vector<16xf32>,
    %add3A_1169 = arith.addf %add3A_1166, %get3A_1168 : vector<16xf32>
    %get3A_1170 = arith.constant 208 : index
    %get3A_1171 = tpu.vector_load %arg7[%get3A_1170] {strides = array<i32>} : memref<1536xf32, #tpu.memory_space<vmem>>, vector<16xf32>,
    %add3A_1172 = arith.addf %add3A_1169, %get3A_1171 : vector<16xf32>
    %get3A_1173 = arith.constant 240 : index
    %get3A_1174 = tpu.vector_load %arg7[%get3A_1173] {strides = array<i32>} : memref<1536xf32, #tpu.memory_space<vmem>>, vector<16xf32>,
    %add3A_1175 = arith.addf %add3A_1172, %get3A_1174 : vector<16xf32>
    %get3A_1176 = arith.constant 272 : index
    %get3A_1177 = tpu.vector_load %arg7[%get3A_1176] {strides = array<i32>} : memref<1536xf32, #tpu.memory_space<vmem>>, vector<16xf32>,
    %add3A_1178 = arith.addf %add3A_1175, %get3A_1177 : vector<16xf32>
    %get3A_1179 = arith.constant 304 : index
    %get3A_1180 = tpu.vector_load %arg7[%get3A_1179] {strides = array<i32>} : memref<1536xf32, #tpu.memory_space<vmem>>, vector<16xf32>,
    %add3A_1181 = arith.addf %add3A_1178, %get3A_1180 : vector<16xf32>
    %get3A_1182 = arith.constant 336 : index
    %get3A_1183 = tpu.vector_load %arg7[%get3A_1182] {strides = array<i32>} : memref<1536xf32, #tpu.memory_space<vmem>>, vector<16xf32>,
    %add3A_1184 = arith.addf %add3A_1181, %get3A_1183 : vector<16xf32>
    %get3A_1185 = arith.constant 368 : index
    %get3A_1186 = tpu.vector_load %arg7[%get3A_1185] {strides = array<i32>} : memref<1536xf32, #tpu.memory_space<vmem>>, vector<16xf32>,
    %add3A_1187 = arith.addf %add3A_1184, %get3A_1186 : vector<16xf32>
    %get3A_1188 = arith.constant 400 : index
    %get3A_1189 = tpu.vector_load %arg7[%get3A_1188] {strides = array<i32>} : memref<1536xf32, #tpu.memory_space<vmem>>, vector<16xf32>,
    %add3A_1190 = arith.addf %add3A_1187, %get3A_1189 : vector<16xf32>
    %get3A_1191 = arith.constant 432 : index
    %get3A_1192 = tpu.vector_load %arg7[%get3A_1191] {strides = array<i32>} : memref<1536xf32, #tpu.memory_space<vmem>>, vector<16xf32>,
    %add3A_1193 = arith.addf %add3A_1190, %get3A_1192 : vector<16xf32>
    %get3A_1194 = arith.constant 464 : index
    %get3A_1195 = tpu.vector_load %arg7[%get3A_1194] {strides = array<i32>} : memref<1536xf32, #tpu.memory_space<vmem>>, vector<16xf32>,
    %add3A_1196 = arith.addf %add3A_1193, %get3A_1195 : vector<16xf32>
    %get3A_1197 = arith.constant 496 : index
    %get3A_1198 = tpu.vector_load %arg7[%get3A_1197] {strides = array<i32>} : memref<1536xf32, #tpu.memory_space<vmem>>, vector<16xf32>,
    %add3A_1199 = arith.addf %add3A_1196, %get3A_1198 : vector<16xf32>
    %swap3A_1200 = arith.constant 16 : index
    %swap3A_1201 = tpu.vector_load %arg8[%swap3A_1200] {strides = array<i32>} : memref<96xf32, #tpu.memory_space<vmem>>, vector<16xf32>,
    tpu.vector_store %arg8[%swap3A_1200], %add3A_1199 {strides = array<i32>} : memref<96xf32, #tpu.memory_space<vmem>>, vector<16xf32>,
    %broadcast_in_dim3A_1202 = arith.constant 0.000000e+00 : f32
    %broadcast_in_dim3A_1203 = vector.broadcast %broadcast_in_dim3A_1202 : f32 to vector<16xf32>
    %get3A_1204 = arith.constant 512 : index
    %get3A_1205 = tpu.vector_load %arg7[%get3A_1204] {strides = array<i32>} : memref<1536xf32, #tpu.memory_space<vmem>>, vector<16xf32>,
    %add3A_1206 = arith.addf %broadcast_in_dim3A_1203, %get3A_1205 : vector<16xf32>
    %get3A_1207 = arith.constant 544 : index
    %get3A_1208 = tpu.vector_load %arg7[%get3A_1207] {strides = array<i32>} : memref<1536xf32, #tpu.memory_space<vmem>>, vector<16xf32>,
    %add3A_1209 = arith.addf %add3A_1206, %get3A_1208 : vector<16xf32>
    %get3A_1210 = arith.constant 576 : index
    %get3A_1211 = tpu.vector_load %arg7[%get3A_1210] {strides = array<i32>} : memref<1536xf32, #tpu.memory_space<vmem>>, vector<16xf32>,
    %add3A_1212 = arith.addf %add3A_1209, %get3A_1211 : vector<16xf32>
    %get3A_1213 = arith.constant 608 : index
    %get3A_1214 = tpu.vector_load %arg7[%get3A_1213] {strides = array<i32>} : memref<1536xf32, #tpu.memory_space<vmem>>, vector<16xf32>,
    %add3A_1215 = arith.addf %add3A_1212, %get3A_1214 : vector<16xf32>
    %get3A_1216 = arith.constant 640 : index
    %get3A_1217 = tpu.vector_load %arg7[%get3A_1216] {strides = array<i32>} : memref<1536xf32, #tpu.memory_space<vmem>>, vector<16xf32>,
    %add3A_1218 = arith.addf %add3A_1215, %get3A_1217 : vector<16xf32>
    %get3A_1219 = arith.constant 672 : index
    %get3A_1220 = tpu.vector_load %arg7[%get3A_1219] {strides = array<i32>} : memref<1536xf32, #tpu.memory_space<vmem>>, vector<16xf32>,
    %add3A_1221 = arith.addf %add3A_1218, %get3A_1220 : vector<16xf32>
    %get3A_1222 = arith.constant 704 : index
    %get3A_1223 = tpu.vector_load %arg7[%get3A_1222] {strides = array<i32>} : memref<1536xf32, #tpu.memory_space<vmem>>, vector<16xf32>,
    %add3A_1224 = arith.addf %add3A_1221, %get3A_1223 : vector<16xf32>
    %get3A_1225 = arith.constant 736 : index
    %get3A_1226 = tpu.vector_load %arg7[%get3A_1225] {strides = array<i32>} : memref<1536xf32, #tpu.memory_space<vmem>>, vector<16xf32>,
    %add3A_1227 = arith.addf %add3A_1224, %get3A_1226 : vector<16xf32>
    %get3A_1228 = arith.constant 768 : index
    %get3A_1229 = tpu.vector_load %arg7[%get3A_1228] {strides = array<i32>} : memref<1536xf32, #tpu.memory_space<vmem>>, vector<16xf32>,
    %add3A_1230 = arith.addf %add3A_1227, %get3A_1229 : vector<16xf32>
    %get3A_1231 = arith.constant 800 : index
    %get3A_1232 = tpu.vector_load %arg7[%get3A_1231] {strides = array<i32>} : memref<1536xf32, #tpu.memory_space<vmem>>, vector<16xf32>,
    %add3A_1233 = arith.addf %add3A_1230, %get3A_1232 : vector<16xf32>
    %get3A_1234 = arith.constant 832 : index
    %get3A_1235 = tpu.vector_load %arg7[%get3A_1234] {strides = array<i32>} : memref<1536xf32, #tpu.memory_space<vmem>>, vector<16xf32>,
    %add3A_1236 = arith.addf %add3A_1233, %get3A_1235 : vector<16xf32>
    %get3A_1237 = arith.constant 864 : index
    %get3A_1238 = tpu.vector_load %arg7[%get3A_1237] {strides = array<i32>} : memref<1536xf32, #tpu.memory_space<vmem>>, vector<16xf32>,
    %add3A_1239 = arith.addf %add3A_1236, %get3A_1238 : vector<16xf32>
    %get3A_1240 = arith.constant 896 : index
    %get3A_1241 = tpu.vector_load %arg7[%get3A_1240] {strides = array<i32>} : memref<1536xf32, #tpu.memory_space<vmem>>, vector<16xf32>,
    %add3A_1242 = arith.addf %add3A_1239, %get3A_1241 : vector<16xf32>
    %get3A_1243 = arith.constant 928 : index
    %get3A_1244 = tpu.vector_load %arg7[%get3A_1243] {strides = array<i32>} : memref<1536xf32, #tpu.memory_space<vmem>>, vector<16xf32>,
    %add3A_1245 = arith.addf %add3A_1242, %get3A_1244 : vector<16xf32>
    %get3A_1246 = arith.constant 960 : index
    %get3A_1247 = tpu.vector_load %arg7[%get3A_1246] {strides = array<i32>} : memref<1536xf32, #tpu.memory_space<vmem>>, vector<16xf32>,
    %add3A_1248 = arith.addf %add3A_1245, %get3A_1247 : vector<16xf32>
    %get3A_1249 = arith.constant 992 : index
    %get3A_1250 = tpu.vector_load %arg7[%get3A_1249] {strides = array<i32>} : memref<1536xf32, #tpu.memory_space<vmem>>, vector<16xf32>,
    %add3A_1251 = arith.addf %add3A_1248, %get3A_1250 : vector<16xf32>
    %swap3A_1252 = arith.constant 32 : index
    %swap3A_1253 = tpu.vector_load %arg8[%swap3A_1252] {strides = array<i32>} : memref<96xf32, #tpu.memory_space<vmem>>, vector<16xf32>,
    tpu.vector_store %arg8[%swap3A_1252], %add3A_1251 {strides = array<i32>} : memref<96xf32, #tpu.memory_space<vmem>>, vector<16xf32>,
    %broadcast_in_dim3A_1254 = arith.constant 0.000000e+00 : f32
    %broadcast_in_dim3A_1255 = vector.broadcast %broadcast_in_dim3A_1254 : f32 to vector<16xf32>
    %get3A_1256 = arith.constant 528 : index
    %get3A_1257 = tpu.vector_load %arg7[%get3A_1256] {strides = array<i32>} : memref<1536xf32, #tpu.memory_space<vmem>>, vector<16xf32>,
    %add3A_1258 = arith.addf %broadcast_in_dim3A_1255, %get3A_1257 : vector<16xf32>
    %get3A_1259 = arith.constant 560 : index
    %get3A_1260 = tpu.vector_load %arg7[%get3A_1259] {strides = array<i32>} : memref<1536xf32, #tpu.memory_space<vmem>>, vector<16xf32>,
    %add3A_1261 = arith.addf %add3A_1258, %get3A_1260 : vector<16xf32>
    %get3A_1262 = arith.constant 592 : index
    %get3A_1263 = tpu.vector_load %arg7[%get3A_1262] {strides = array<i32>} : memref<1536xf32, #tpu.memory_space<vmem>>, vector<16xf32>,
    %add3A_1264 = arith.addf %add3A_1261, %get3A_1263 : vector<16xf32>
    %get3A_1265 = arith.constant 624 : index
    %get3A_1266 = tpu.vector_load %arg7[%get3A_1265] {strides = array<i32>} : memref<1536xf32, #tpu.memory_space<vmem>>, vector<16xf32>,
    %add3A_1267 = arith.addf %add3A_1264, %get3A_1266 : vector<16xf32>
    %get3A_1268 = arith.constant 656 : index
    %get3A_1269 = tpu.vector_load %arg7[%get3A_1268] {strides = array<i32>} : memref<1536xf32, #tpu.memory_space<vmem>>, vector<16xf32>,
    %add3A_1270 = arith.addf %add3A_1267, %get3A_1269 : vector<16xf32>
    %get3A_1271 = arith.constant 688 : index
    %get3A_1272 = tpu.vector_load %arg7[%get3A_1271] {strides = array<i32>} : memref<1536xf32, #tpu.memory_space<vmem>>, vector<16xf32>,
    %add3A_1273 = arith.addf %add3A_1270, %get3A_1272 : vector<16xf32>
    %get3A_1274 = arith.constant 720 : index
    %get3A_1275 = tpu.vector_load %arg7[%get3A_1274] {strides = array<i32>} : memref<1536xf32, #tpu.memory_space<vmem>>, vector<16xf32>,
    %add3A_1276 = arith.addf %add3A_1273, %get3A_1275 : vector<16xf32>
    %get3A_1277 = arith.constant 752 : index
    %get3A_1278 = tpu.vector_load %arg7[%get3A_1277] {strides = array<i32>} : memref<1536xf32, #tpu.memory_space<vmem>>, vector<16xf32>,
    %add3A_1279 = arith.addf %add3A_1276, %get3A_1278 : vector<16xf32>
    %get3A_1280 = arith.constant 784 : index
    %get3A_1281 = tpu.vector_load %arg7[%get3A_1280] {strides = array<i32>} : memref<1536xf32, #tpu.memory_space<vmem>>, vector<16xf32>,
    %add3A_1282 = arith.addf %add3A_1279, %get3A_1281 : vector<16xf32>
    %get3A_1283 = arith.constant 816 : index
    %get3A_1284 = tpu.vector_load %arg7[%get3A_1283] {strides = array<i32>} : memref<1536xf32, #tpu.memory_space<vmem>>, vector<16xf32>,
    %add3A_1285 = arith.addf %add3A_1282, %get3A_1284 : vector<16xf32>
    %get3A_1286 = arith.constant 848 : index
    %get3A_1287 = tpu.vector_load %arg7[%get3A_1286] {strides = array<i32>} : memref<1536xf32, #tpu.memory_space<vmem>>, vector<16xf32>,
    %add3A_1288 = arith.addf %add3A_1285, %get3A_1287 : vector<16xf32>
    %get3A_1289 = arith.constant 880 : index
    %get3A_1290 = tpu.vector_load %arg7[%get3A_1289] {strides = array<i32>} : memref<1536xf32, #tpu.memory_space<vmem>>, vector<16xf32>,
    %add3A_1291 = arith.addf %add3A_1288, %get3A_1290 : vector<16xf32>
    %get3A_1292 = arith.constant 912 : index
    %get3A_1293 = tpu.vector_load %arg7[%get3A_1292] {strides = array<i32>} : memref<1536xf32, #tpu.memory_space<vmem>>, vector<16xf32>,
    %add3A_1294 = arith.addf %add3A_1291, %get3A_1293 : vector<16xf32>
    %get3A_1295 = arith.constant 944 : index
    %get3A_1296 = tpu.vector_load %arg7[%get3A_1295] {strides = array<i32>} : memref<1536xf32, #tpu.memory_space<vmem>>, vector<16xf32>,
    %add3A_1297 = arith.addf %add3A_1294, %get3A_1296 : vector<16xf32>
    %get3A_1298 = arith.constant 976 : index
    %get3A_1299 = tpu.vector_load %arg7[%get3A_1298] {strides = array<i32>} : memref<1536xf32, #tpu.memory_space<vmem>>, vector<16xf32>,
    %add3A_1300 = arith.addf %add3A_1297, %get3A_1299 : vector<16xf32>
    %get3A_1301 = arith.constant 1008 : index
    %get3A_1302 = tpu.vector_load %arg7[%get3A_1301] {strides = array<i32>} : memref<1536xf32, #tpu.memory_space<vmem>>, vector<16xf32>,
    %add3A_1303 = arith.addf %add3A_1300, %get3A_1302 : vector<16xf32>
    %swap3A_1304 = arith.constant 48 : index
    %swap3A_1305 = tpu.vector_load %arg8[%swap3A_1304] {strides = array<i32>} : memref<96xf32, #tpu.memory_space<vmem>>, vector<16xf32>,
    tpu.vector_store %arg8[%swap3A_1304], %add3A_1303 {strides = array<i32>} : memref<96xf32, #tpu.memory_space<vmem>>, vector<16xf32>,
    %broadcast_in_dim3A_1306 = arith.constant 0.000000e+00 : f32
    %broadcast_in_dim3A_1307 = vector.broadcast %broadcast_in_dim3A_1306 : f32 to vector<16xf32>
    %get3A_1308 = arith.constant 1024 : index
    %get3A_1309 = tpu.vector_load %arg7[%get3A_1308] {strides = array<i32>} : memref<1536xf32, #tpu.memory_space<vmem>>, vector<16xf32>,
    %add3A_1310 = arith.addf %broadcast_in_dim3A_1307, %get3A_1309 : vector<16xf32>
    %get3A_1311 = arith.constant 1056 : index
    %get3A_1312 = tpu.vector_load %arg7[%get3A_1311] {strides = array<i32>} : memref<1536xf32, #tpu.memory_space<vmem>>, vector<16xf32>,
    %add3A_1313 = arith.addf %add3A_1310, %get3A_1312 : vector<16xf32>
    %get3A_1314 = arith.constant 1088 : index
    %get3A_1315 = tpu.vector_load %arg7[%get3A_1314] {strides = array<i32>} : memref<1536xf32, #tpu.memory_space<vmem>>, vector<16xf32>,
    %add3A_1316 = arith.addf %add3A_1313, %get3A_1315 : vector<16xf32>
    %get3A_1317 = arith.constant 1120 : index
    %get3A_1318 = tpu.vector_load %arg7[%get3A_1317] {strides = array<i32>} : memref<1536xf32, #tpu.memory_space<vmem>>, vector<16xf32>,
    %add3A_1319 = arith.addf %add3A_1316, %get3A_1318 : vector<16xf32>
    %get3A_1320 = arith.constant 1152 : index
    %get3A_1321 = tpu.vector_load %arg7[%get3A_1320] {strides = array<i32>} : memref<1536xf32, #tpu.memory_space<vmem>>, vector<16xf32>,
    %add3A_1322 = arith.addf %add3A_1319, %get3A_1321 : vector<16xf32>
    %get3A_1323 = arith.constant 1184 : index
    %get3A_1324 = tpu.vector_load %arg7[%get3A_1323] {strides = array<i32>} : memref<1536xf32, #tpu.memory_space<vmem>>, vector<16xf32>,
    %add3A_1325 = arith.addf %add3A_1322, %get3A_1324 : vector<16xf32>
    %get3A_1326 = arith.constant 1216 : index
    %get3A_1327 = tpu.vector_load %arg7[%get3A_1326] {strides = array<i32>} : memref<1536xf32, #tpu.memory_space<vmem>>, vector<16xf32>,
    %add3A_1328 = arith.addf %add3A_1325, %get3A_1327 : vector<16xf32>
    %get3A_1329 = arith.constant 1248 : index
    %get3A_1330 = tpu.vector_load %arg7[%get3A_1329] {strides = array<i32>} : memref<1536xf32, #tpu.memory_space<vmem>>, vector<16xf32>,
    %add3A_1331 = arith.addf %add3A_1328, %get3A_1330 : vector<16xf32>
    %get3A_1332 = arith.constant 1280 : index
    %get3A_1333 = tpu.vector_load %arg7[%get3A_1332] {strides = array<i32>} : memref<1536xf32, #tpu.memory_space<vmem>>, vector<16xf32>,
    %add3A_1334 = arith.addf %add3A_1331, %get3A_1333 : vector<16xf32>
    %get3A_1335 = arith.constant 1312 : index
    %get3A_1336 = tpu.vector_load %arg7[%get3A_1335] {strides = array<i32>} : memref<1536xf32, #tpu.memory_space<vmem>>, vector<16xf32>,
    %add3A_1337 = arith.addf %add3A_1334, %get3A_1336 : vector<16xf32>
    %get3A_1338 = arith.constant 1344 : index
    %get3A_1339 = tpu.vector_load %arg7[%get3A_1338] {strides = array<i32>} : memref<1536xf32, #tpu.memory_space<vmem>>, vector<16xf32>,
    %add3A_1340 = arith.addf %add3A_1337, %get3A_1339 : vector<16xf32>
    %get3A_1341 = arith.constant 1376 : index
    %get3A_1342 = tpu.vector_load %arg7[%get3A_1341] {strides = array<i32>} : memref<1536xf32, #tpu.memory_space<vmem>>, vector<16xf32>,
    %add3A_1343 = arith.addf %add3A_1340, %get3A_1342 : vector<16xf32>
    %get3A_1344 = arith.constant 1408 : index
    %get3A_1345 = tpu.vector_load %arg7[%get3A_1344] {strides = array<i32>} : memref<1536xf32, #tpu.memory_space<vmem>>, vector<16xf32>,
    %add3A_1346 = arith.addf %add3A_1343, %get3A_1345 : vector<16xf32>
    %get3A_1347 = arith.constant 1440 : index
    %get3A_1348 = tpu.vector_load %arg7[%get3A_1347] {strides = array<i32>} : memref<1536xf32, #tpu.memory_space<vmem>>, vector<16xf32>,
    %add3A_1349 = arith.addf %add3A_1346, %get3A_1348 : vector<16xf32>
    %get3A_1350 = arith.constant 1472 : index
    %get3A_1351 = tpu.vector_load %arg7[%get3A_1350] {strides = array<i32>} : memref<1536xf32, #tpu.memory_space<vmem>>, vector<16xf32>,
    %add3A_1352 = arith.addf %add3A_1349, %get3A_1351 : vector<16xf32>
    %get3A_1353 = arith.constant 1504 : index
    %get3A_1354 = tpu.vector_load %arg7[%get3A_1353] {strides = array<i32>} : memref<1536xf32, #tpu.memory_space<vmem>>, vector<16xf32>,
    %add3A_1355 = arith.addf %add3A_1352, %get3A_1354 : vector<16xf32>
    %swap3A_1356 = arith.constant 64 : index
    %swap3A_1357 = tpu.vector_load %arg8[%swap3A_1356] {strides = array<i32>} : memref<96xf32, #tpu.memory_space<vmem>>, vector<16xf32>,
    tpu.vector_store %arg8[%swap3A_1356], %add3A_1355 {strides = array<i32>} : memref<96xf32, #tpu.memory_space<vmem>>, vector<16xf32>,
    %broadcast_in_dim3A_1358 = arith.constant 0.000000e+00 : f32
    %broadcast_in_dim3A_1359 = vector.broadcast %broadcast_in_dim3A_1358 : f32 to vector<16xf32>
    %get3A_1360 = arith.constant 1040 : index
    %get3A_1361 = tpu.vector_load %arg7[%get3A_1360] {strides = array<i32>} : memref<1536xf32, #tpu.memory_space<vmem>>, vector<16xf32>,
    %add3A_1362 = arith.addf %broadcast_in_dim3A_1359, %get3A_1361 : vector<16xf32>
    %get3A_1363 = arith.constant 1072 : index
    %get3A_1364 = tpu.vector_load %arg7[%get3A_1363] {strides = array<i32>} : memref<1536xf32, #tpu.memory_space<vmem>>, vector<16xf32>,
    %add3A_1365 = arith.addf %add3A_1362, %get3A_1364 : vector<16xf32>
    %get3A_1366 = arith.constant 1104 : index
    %get3A_1367 = tpu.vector_load %arg7[%get3A_1366] {strides = array<i32>} : memref<1536xf32, #tpu.memory_space<vmem>>, vector<16xf32>,
    %add3A_1368 = arith.addf %add3A_1365, %get3A_1367 : vector<16xf32>
    %get3A_1369 = arith.constant 1136 : index
    %get3A_1370 = tpu.vector_load %arg7[%get3A_1369] {strides = array<i32>} : memref<1536xf32, #tpu.memory_space<vmem>>, vector<16xf32>,
    %add3A_1371 = arith.addf %add3A_1368, %get3A_1370 : vector<16xf32>
    %get3A_1372 = arith.constant 1168 : index
    %get3A_1373 = tpu.vector_load %arg7[%get3A_1372] {strides = array<i32>} : memref<1536xf32, #tpu.memory_space<vmem>>, vector<16xf32>,
    %add3A_1374 = arith.addf %add3A_1371, %get3A_1373 : vector<16xf32>
    %get3A_1375 = arith.constant 1200 : index
    %get3A_1376 = tpu.vector_load %arg7[%get3A_1375] {strides = array<i32>} : memref<1536xf32, #tpu.memory_space<vmem>>, vector<16xf32>,
    %add3A_1377 = arith.addf %add3A_1374, %get3A_1376 : vector<16xf32>
    %get3A_1378 = arith.constant 1232 : index
    %get3A_1379 = tpu.vector_load %arg7[%get3A_1378] {strides = array<i32>} : memref<1536xf32, #tpu.memory_space<vmem>>, vector<16xf32>,
    %add3A_1380 = arith.addf %add3A_1377, %get3A_1379 : vector<16xf32>
    %get3A_1381 = arith.constant 1264 : index
    %get3A_1382 = tpu.vector_load %arg7[%get3A_1381] {strides = array<i32>} : memref<1536xf32, #tpu.memory_space<vmem>>, vector<16xf32>,
    %add3A_1383 = arith.addf %add3A_1380, %get3A_1382 : vector<16xf32>
    %get3A_1384 = arith.constant 1296 : index
    %get3A_1385 = tpu.vector_load %arg7[%get3A_1384] {strides = array<i32>} : memref<1536xf32, #tpu.memory_space<vmem>>, vector<16xf32>,
    %add3A_1386 = arith.addf %add3A_1383, %get3A_1385 : vector<16xf32>
    %get3A_1387 = arith.constant 1328 : index
    %get3A_1388 = tpu.vector_load %arg7[%get3A_1387] {strides = array<i32>} : memref<1536xf32, #tpu.memory_space<vmem>>, vector<16xf32>,
    %add3A_1389 = arith.addf %add3A_1386, %get3A_1388 : vector<16xf32>
    %get3A_1390 = arith.constant 1360 : index
    %get3A_1391 = tpu.vector_load %arg7[%get3A_1390] {strides = array<i32>} : memref<1536xf32, #tpu.memory_space<vmem>>, vector<16xf32>,
    %add3A_1392 = arith.addf %add3A_1389, %get3A_1391 : vector<16xf32>
    %get3A_1393 = arith.constant 1392 : index
    %get3A_1394 = tpu.vector_load %arg7[%get3A_1393] {strides = array<i32>} : memref<1536xf32, #tpu.memory_space<vmem>>, vector<16xf32>,
    %add3A_1395 = arith.addf %add3A_1392, %get3A_1394 : vector<16xf32>
    %get3A_1396 = arith.constant 1424 : index
    %get3A_1397 = tpu.vector_load %arg7[%get3A_1396] {strides = array<i32>} : memref<1536xf32, #tpu.memory_space<vmem>>, vector<16xf32>,
    %add3A_1398 = arith.addf %add3A_1395, %get3A_1397 : vector<16xf32>
    %get3A_1399 = arith.constant 1456 : index
    %get3A_1400 = tpu.vector_load %arg7[%get3A_1399] {strides = array<i32>} : memref<1536xf32, #tpu.memory_space<vmem>>, vector<16xf32>,
    %add3A_1401 = arith.addf %add3A_1398, %get3A_1400 : vector<16xf32>
    %get3A_1402 = arith.constant 1488 : index
    %get3A_1403 = tpu.vector_load %arg7[%get3A_1402] {strides = array<i32>} : memref<1536xf32, #tpu.memory_space<vmem>>, vector<16xf32>,
    %add3A_1404 = arith.addf %add3A_1401, %get3A_1403 : vector<16xf32>
    %get3A_1405 = arith.constant 1520 : index
    %get3A_1406 = tpu.vector_load %arg7[%get3A_1405] {strides = array<i32>} : memref<1536xf32, #tpu.memory_space<vmem>>, vector<16xf32>,
    %add3A_1407 = arith.addf %add3A_1404, %get3A_1406 : vector<16xf32>
    %swap3A_1408 = arith.constant 80 : index
    %swap3A_1409 = tpu.vector_load %arg8[%swap3A_1408] {strides = array<i32>} : memref<96xf32, #tpu.memory_space<vmem>>, vector<16xf32>,
    tpu.vector_store %arg8[%swap3A_1408], %add3A_1407 {strides = array<i32>} : memref<96xf32, #tpu.memory_space<vmem>>, vector<16xf32>,
    "tpu.region"() ({
      %run_scoped3A = tpu.sem_alloc : memref<!tpu.dma_semaphore, #tpu.memory_space<semaphore_mem>>
      %dma_start3A_1410 = arith.constant 0 : i32
      %dma_start3A_1411 = tpu.memref_slice %arg4[%add3A, %dma_start3A_1410] : memref<32x96xf32, #tpu.memory_space<hbm>> -> memref<1x96xf32, #tpu.memory_space<hbm>>
      %dma_start3A_1412 = tpu.memref_squeeze %dma_start3A_1411 : memref<1x96xf32, #tpu.memory_space<hbm>> -> memref<96xf32, #tpu.memory_space<hbm>>
      %dma_start3A_1413 = arith.constant 0 : i32
      %dma_start3A_1414 = tpu.memref_slice %arg4[%add3A, %dma_start3A_1413] : memref<32x96xf32, #tpu.memory_space<hbm>> -> memref<1x96xf32, #tpu.memory_space<hbm>>
      %dma_start3A_1415 = tpu.memref_squeeze %dma_start3A_1414 : memref<1x96xf32, #tpu.memory_space<hbm>> -> memref<96xf32, #tpu.memory_space<hbm>>
      tpu.enqueue_dma source(%arg8 : memref<96xf32, #tpu.memory_space<vmem>>) target(%dma_start3A_1415 : memref<96xf32, #tpu.memory_space<hbm>>) target_semaphore(%run_scoped3A : memref<!tpu.dma_semaphore, #tpu.memory_space<semaphore_mem>>)
      %dma_wait3A_1416 = arith.constant 0 : i32
      %dma_wait3A_1417 = tpu.memref_slice %arg4[%add3A, %dma_wait3A_1416] : memref<32x96xf32, #tpu.memory_space<hbm>> -> memref<1x96xf32, #tpu.memory_space<hbm>>
      %dma_wait3A_1418 = tpu.memref_squeeze %dma_wait3A_1417 : memref<1x96xf32, #tpu.memory_space<hbm>> -> memref<96xf32, #tpu.memory_space<hbm>>
      %dma_wait3A_1419 = arith.constant 0 : i32
      %dma_wait3A_1420 = tpu.memref_slice %arg4[%add3A, %dma_wait3A_1419] : memref<32x96xf32, #tpu.memory_space<hbm>> -> memref<1x96xf32, #tpu.memory_space<hbm>>
      %dma_wait3A_1421 = tpu.memref_squeeze %dma_wait3A_1420 : memref<1x96xf32, #tpu.memory_space<hbm>> -> memref<96xf32, #tpu.memory_space<hbm>>
      tpu.wait_dma2 semaphore(%run_scoped3A : memref<!tpu.dma_semaphore, #tpu.memory_space<semaphore_mem>>) src(%arg8 : memref<96xf32, #tpu.memory_space<vmem>>) dst(%dma_wait3A_1421 : memref<96xf32, #tpu.memory_space<hbm>>)
      tpu.yield
    }) : () -> ()
    return
  }
}

module attributes {stable_mosaic.version = 14 : i64} {
  func.func @_cce_combine_body(%arg0: memref<32x16384xf32, #tpu.memory_space<vmem>>, %arg1: memref<32x16384xf32, #tpu.memory_space<vmem>>, %arg2: memref<32x1xf32, #tpu.memory_space<vmem>>, %arg3: memref<1x32xf32, #tpu.memory_space<vmem>>, %arg4: memref<32x96xf32, #tpu.memory_space<vmem>>, %arg5: memref<1x1xf32, #tpu.memory_space<vmem>>) attributes {dimension_semantics = [], scalar_prefetch = 0 : i64, scratch_operands = 0 : i64, tpu.core_type = #tpu.core_type<tc>} {
    %get3A = arith.constant 0 : index
    %get3A_0 = arith.constant 0 : index
    %get3A_1 = vector.load %arg0[%get3A, %get3A_0] : memref<32x16384xf32, #tpu.memory_space<vmem>>, vector<32x16384xf32>
    %get3A_2 = arith.constant 0 : index
    %get3A_3 = arith.constant 0 : index
    %get3A_4 = vector.load %arg1[%get3A_2, %get3A_3] : memref<32x16384xf32, #tpu.memory_space<vmem>>, vector<32x16384xf32>
    %get3A_5 = arith.constant 0 : index
    %get3A_6 = arith.constant 0 : index
    %get3A_7 = vector.load %arg2[%get3A_5, %get3A_6] : memref<32x1xf32, #tpu.memory_space<vmem>>, vector<32x1xf32>
    %exp3A = math.exp %get3A_1 : vector<32x16384xf32>
    %reduce_sum3A = arith.constant dense<0.000000e+00> : vector<16384xf32>
    %reduce_sum3A_8 = vector.multi_reduction <add>, %exp3A, %reduce_sum3A [0] : vector<32x16384xf32> to vector<16384xf32>
    %broadcast_in_dim3A = vector.shape_cast %reduce_sum3A_8 : vector<16384xf32> to vector<1x16384xf32>
    %div3A = arith.constant 1.000000e+00 : f32
    %div3A_9 = vector.broadcast %div3A : f32 to vector<1x16384xf32>
    %div3A_10 = arith.divf %div3A_9, %broadcast_in_dim3A : vector<1x16384xf32>
    %mul3A = vector.broadcast %div3A_10 : vector<1x16384xf32> to vector<32x16384xf32>
    %mul3A_11 = arith.mulf %exp3A, %mul3A : vector<32x16384xf32>
    %exp3A_12 = math.exp %mul3A_11 : vector<32x16384xf32>
    %reduce_sum3A_13 = arith.constant dense<0.000000e+00> : vector<16384xf32>
    %reduce_sum3A_14 = vector.multi_reduction <add>, %exp3A_12, %reduce_sum3A_13 [0] : vector<32x16384xf32> to vector<16384xf32>
    %broadcast_in_dim3A_15 = vector.shape_cast %reduce_sum3A_14 : vector<16384xf32> to vector<1x16384xf32>
    %log3A = math.log %broadcast_in_dim3A_15 : vector<1x16384xf32>
    %mul3A_16 = vector.broadcast %get3A_7 : vector<32x1xf32> to vector<32x16384xf32>
    %mul3A_17 = arith.mulf %mul3A_16, %get3A_4 : vector<32x16384xf32>
    %reduce_sum3A_18 = arith.constant dense<0.000000e+00> : vector<16384xf32>
    %reduce_sum3A_19 = vector.multi_reduction <add>, %mul3A_17, %reduce_sum3A_18 [0] : vector<32x16384xf32> to vector<16384xf32>
    %broadcast_in_dim3A_20 = vector.shape_cast %reduce_sum3A_19 : vector<16384xf32> to vector<1x16384xf32>
    %mul3A_21 = arith.mulf %mul3A_17, %mul3A_11 : vector<32x16384xf32>
    %reduce_sum3A_22 = arith.constant dense<0.000000e+00> : vector<16384xf32>
    %reduce_sum3A_23 = vector.multi_reduction <add>, %mul3A_21, %reduce_sum3A_22 [0] : vector<32x16384xf32> to vector<16384xf32>
    %broadcast_in_dim3A_24 = vector.shape_cast %reduce_sum3A_23 : vector<16384xf32> to vector<1x16384xf32>
    %mul3A_25 = arith.mulf %broadcast_in_dim3A_20, %log3A : vector<1x16384xf32>
    %sub3A = arith.subf %mul3A_25, %broadcast_in_dim3A_24 : vector<1x16384xf32>
    %reduce_sum3A_26 = vector.shape_cast %sub3A : vector<1x16384xf32> to vector<1x1x16384xf32>
    %reduce_sum3A_27 = arith.constant dense<0.000000e+00> : vector<1xf32>
    %reduce_sum3A_28 = vector.multi_reduction <add>, %reduce_sum3A_26, %reduce_sum3A_27 [1, 2] : vector<1x1x16384xf32> to vector<1xf32>
    %reduce_sum3A_29 = vector.shape_cast %reduce_sum3A_28 : vector<1xf32> to vector<1x1x1xf32>
    %reduce_sum3A_30 = vector.extract %reduce_sum3A_29[0, 0, 0] : f32 from vector<1x1x1xf32>
    %div3A_31 = arith.constant 1.638400e+04 : f32
    %div3A_32 = arith.divf %reduce_sum3A_30, %div3A_31 : f32
    %get3A_33 = arith.constant 0 : index
    %get3A_34 = arith.constant 0 : index
    %get3A_35 = vector.load %arg4[%get3A_33, %get3A_34] : memref<32x96xf32, #tpu.memory_space<vmem>>, vector<32x96xf32>
    %reduce_sum3A_36 = arith.constant dense<0.000000e+00> : vector<96xf32>
    %reduce_sum3A_37 = vector.multi_reduction <add>, %get3A_35, %reduce_sum3A_36 [0] : vector<32x96xf32> to vector<96xf32>
    %broadcast_in_dim3A_38 = vector.shape_cast %reduce_sum3A_37 : vector<96xf32> to vector<1x96xf32>
    %slice3A = vector.extract_strided_slice %broadcast_in_dim3A_38 {offsets = [0, 0], sizes = [1, 32], strides = [1, 1]} : vector<1x96xf32> to vector<1x32xf32>
    %slice3A_39 = vector.extract_strided_slice %broadcast_in_dim3A_38 {offsets = [0, 32], sizes = [1, 32], strides = [1, 1]} : vector<1x96xf32> to vector<1x32xf32>
    %slice3A_40 = vector.extract_strided_slice %broadcast_in_dim3A_38 {offsets = [0, 64], sizes = [1, 32], strides = [1, 1]} : vector<1x96xf32> to vector<1x32xf32>
    %get3A_41 = arith.constant 0 : index
    %get3A_42 = arith.constant 0 : index
    %get3A_43 = vector.load %arg3[%get3A_41, %get3A_42] : memref<1x32xf32, #tpu.memory_space<vmem>>, vector<1x32xf32>
    %sub3A_44 = arith.subf %slice3A_39, %slice3A_40 : vector<1x32xf32>
    %sub3A_45 = arith.subf %slice3A, %slice3A_40 : vector<1x32xf32>
    %add3A = arith.constant 9.99999993E-9 : f32
    %add3A_46 = vector.broadcast %add3A : f32 to vector<1x32xf32>
    %add3A_47 = arith.addf %slice3A_40, %add3A_46 : vector<1x32xf32>
    %mul3A_48 = arith.constant 3.000000e-01 : f32
    %mul3A_49 = vector.broadcast %mul3A_48 : f32 to vector<1x32xf32>
    %mul3A_50 = arith.mulf %sub3A_44, %mul3A_49 : vector<1x32xf32>
    %add3A_51 = arith.addf %slice3A_40, %mul3A_50 : vector<1x32xf32>
    %mul3A_52 = arith.constant 0.699999988 : f32
    %mul3A_53 = vector.broadcast %mul3A_52 : f32 to vector<1x32xf32>
    %mul3A_54 = arith.mulf %sub3A_45, %mul3A_53 : vector<1x32xf32>
    %add3A_55 = arith.addf %add3A_51, %mul3A_54 : vector<1x32xf32>
    %add3A_56 = arith.constant 9.99999993E-9 : f32
    %add3A_57 = vector.broadcast %add3A_56 : f32 to vector<1x32xf32>
    %add3A_58 = arith.addf %add3A_55, %add3A_57 : vector<1x32xf32>
    %div3A_59 = arith.divf %add3A_47, %add3A_58 : vector<1x32xf32>
    %sub3A_60 = arith.constant 1.000000e+00 : f32
    %sub3A_61 = vector.broadcast %sub3A_60 : f32 to vector<1x32xf32>
    %sub3A_62 = arith.subf %sub3A_61, %div3A_59 : vector<1x32xf32>
    %max3A = arith.constant 1.000000e-30 : f32
    %max3A_63 = vector.broadcast %max3A : f32 to vector<1x32xf32>
    %max3A_64 = arith.maximumf %sub3A_62, %max3A_63 : vector<1x32xf32>
    %log3A_65 = math.log %max3A_64 : vector<1x32xf32>
    %mul3A_66 = arith.constant 7.500000e-01 : f32
    %mul3A_67 = vector.broadcast %mul3A_66 : f32 to vector<1x32xf32>
    %mul3A_68 = arith.mulf %mul3A_67, %log3A_65 : vector<1x32xf32>
    %exp3A_69 = math.exp %mul3A_68 : vector<1x32xf32>
    %mul3A_70 = arith.mulf %slice3A, %get3A_43 : vector<1x32xf32>
    %reduce_sum3A_71 = vector.shape_cast %mul3A_70 : vector<1x32xf32> to vector<1x1x32xf32>
    %reduce_sum3A_72 = arith.constant dense<0.000000e+00> : vector<1xf32>
    %reduce_sum3A_73 = vector.multi_reduction <add>, %reduce_sum3A_71, %reduce_sum3A_72 [1, 2] : vector<1x1x32xf32> to vector<1xf32>
    %reduce_sum3A_74 = vector.shape_cast %reduce_sum3A_73 : vector<1xf32> to vector<1x1x1xf32>
    %reduce_sum3A_75 = vector.extract %reduce_sum3A_74[0, 0, 0] : f32 from vector<1x1x1xf32>
    %mul3A_76 = arith.mulf %exp3A_69, %get3A_43 : vector<1x32xf32>
    %reduce_sum3A_77 = vector.shape_cast %mul3A_76 : vector<1x32xf32> to vector<1x1x32xf32>
    %reduce_sum3A_78 = arith.constant dense<0.000000e+00> : vector<1xf32>
    %reduce_sum3A_79 = vector.multi_reduction <add>, %reduce_sum3A_77, %reduce_sum3A_78 [1, 2] : vector<1x1x32xf32> to vector<1xf32>
    %reduce_sum3A_80 = vector.shape_cast %reduce_sum3A_79 : vector<1xf32> to vector<1x1x1xf32>
    %reduce_sum3A_81 = vector.extract %reduce_sum3A_80[0, 0, 0] : f32 from vector<1x1x1xf32>
    %div3A_82 = arith.divf %reduce_sum3A_81, %reduce_sum3A_75 : f32
    %mul3A_83 = arith.constant 1.000000e-01 : f32
    %mul3A_84 = arith.mulf %div3A_32, %mul3A_83 : f32
    %mul3A_85 = arith.constant 1.000000e+00 : f32
    %mul3A_86 = arith.mulf %div3A_82, %mul3A_85 : f32
    %add3A_87 = arith.addf %mul3A_84, %mul3A_86 : f32
    %reshape3A = vector.broadcast %add3A_87 : f32 to vector<1x1xf32>
    %swap3A = arith.constant 0 : index
    %swap3A_88 = arith.constant 0 : index
    %swap3A_89 = vector.load %arg5[%swap3A, %swap3A_88] : memref<1x1xf32, #tpu.memory_space<vmem>>, vector<1x1xf32>
    tpu.vector_store %arg5[%swap3A, %swap3A_88], %reshape3A {strides = array<i32>} : memref<1x1xf32, #tpu.memory_space<vmem>>, vector<1x1xf32>,
    return
  }
}

</mosaic_0001>

<sc_bundles>
// kernel: kernel.4.cloned.1.call-start
scs
__scs_entry_jumppad:
0x0: {  	(pc) =	sbr.rel $0x88, $3  }
0x1: {  	(tag) =	ssettag $0x0;
	lr =	simm.s32 $0x1  }
0x2: {  	[smem:$0x3F9E] =	sst lr;
	_ =	strace $0xD0000000  }
0x3: {  	_ = 	snop  }
0x4: {  	_ = 	snop  }
0x5: {  	_ = 	snop  }
0x6: {  	_ = 	snop  }
0x7: {  	_ = 	snop  }
__scs_overlays_trampoline_lowered:
0x8: {  	[smem:$0x3FAD] =	sst s0  }
0x9: {  	[smem:$0x3FAE] =	sst s1  }
0xa: {  	[smem:$0x3FAF] =	sst s2  }
0xb: {  	[smem:$0x3FB0] =	sst s3  }
0xc: {  	[smem:$0x3FB1] =	sst s4  }
0xd: {  	[smem:$0x3FB2] =	sst s5  }
0xe: {  	[smem:$0x3FB3] =	sst s6  }
0xf: {  	[smem:$0x3FB4] =	sst s7  }
0x10: {  	[smem:$0x3FB5] =	sst s8  }
0x11: {  	[smem:$0x3FB6] =	sst s9;
	s0 =	simm.s32 @!p0 $0x0  }
0x12: {  	s1 =	sld [smem:$0x3F9C];
	s0 =	simm.s32 @p0 $0x1  }
0x13: {  	[smem:$0x3FB7] =	sst s0;
	s0 =	simm.s32 @!p1 $0x0  }
0x14: {  	s2 =	sld [smem:$0x3F9B];
	s0 =	simm.s32 @p1 $0x1  }
0x15: {  	[smem:$0x3FB8] =	sst s0;
	s0 =	simm.s32 @!p2 $0x0  }
0x16: {  	s3 =	sld [smem:$0x3FDB];
	s0 =	simm.s32 @p2 $0x1  }
0x17: {  	s4 =	simm.s32 $0x1BF5;
	[smem:$0x3FBA] =	sst s0  }
0x18: {  	s0 =	sld [smem:$0x3F9D];
	_ =	swait.ge [sflag:s4], $0x0  }
0x19: {  	s7 =	sld [smem:$0x3F9E]  }
0x1a: {  	s8 =	sadd.s32 $0xFFFFE003, lr  }
0x1b: {  	s9 =	sadd.s32 $0xFFFFFEF7, lr;
	s5 =	simm.s32 $0xFFFFFFFF;
	p2 =	slt.u32 s8, $0xFFFFF086  }
0x1c: {  	p1 =	slt.u32 s9, $0xF7A;
	s5 =	simm.s32 @!p2 $0x0  }
0x1d: {  	s5 =	simm.s32 @p1 $0x1;
	p0 =	seq.s32 s7, s2  }
0x1e: {  	s7 =	smul.u32 @!p0 $0xF7A, s2;
	p2 =	seq.s32 @!p0 s5, $0x0  }
0x1f: {  	s9 =	smul.u32 $0xF7A, s1;
	s8 =	simm.s32 @!p0 $0x1BF5;
	p2 =	por !p2, p0  }
0x20: {  	[sflag:s8] =	ssyncset.s32 @!p0 $0xFFFFF086;
	s6 =	sadd.s32 @!p0 s3, s7;
	s7 =	simm.s32 @!p0 $0x108  }
0x21: {  	s3 =	sadd.s32 s3, s9;
	s6 =	sadd.s32 @!p0 $0x88, s6;
	s7 =	simm.s32 @p2 $0x1082  }
0x22: {  	[simem:s7], [sflag:s8] =	dma.local @!p0 [hbm:s6], $0xF7A  }
0x23: {  	s9 =	sor.u32 $0xD0000000, s2;
	s6 =	simm.s32 $0x108;
	_ =	swait.ge @!p0 [sflag:s8], $0x0  }
0x24: {  	s3 =	sadd.s32 $0x88, s3;
	s6 =	simm.s32 @!p1 $0x1082;
	[sflag:s4] =	ssyncset.s32 $0xFFFFF086  }
0x25: {  	[simem:s6], [sflag:s4] =	dma.local [hbm:s3], $0xF7A  }
0x26: {  	[smem:$0x3F9E] =	sst s1;
	(tag) =	ssettag s2;
	_ =	strace s9  }
0x27: {  	s1 =	sld [smem:$0x3FAE]  }
0x28: {  	s2 =	sld [smem:$0x3FAF]  }
0x29: {  	s4 =	sld [smem:$0x3FB1]  }
0x2a: {  	p0 =	seq.s32 s5, $0x0;
	s5 =	sld [smem:$0x3FB2]  }
0x2b: {  	s6 =	sld [smem:$0x3FB3]  }
0x2c: {  	s7 =	sld [smem:$0x3FB4]  }
0x2d: {  	s3 =	simm.s32 $0x108;
	s8 =	sld [smem:$0x3FB5]  }
0x2e: {  	s3 =	simm.s32 @!p0 $0x1082;
	s9 =	sld [smem:$0x3FB6]  }
0x2f: {  	lr =	sadd.s32 s0, s3;
	s0 =	sld [smem:$0x3FAD]  }
0x30: {  	s3 =	sld [smem:$0x3FB0]  }
0x31: {  	[smem:$0x3FB9] =	sst s10  }
0x32: {  	s10 =	sld [smem:$0x3FB7];
	_ =	sdelay $0x3  }
0x33: {  	p0 =	seq.s32 s10, $0x1;
	s10 =	sld [smem:$0x3FB9];
	_ =	sdelay $0x3  }
0x34: {  	[smem:$0x3FB9] =	sst s10  }
0x35: {  	s10 =	sld [smem:$0x3FB8];
	_ =	sdelay $0x3  }
0x36: {  	p1 =	seq.s32 s10, $0x1;
	s10 =	sld [smem:$0x3FB9];
	_ =	sdelay $0x3  }
0x37: {  	[smem:$0x3FB9] =	sst s10  }
0x38: {  	s10 =	sld [smem:$0x3FBA]  }
0x39: {  	_ = 	snop;
	(pc) =	sbr.ind lr, $3  }
0x3a: {  	_ = 	snop  }
0x3b: {  	_ = 	snop  }
0x3c: {  	p2 =	seq.s32 s10, $0x1;
	s10 =	sld [smem:$0x3FB9]  }
0x3d: {  	_ =	shalt  }
0x3e: {  	_ =	shalt  }
0x3f: {  	_ =	shalt  }
0x40: {  	_ =	shalt  }
0x41: {  	_ =	shalt  }
0x42: {  	_ =	shalt  }
0x43: {  	_ =	shalt  }
0x44: {  	_ =	shalt  }
0x45: {  	_ =	shalt  }
0x46: {  	_ =	shalt  }
0x47: {  	_ =	shalt  }
0x48: {  	_ =	shalt  }
0x49: {  	_ =	shalt  }
0x4a: {  	_ =	shalt  }
0x4b: {  	_ =	shalt  }
0x4c: {  	_ =	shalt  }
0x4d: {  	_ =	shalt  }
0x4e: {  	_ =	shalt  }
0x4f: {  	_ =	shalt  }
0x50: {  	_ =	shalt  }
0x51: {  	_ =	shalt  }
0x52: {  	_ =	shalt  }
0x53: {  	_ =	shalt  }
0x54: {  	_ =	shalt  }
0x55: {  	_ =	shalt  }
0x56: {  	_ =	shalt  }
0x57: {  	_ =	shalt  }
0x58: {  	_ =	shalt  }
0x59: {  	_ =	shalt  }
0x5a: {  	_ =	shalt  }
0x5b: {  	_ =	shalt  }
0x5c: {  	_ =	shalt  }
0x5d: {  	_ =	shalt  }
0x5e: {  	_ =	shalt  }
0x5f: {  	_ =	shalt  }
0x60: {  	_ =	shalt  }
0x61: {  	_ =	shalt  }
0x62: {  	_ =	shalt  }
0x63: {  	_ =	shalt  }
0x64: {  	_ =	shalt  }
0x65: {  	_ =	shalt  }
0x66: {  	_ =	shalt  }
0x67: {  	_ =	shalt  }
0x68: {  	_ =	shalt  }
0x69: {  	_ =	shalt  }
0x6a: {  	_ =	shalt  }
0x6b: {  	_ =	shalt  }
0x6c: {  	_ =	shalt  }
0x6d: {  	_ =	shalt  }
0x6e: {  	_ =	shalt  }
0x6f: {  	_ =	shalt  }
0x70: {  	_ =	shalt  }
0x71: {  	_ =	shalt  }
0x72: {  	_ =	shalt  }
0x73: {  	_ =	shalt  }
0x74: {  	_ =	shalt  }
0x75: {  	_ =	shalt  }
0x76: {  	_ =	shalt  }
0x77: {  	_ =	shalt  }
0x78: {  	_ =	shalt  }
0x79: {  	_ =	shalt  }
0x7a: {  	_ =	shalt  }
0x7b: {  	_ =	shalt  }
0x7c: {  	_ =	shalt  }
0x7d: {  	_ =	shalt  }
0x7e: {  	_ =	shalt  }
0x7f: {  	_ =	shalt  }
0x80: {  	_ =	shalt  }
0x81: {  	_ =	shalt  }
0x82: {  	_ =	shalt  }
0x83: {  	_ =	shalt  }
0x84: {  	_ =	shalt  }
0x85: {  	_ =	shalt  }
0x86: {  	_ =	shalt  }
0x87: {  	_ =	shalt  }
.Lfunc_end0:
.L_simem_size_0:
called_computation_lowered:
.L_overlay_start_0:
0x88: {  	s2 =	sld [smem:$0x3FD9]  }
0x89: {  	s3 =	sld [smem:$0x3FFE];
	_ =	sdelay $0x1  }
0x8a: {  	s1 =	srdreg.scid  }
0x8b: {  	s0 =	sand.u32 $0x1, s1  }
0x8c: {  	s16 =	sshll.u32 s0, $0xA;
	s2 =	sadd.s32 s3, s2  }
0x8d: {  	s2 =	sadd.s32 s2, s16  }
0x8e: {  	[smem:$0x3FC5] =	sst s2  }
0x8f: {  	_ = 	snop  }
0x90: {  	(tm) =	ssettm $0x1  }
0x91: {  	s17 =	sld [smem:$0x3FFB];
	_ =	sdelay $0x3  }
0x92: {  	_ =	strace s17  }
0x93: {  	s2 =	sld [smem:$0x3FFC];
	_ =	sdelay $0x3  }
0x94: {  	_ =	strace s2  }
0x95: {  	s2 =	sld [smem:$0x3FFD];
	_ =	sdelay $0x3  }
0x96: {  	_ =	strace s2  }
0x97: {  	_ =	strace $0x8FFFFFFF  }
0x98: {  	s18 =	sld [smem:$0x3FDB];
	_ =	sdelay $0x1  }
0x99: {  	s19 =	simm.s32 $_scs_section_size  }
0x9a: {  	s4 =	simm.s32 $_size__tile_overlayer_lowered;
	s5 =	simm.s32 $_tile_overlayer_lowered  }
0x9b: {  	s22 =	simm.s32 $0x1BFF;
	s21 =	sshll.u32 s5, $0x1;
	s2 =	sadd.s32 s19, s18  }
0x9c: {  	s6 =	simm.s32 $0x0;
	s20 =	sshll.u32 s4, $0x1;
	s4 =	sadd.s32 s21, s2  }
0x9d: {  	[timem:s6], [sflag:s22] =	dma.local [hbm:s4], s20  }
0x9e: {  	_ =	swait.ge [sflag:s22], s20  }
0x9f: {  	s3 =	ssub.s32 $0x0, s20;
	[sflag:s22] =	ssyncset.done $0x0  }
0xa0: {  	[sflag:s22] =	ssyncadd.s32 s3;
	_ =	sdelay $0x1  }
0xa1: {  	s23 =	simm.s32 $0x1B8B  }
0xa2: {  	_ =	swait.ge [sflag:s23], $0x1  }
0xa3: {  	[sflag:s23] =	ssyncset.done $0x0  }
0xa4: {  	s25 =	simm.s32 $0x1B8E;
	s24 =	sld [smem:$0x3FFE];
	[sflag:s23] =	ssyncadd.s32 $0xFFFFFFFF  }
0xa5: {  	s26 =	simm.s32 $execute0_lowered;
	[smem:$0x3FD2] =	sst s25  }
0xa6: {  	s4 =	sshll.u32 s26, $0x1;
	_ =	strace $0x80000046;
	[dreg:$0x1] =	wrdreg $0xFFFFFFFF  }
0xa7: {  	s28 =	simm.s32 $_size_execute0_lowered;
	s2 =	sadd.s32 s2, s4;
	[dreg:$0x0] =	wrdreg $0x0  }
0xa8: {  	s4 =	sshll.u32 s28, $0x1;
	[dreg:$0x2] =	wrdreg s2  }
0xa9: {  	[dreg:$0x3] =	wrdreg s4  }
0xaa: {  	[dreg:$0x4] =	wrdreg $0xC0  }
0xab: {  	_ =	task [dreg:s6], $0x5FFFF  }
0xac: {  	[dreg:$0x1] =	wrdreg $0xFFFFFFFF  }
0xad: {  	[dreg:$0x0] =	wrdreg $0x60  }
0xae: {  	[dreg:$0x2] =	wrdreg s24  }
0xaf: {  	[dreg:$0x3] =	wrdreg $0x9  }
0xb0: {  	_ =	task.clear_ibuf [dreg:s6], $0x4FFFF;
	_ =	strace $0x90000046  }
0xb1: {  	s29 =	simm.s32 $0x9;
	_ =	strace $0x80000048  }
0xb2: {  	_ =	swait.ge [sflag:s29], $0x1  }
0xb3: {  	[sflag:s29] =	ssyncadd.s32 $0xFFFFFFFF  }
0xb4: {  	_ =	strace $0x90000048  }
0xb5: {  	_ =	sfence  }
0xb6: {  	s30 =	sld [smem:$0x0];
	_ =	sdelay $0x2  }
0xb7: {  	s31 =	sshll.u32 s1, $0xD;
	s1 =	sshrl.u32 s1, $0x2  }
0xb8: {  	s3 =	sand.u32 $0x4000, s31;
	s1 =	sadd.s32 s1, s30  }
0xb9: {  	s0 =	sor.u32 s3, s0;
	s1 =	sshll.u32 s1, $0x11  }
0xba: {  	s0 =	sor.u32 s1, s0  }
0xbb: {  	s0 =	sadd.s32 $0x8F2B, s0  }
0xbc: {  	[sflag:s0] =	ssyncadd.remote.s32 $0x1  }
0xbd: {  	_ =	sfence.sel $0xFFFF  }
0xbe: {  	[dreg:$0x0] =	wrdreg $0xFFFFFFFF;
	(pc) =	sbr.abs _section_cstart, $3  }
0xbf: {  	[dreg:$0x1] =	wrdreg $0xFFFFFFFF  }
0xc0: {  	_ =	task.clear_ibuf [dreg:s6], $0x2FFFF;
	_ =	strace $0x9FFFFFFF  }
0xc1: {  	(tm) =	ssettm $0x7FFFFFFF  }
tec
execute0_lowered:
.L_overlay_start_1:
0x0: {  	(tag) =	ssettag $0x1  }
0x1: {  	s3 =	rddreg [dreg:$0x0]  }
0x2: {  	s0 =	srdreg.scid;
	s4 =	stileid.u32  }
0x3: {  	s1 =	simm.s32 $0x0;
	s2 =	sand.u32 $0x1, s0;
	s4 =	sshll.u32 s4, $0x1  }
0x4: {  	[smem:$0x7FF] =	sst s1;
	s4 =	sor.u32 s2, s4  }
0x5: {  	s0 =	sadd.s32 $0xC00, s3;
	s5 =	sadd.s32 $0x10C00, s3;
	s6 =	sshll.u32 s4, $0x4  }
0x6: {  	s7 =	ssub.s32 $0x2, s2;
	s2 =	sshll.u32 s4, $0x6;
	s3 =	sadd.s32 s6, s3  }
0x7: {  	s10 =	sshrl.u32 s7, $0x1;
	s11 =	sor.u32 $0x800, s2;
	[smem:$0x7FC] =	sst s3  }
0x8: {  	s12 =	ssub.s32 s7, s10;
	[smem:$0x7ED] =	sst s11  }
0x9: {  	s13 =	sadd.s32 s0, s2;
	[smem:$0x7FD] =	sst s12  }
0xa: {  	s15 =	sor.u32 $0x1000, s2;
	[dreg:$0x2] =	wrdreg s13  }
0xb: {  	s16 =	sor.u32 $0x1800, s2;
	[smem:$0x7EF] =	sst s15  }
0xc: {  	s17 =	sor.u32 $0x2000, s2;
	[smem:$0x7F1] =	sst s16  }
0xd: {  	s20 =	sor.u32 $0x2800, s2;
	[smem:$0x7F3] =	sst s17  }
0xe: {  	s14 =	sadd.s32 s0, s11;
	[smem:$0x7F5] =	sst s20  }
0xf: {  	s3 =	sadd.s32 s0, s15;
	[dreg:$0x3] =	wrdreg s14  }
0x10: {  	s18 =	sadd.s32 s0, s16;
	[dreg:$0x4] =	wrdreg s3  }
0x11: {  	s19 =	sadd.s32 s0, s17;
	[dreg:$0x5] =	wrdreg s18  }
0x12: {  	s11 =	sor.u32 $0x3000, s2;
	[dreg:$0x6] =	wrdreg s19;
	s3 =	sadd.s32 s0, s20  }
0x13: {  	s12 =	sor.u32 $0x3800, s2;
	s21 =	sadd.s32 s0, s11;
	[dreg:$0x7] =	wrdreg s3  }
0x14: {  	s13 =	sor.u32 $0x4000, s2;
	s22 =	sadd.s32 s0, s12;
	[dreg:$0x8] =	wrdreg s21  }
0x15: {  	s15 =	sor.u32 $0x5000, s2;
	s23 =	sadd.s32 s0, s13;
	[dreg:$0x9] =	wrdreg s22  }
0x16: {  	s16 =	sor.u32 $0x5800, s2;
	s25 =	sadd.s32 s0, s15;
	[dreg:$0xa] =	wrdreg s23  }
0x17: {  	s17 =	sor.u32 $0x6000, s2;
	s26 =	sadd.s32 s0, s16;
	[dreg:$0xc] =	wrdreg s25  }
0x18: {  	s4 =	sadd.s32 s0, s17;
	[dreg:$0xd] =	wrdreg s26  }
0x19: {  	s14 =	sor.u32 $0x4800, s2;
	s11 =	sadd.s32 s5, s11;
	[dreg:$0xe] =	wrdreg s4  }
0x1a: {  	s18 =	sor.u32 $0x6800, s2;
	s24 =	sadd.s32 s0, s14;
	[smem:$0x7F7] =	sst s11  }
0x1b: {  	s19 =	sor.u32 $0x7000, s2;
	s6 =	sadd.s32 s0, s18;
	[dreg:$0xb] =	wrdreg s24  }
0x1c: {  	s20 =	sor.u32 $0x7800, s2;
	s7 =	sadd.s32 s0, s19;
	[dreg:$0xf] =	wrdreg s6  }
0x1d: {  	s8 =	sadd.s32 s0, s20;
	[dreg:$0x10] =	wrdreg s7  }
0x1e: {  	s21 =	sor.u32 $0x8000, s2;
	s11 =	sadd.s32 s5, s14;
	[dreg:$0x11] =	wrdreg s8  }
0x1f: {  	s22 =	sor.u32 $0x8800, s2;
	s9 =	sadd.s32 s0, s21;
	[smem:$0x7FA] =	sst s11  }
0x20: {  	s23 =	sor.u32 $0x9000, s2;
	s10 =	sadd.s32 s0, s22;
	[dreg:$0x12] =	wrdreg s9  }
0x21: {  	s28 =	sor.u32 $0xB000, s2;
	s25 =	sadd.s32 s0, s23;
	[dreg:$0x13] =	wrdreg s10  }
0x22: {  	s29 =	sor.u32 $0xB800, s2;
	s7 =	sadd.s32 s0, s28;
	[dreg:$0x14] =	wrdreg s25  }
0x23: {  	s24 =	sor.u32 $0x9800, s2;
	s8 =	sadd.s32 s0, s29;
	[dreg:$0x18] =	wrdreg s7  }
0x24: {  	s30 =	sor.u32 $0xC000, s2;
	s26 =	sadd.s32 s0, s24;
	[dreg:$0x19] =	wrdreg s8  }
0x25: {  	s31 =	sor.u32 $0xC800, s2;
	s9 =	sadd.s32 s0, s30;
	[dreg:$0x15] =	wrdreg s26  }
0x26: {  	s25 =	sor.u32 $0xA000, s2;
	s10 =	sadd.s32 s0, s31;
	[dreg:$0x1a] =	wrdreg s9  }
0x27: {  	s26 =	sor.u32 $0xA800, s2;
	s4 =	sadd.s32 s0, s25;
	[dreg:$0x1b] =	wrdreg s10  }
0x28: {  	s7 =	sor.u32 $0xD000, s2;
	[dreg:$0x16] =	wrdreg s4;
	s6 =	sadd.s32 s0, s26  }
0x29: {  	s9 =	sor.u32 $0xE000, s2;
	s4 =	sadd.s32 s0, s7;
	[dreg:$0x17] =	wrdreg s6  }
0x2a: {  	s8 =	sor.u32 $0xD800, s2;
	s10 =	sadd.s32 s0, s9;
	[dreg:$0x1c] =	wrdreg s4  }
0x2b: {  	s3 =	sor.u32 $0xE800, s2;
	s6 =	sadd.s32 s0, s8;
	[dreg:$0x1e] =	wrdreg s10  }
0x2c: {  	s4 =	sor.u32 $0xF000, s2;
	s10 =	sadd.s32 s0, s3;
	[dreg:$0x1d] =	wrdreg s6  }
0x2d: {  	[dreg:$0x1f] =	wrdreg s10;
	s10 =	sadd.s32 s0, s4  }
0x2e: {  	s6 =	sor.u32 $0xF800, s2;
	s2 =	sadd.s32 s5, s2;
	[smem:$0x7EA] =	sst s10  }
0x2f: {  	[smem:$0x7EC] =	sst s2  }
0x30: {  	s10 =	sld [smem:$0x7ED]  }
0x31: {  	s0 =	sadd.s32 s0, s6;
	s2 =	sld [smem:$0x7EF]  }
0x32: {  	[smem:$0x7EB] =	sst s0  }
0x33: {  	s0 =	sadd.s32 s5, s10;
	s10 =	sld [smem:$0x7F1]  }
0x34: {  	[smem:$0x7EE] =	sst s0  }
0x35: {  	s0 =	sadd.s32 s5, s2;
	s2 =	sld [smem:$0x7F3]  }
0x36: {  	s11 =	simm.s32 $0x3;
	s3 =	sadd.s32 s5, s3;
	[smem:$0x7F0] =	sst s0  }
0x37: {  	s4 =	sadd.s32 s5, s4;
	s0 =	sadd.s32 s5, s10;
	s10 =	sld [smem:$0x7F5]  }
0x38: {  	[smem:$0x7F2] =	sst s0;
	s0 =	sadd.s32 s5, s2;
	s2 =	sadd.s32 s5, s12  }
0x39: {  	s12 =	sadd.s32 s5, s15;
	s15 =	sadd.s32 s5, s16;
	s16 =	sadd.s32 s5, s17  }
0x3a: {  	s17 =	sadd.s32 s5, s18;
	s18 =	sadd.s32 s5, s19;
	[smem:$0x7F4] =	sst s0  }
0x3b: {  	s19 =	sadd.s32 s5, s20;
	s20 =	sadd.s32 s5, s21;
	[smem:$0x7F8] =	sst s2  }
0x3c: {  	s21 =	sadd.s32 s5, s22;
	[smem:$0x7FB] =	sst s12;
	s0 =	sadd.s32 s5, s10  }
0x3d: {  	v0 =	vimm.f32 $0.0e+00;
	s22 =	sadd.s32 s5, s23;
	s10 =	sadd.s32 s5, s13;
	[smem:$0x7F6] =	sst s0  }
0x3e: {  	v1 =	vimm.s32 $0x0;
	v2 =	vimm.s32 $0x3;
	v3 =	vimm.s32 $0x5;
	s23 =	sadd.s32 s5, s24;
	s24 =	sadd.s32 s5, s25;
	[smem:$0x7F9] =	sst s10  }
0x3f: {  	v4 =	vimm.s32 $0x7;
	v5 =	vimm.s32 $0x9;
	v6 =	vimm.s32 $0xB;
	s25 =	sadd.s32 s5, s26;
	s26 =	sadd.s32 s5, s28;
	_ =	strace $0x80000047  }
0x40: {  	v7 =	vimm.s32 $0xD;
	v8 =	vimm.s32 $0xF;
	v9 =	vimm.s32 $0x11;
	s28 =	sadd.s32 s5, s29;
	s29 =	sadd.s32 s5, s30;
	s13 =	sld [smem:$0x7FC]  }
0x41: {  	v10 =	vimm.s32 $0x13;
	v11 =	vimm.s32 $0x15;
	v14 =	vlaneseq.u32;
	s30 =	sadd.s32 s5, s31;
	s31 =	sadd.s32 s5, s7;
	s14 =	sld [smem:$0x7FD]  }
0x42: {  	v12 =	vimm.s32 $0x17;
	v13 =	vimm.s32 $0x19;
	v14 =	vmul.u32 $0x20, v14;
	s2 =	sadd.s32 s5, s9;
	s9 =	simm.s32 $0x2;
	s12 =	simm.s32 $0x0  }
0x43: {  	v15 =	vimm.s32 $0x1B;
	v16 =	vimm.s32 $0x1D;
	v17 =	vimm.s32 $0x1F;
	s0 =	sadd.s32 s5, s8;
	s5 =	sadd.s32 s5, s6;
	s8 =	simm.s32 $0x1  }
0x44: {  	v18 =	vimm.f32 $1.000000000e+00;
	v19 =	vor.u32 $0x200, v14;
	v20 =	vor.u32 $0x400, v14;
	s10 =	simm.s32 $0x8000;
	s6 =	sadd.s32 $0x20C00, s13;
	s7 =	smax.u32 s14, $0x1  }
.LBB2_1:
0x45: {  	s13 =	rddreg [dreg:$0x2]  }
0x46: {  	[tilespmem:s1], [sflag:$0x1] =	stream.linear.gather [hbm4b:s13+s1], $0x200, $0x38;
	[tilespmem:$0x8680] =	vst v63  }
0x47: {  	s14 =	simm.s32 $0x200;
	s13 =	rddreg [dreg:$0x3]  }
0x48: {  	[tilespmem:s14], [sflag:$0x1] =	stream.linear.gather [hbm4b:s13+s1], $0x200, $0x38;
	[tilespmem:$0x8680] =	vst v63  }
0x49: {  	s13 =	rddreg [dreg:$0x4];
	s14 =	simm.s32 $0x400  }
0x4a: {  	[tilespmem:s14], [sflag:$0x1] =	stream.linear.gather [hbm4b:s13+s1], $0x200, $0x38;
	[tilespmem:$0x8680] =	vst v63  }
0x4b: {  	s13 =	rddreg [dreg:$0x5];
	s14 =	simm.s32 $0x600  }
0x4c: {  	[tilespmem:s14], [sflag:$0x1] =	stream.linear.gather [hbm4b:s13+s1], $0x200, $0x38;
	[tilespmem:$0x8680] =	vst v63  }
0x4d: {  	s13 =	rddreg [dreg:$0x6];
	s14 =	simm.s32 $0x800  }
0x4e: {  	[tilespmem:s14], [sflag:$0x1] =	stream.linear.gather [hbm4b:s13+s1], $0x200, $0x38;
	[tilespmem:$0x8680] =	vst v63  }
0x4f: {  	s13 =	rddreg [dreg:$0x7];
	s14 =	simm.s32 $0xA00  }
0x50: {  	[tilespmem:s14], [sflag:$0x1] =	stream.linear.gather [hbm4b:s13+s1], $0x200, $0x38;
	[tilespmem:$0x8680] =	vst v63  }
0x51: {  	s13 =	rddreg [dreg:$0x8];
	s14 =	simm.s32 $0xC00  }
0x52: {  	[tilespmem:s14], [sflag:$0x1] =	stream.linear.gather [hbm4b:s13+s1], $0x200, $0x38;
	[tilespmem:$0x8680] =	vst v63  }
0x53: {  	s13 =	rddreg [dreg:$0x9];
	s14 =	simm.s32 $0xE00  }
0x54: {  	[tilespmem:s14], [sflag:$0x1] =	stream.linear.gather [hbm4b:s13+s1], $0x200, $0x38;
	[tilespmem:$0x8680] =	vst v63  }
0x55: {  	s13 =	rddreg [dreg:$0xa];
	s14 =	simm.s32 $0x1000  }
0x56: {  	[tilespmem:s14], [sflag:$0x1] =	stream.linear.gather [hbm4b:s13+s1], $0x200, $0x38;
	[tilespmem:$0x8680] =	vst v63  }
0x57: {  	s13 =	rddreg [dreg:$0xb];
	s14 =	simm.s32 $0x1200  }
0x58: {  	[tilespmem:s14], [sflag:$0x1] =	stream.linear.gather [hbm4b:s13+s1], $0x200, $0x38;
	[tilespmem:$0x8680] =	vst v63  }
0x59: {  	s13 =	rddreg [dreg:$0xc];
	s14 =	simm.s32 $0x1400  }
0x5a: {  	[tilespmem:s14], [sflag:$0x1] =	stream.linear.gather [hbm4b:s13+s1], $0x200, $0x38;
	[tilespmem:$0x8680] =	vst v63  }
0x5b: {  	s13 =	rddreg [dreg:$0xd];
	s14 =	simm.s32 $0x1600  }
0x5c: {  	[tilespmem:s14], [sflag:$0x1] =	stream.linear.gather [hbm4b:s13+s1], $0x200, $0x38;
	[tilespmem:$0x8680] =	vst v63  }
0x5d: {  	s13 =	rddreg [dreg:$0xe];
	s14 =	simm.s32 $0x1800  }
0x5e: {  	[tilespmem:s14], [sflag:$0x1] =	stream.linear.gather [hbm4b:s13+s1], $0x200, $0x38;
	[tilespmem:$0x8680] =	vst v63  }
0x5f: {  	s13 =	rddreg [dreg:$0xf];
	s14 =	simm.s32 $0x1A00  }
0x60: {  	[tilespmem:s14], [sflag:$0x1] =	stream.linear.gather [hbm4b:s13+s1], $0x200, $0x38;
	[tilespmem:$0x8680] =	vst v63  }
0x61: {  	s13 =	rddreg [dreg:$0x10];
	s14 =	simm.s32 $0x1C00  }
0x62: {  	[tilespmem:s14], [sflag:$0x1] =	stream.linear.gather [hbm4b:s13+s1], $0x200, $0x38;
	[tilespmem:$0x8680] =	vst v63  }
0x63: {  	s13 =	rddreg [dreg:$0x11];
	s14 =	simm.s32 $0x1E00  }
0x64: {  	[tilespmem:s14], [sflag:$0x1] =	stream.linear.gather [hbm4b:s13+s1], $0x200, $0x38;
	[tilespmem:$0x8680] =	vst v63  }
0x65: {  	s13 =	rddreg [dreg:$0x12];
	s14 =	simm.s32 $0x2000  }
0x66: {  	[tilespmem:s14], [sflag:$0x1] =	stream.linear.gather [hbm4b:s13+s1], $0x200, $0x38;
	[tilespmem:$0x8680] =	vst v63  }
0x67: {  	s13 =	rddreg [dreg:$0x13];
	s14 =	simm.s32 $0x2200  }
0x68: {  	[tilespmem:s14], [sflag:$0x1] =	stream.linear.gather [hbm4b:s13+s1], $0x200, $0x38;
	[tilespmem:$0x8680] =	vst v63  }
0x69: {  	s13 =	rddreg [dreg:$0x14];
	s14 =	simm.s32 $0x2400  }
0x6a: {  	[tilespmem:s14], [sflag:$0x1] =	stream.linear.gather [hbm4b:s13+s1], $0x200, $0x38;
	[tilespmem:$0x8680] =	vst v63  }
0x6b: {  	s13 =	rddreg [dreg:$0x15];
	s14 =	simm.s32 $0x2600  }
0x6c: {  	[tilespmem:s14], [sflag:$0x1] =	stream.linear.gather [hbm4b:s13+s1], $0x200, $0x38;
	[tilespmem:$0x8680] =	vst v63  }
0x6d: {  	s13 =	rddreg [dreg:$0x16];
	s14 =	simm.s32 $0x2800  }
0x6e: {  	[tilespmem:s14], [sflag:$0x1] =	stream.linear.gather [hbm4b:s13+s1], $0x200, $0x38;
	[tilespmem:$0x8680] =	vst v63  }
0x6f: {  	s13 =	rddreg [dreg:$0x17];
	s14 =	simm.s32 $0x2A00  }
0x70: {  	[tilespmem:s14], [sflag:$0x1] =	stream.linear.gather [hbm4b:s13+s1], $0x200, $0x38;
	[tilespmem:$0x8680] =	vst v63  }
0x71: {  	s13 =	rddreg [dreg:$0x18];
	s14 =	simm.s32 $0x2C00  }
0x72: {  	[tilespmem:s14], [sflag:$0x1] =	stream.linear.gather [hbm4b:s13+s1], $0x200, $0x38;
	[tilespmem:$0x8680] =	vst v63  }
0x73: {  	s13 =	rddreg [dreg:$0x19];
	s14 =	simm.s32 $0x2E00  }
0x74: {  	[tilespmem:s14], [sflag:$0x1] =	stream.linear.gather [hbm4b:s13+s1], $0x200, $0x38;
	[tilespmem:$0x8680] =	vst v63  }
0x75: {  	s13 =	rddreg [dreg:$0x1a];
	s14 =	simm.s32 $0x3000  }
0x76: {  	[tilespmem:s14], [sflag:$0x1] =	stream.linear.gather [hbm4b:s13+s1], $0x200, $0x38;
	[tilespmem:$0x8680] =	vst v63  }
0x77: {  	s13 =	rddreg [dreg:$0x1b];
	s14 =	simm.s32 $0x3200  }
0x78: {  	[tilespmem:s14], [sflag:$0x1] =	stream.linear.gather [hbm4b:s13+s1], $0x200, $0x38;
	[tilespmem:$0x8680] =	vst v63  }
0x79: {  	s13 =	rddreg [dreg:$0x1c];
	s14 =	simm.s32 $0x3400  }
0x7a: {  	[tilespmem:s14], [sflag:$0x1] =	stream.linear.gather [hbm4b:s13+s1], $0x200, $0x38;
	[tilespmem:$0x8680] =	vst v63  }
0x7b: {  	s13 =	rddreg [dreg:$0x1d];
	s14 =	simm.s32 $0x3600  }
0x7c: {  	[tilespmem:s14], [sflag:$0x1] =	stream.linear.gather [hbm4b:s13+s1], $0x200, $0x38;
	[tilespmem:$0x8680] =	vst v63  }
0x7d: {  	s13 =	rddreg [dreg:$0x1e];
	s14 =	simm.s32 $0x3800  }
0x7e: {  	[tilespmem:s14], [sflag:$0x1] =	stream.linear.gather [hbm4b:s13+s1], $0x200, $0x38;
	[tilespmem:$0x8680] =	vst v63  }
0x7f: {  	s13 =	rddreg [dreg:$0x1f];
	s14 =	simm.s32 $0x3A00  }
0x80: {  	[tilespmem:s14], [sflag:$0x1] =	stream.linear.gather [hbm4b:s13+s1], $0x200, $0x38;
	[tilespmem:$0x8680] =	vst v63  }
0x81: {  	s13 =	sld [smem:$0x7EA];
	_ =	sdelay $0x1  }
0x82: {  	s14 =	simm.s32 $0x3C00  }
0x83: {  	[tilespmem:s14], [sflag:$0x1] =	stream.linear.gather [hbm4b:s13+s1], $0x200, $0x38;
	[tilespmem:$0x8680] =	vst v63  }
0x84: {  	s13 =	sld [smem:$0x7EB];
	_ =	sdelay $0x1  }
0x85: {  	s14 =	simm.s32 $0x3E00  }
0x86: {  	[tilespmem:s14], [sflag:$0x1] =	stream.linear.gather [hbm4b:s13+s1], $0x200, $0x38;
	[tilespmem:$0x8680] =	vst v63  }
0x87: {  	s13 =	sld [smem:$0x7EC];
	_ =	sdelay $0x1  }
0x88: {  	s14 =	simm.s32 $0x4000  }
0x89: {  	[tilespmem:s14], [sflag:$0x2] =	stream.linear.gather [hbm4b:s13+s1], $0x200, $0x38;
	[tilespmem:$0x8680] =	vst v63  }
0x8a: {  	s13 =	sld [smem:$0x7EE];
	_ =	sdelay $0x1  }
0x8b: {  	s14 =	simm.s32 $0x4200  }
0x8c: {  	[tilespmem:s14], [sflag:$0x2] =	stream.linear.gather [hbm4b:s13+s1], $0x200, $0x38;
	[tilespmem:$0x8680] =	vst v63  }
0x8d: {  	s13 =	sld [smem:$0x7F0];
	_ =	sdelay $0x1  }
0x8e: {  	s14 =	simm.s32 $0x4400  }
0x8f: {  	[tilespmem:s14], [sflag:$0x2] =	stream.linear.gather [hbm4b:s13+s1], $0x200, $0x38;
	[tilespmem:$0x8680] =	vst v63  }
0x90: {  	s13 =	sld [smem:$0x7F2];
	_ =	sdelay $0x1  }
0x91: {  	s14 =	simm.s32 $0x4600  }
0x92: {  	[tilespmem:s14], [sflag:$0x2] =	stream.linear.gather [hbm4b:s13+s1], $0x200, $0x38;
	[tilespmem:$0x8680] =	vst v63  }
0x93: {  	s13 =	sld [smem:$0x7F4];
	_ =	sdelay $0x1  }
0x94: {  	s14 =	simm.s32 $0x4800  }
0x95: {  	[tilespmem:s14], [sflag:$0x2] =	stream.linear.gather [hbm4b:s13+s1], $0x200, $0x38;
	[tilespmem:$0x8680] =	vst v63  }
0x96: {  	s13 =	sld [smem:$0x7F6];
	_ =	sdelay $0x1  }
0x97: {  	s14 =	simm.s32 $0x4A00  }
0x98: {  	[tilespmem:s14], [sflag:$0x2] =	stream.linear.gather [hbm4b:s13+s1], $0x200, $0x38;
	[tilespmem:$0x8680] =	vst v63  }
0x99: {  	s13 =	sld [smem:$0x7F7];
	_ =	sdelay $0x1  }
0x9a: {  	s14 =	simm.s32 $0x4C00  }
0x9b: {  	[tilespmem:s14], [sflag:$0x2] =	stream.linear.gather [hbm4b:s13+s1], $0x200, $0x38;
	[tilespmem:$0x8680] =	vst v63  }
0x9c: {  	s13 =	sld [smem:$0x7F8];
	_ =	sdelay $0x1  }
0x9d: {  	s14 =	simm.s32 $0x4E00  }
0x9e: {  	[tilespmem:s14], [sflag:$0x2] =	stream.linear.gather [hbm4b:s13+s1], $0x200, $0x38;
	[tilespmem:$0x8680] =	vst v63  }
0x9f: {  	s13 =	sld [smem:$0x7F9];
	_ =	sdelay $0x1  }
0xa0: {  	s14 =	simm.s32 $0x5000  }
0xa1: {  	[tilespmem:s14], [sflag:$0x2] =	stream.linear.gather [hbm4b:s13+s1], $0x200, $0x38;
	[tilespmem:$0x8680] =	vst v63  }
0xa2: {  	s13 =	sld [smem:$0x7FA];
	_ =	sdelay $0x1  }
0xa3: {  	s14 =	simm.s32 $0x5200  }
0xa4: {  	[tilespmem:s14], [sflag:$0x2] =	stream.linear.gather [hbm4b:s13+s1], $0x200, $0x38;
	[tilespmem:$0x8680] =	vst v63  }
0xa5: {  	s13 =	sld [smem:$0x7FB];
	_ =	sdelay $0x1  }
0xa6: {  	s14 =	simm.s32 $0x5400  }
0xa7: {  	[tilespmem:s14], [sflag:$0x2] =	stream.linear.gather [hbm4b:s13+s1], $0x200, $0x38;
	[tilespmem:$0x8680] =	vst v63  }
0xa8: {  	s14 =	simm.s32 $0x5600  }
0xa9: {  	[tilespmem:s14], [sflag:$0x2] =	stream.linear.gather [hbm4b:s15+s1], $0x200, $0x38;
	[tilespmem:$0x8680] =	vst v63  }
0xaa: {  	s14 =	simm.s32 $0x5800  }
0xab: {  	[tilespmem:s14], [sflag:$0x2] =	stream.linear.gather [hbm4b:s16+s1], $0x200, $0x38;
	[tilespmem:$0x8680] =	vst v63  }
0xac: {  	s14 =	simm.s32 $0x5A00  }
0xad: {  	[tilespmem:s14], [sflag:$0x2] =	stream.linear.gather [hbm4b:s17+s1], $0x200, $0x38;
	[tilespmem:$0x8680] =	vst v63  }
0xae: {  	s14 =	simm.s32 $0x5C00  }
0xaf: {  	[tilespmem:s14], [sflag:$0x2] =	stream.linear.gather [hbm4b:s18+s1], $0x200, $0x38;
	[tilespmem:$0x8680] =	vst v63  }
0xb0: {  	s14 =	simm.s32 $0x5E00  }
0xb1: {  	[tilespmem:s14], [sflag:$0x2] =	stream.linear.gather [hbm4b:s19+s1], $0x200, $0x38;
	[tilespmem:$0x8680] =	vst v63  }
0xb2: {  	s14 =	simm.s32 $0x6000  }
0xb3: {  	[tilespmem:s14], [sflag:$0x2] =	stream.linear.gather [hbm4b:s20+s1], $0x200, $0x38;
	[tilespmem:$0x8680] =	vst v63  }
0xb4: {  	s14 =	simm.s32 $0x6200  }
0xb5: {  	[tilespmem:s14], [sflag:$0x2] =	stream.linear.gather [hbm4b:s21+s1], $0x200, $0x38;
	[tilespmem:$0x8680] =	vst v63  }
0xb6: {  	s14 =	simm.s32 $0x6400  }
0xb7: {  	[tilespmem:s14], [sflag:$0x2] =	stream.linear.gather [hbm4b:s22+s1], $0x200, $0x38;
	[tilespmem:$0x8680] =	vst v63  }
0xb8: {  	s14 =	simm.s32 $0x6600  }
0xb9: {  	[tilespmem:s14], [sflag:$0x2] =	stream.linear.gather [hbm4b:s23+s1], $0x200, $0x38;
	[tilespmem:$0x8680] =	vst v63  }
0xba: {  	s14 =	simm.s32 $0x6800  }
0xbb: {  	[tilespmem:s14], [sflag:$0x2] =	stream.linear.gather [hbm4b:s24+s1], $0x200, $0x38;
	[tilespmem:$0x8680] =	vst v63  }
0xbc: {  	s14 =	simm.s32 $0x6A00  }
0xbd: {  	[tilespmem:s14], [sflag:$0x2] =	stream.linear.gather [hbm4b:s25+s1], $0x200, $0x38;
	[tilespmem:$0x8680] =	vst v63  }
0xbe: {  	s14 =	simm.s32 $0x6C00  }
0xbf: {  	[tilespmem:s14], [sflag:$0x2] =	stream.linear.gather [hbm4b:s26+s1], $0x200, $0x38;
	[tilespmem:$0x8680] =	vst v63  }
0xc0: {  	s14 =	simm.s32 $0x6E00  }
0xc1: {  	[tilespmem:s14], [sflag:$0x2] =	stream.linear.gather [hbm4b:s28+s1], $0x200, $0x38;
	[tilespmem:$0x8680] =	vst v63  }
0xc2: {  	s14 =	simm.s32 $0x7000  }
0xc3: {  	[tilespmem:s14], [sflag:$0x2] =	stream.linear.gather [hbm4b:s29+s1], $0x200, $0x38;
	[tilespmem:$0x8680] =	vst v63  }
0xc4: {  	s14 =	simm.s32 $0x7200  }
0xc5: {  	[tilespmem:s14], [sflag:$0x2] =	stream.linear.gather [hbm4b:s30+s1], $0x200, $0x38;
	[tilespmem:$0x8680] =	vst v63  }
0xc6: {  	s14 =	simm.s32 $0x7400  }
0xc7: {  	[tilespmem:s14], [sflag:$0x2] =	stream.linear.gather [hbm4b:s31+s1], $0x200, $0x38;
	[tilespmem:$0x8680] =	vst v63  }
0xc8: {  	s14 =	simm.s32 $0x7600  }
0xc9: {  	[tilespmem:s14], [sflag:$0x2] =	stream.linear.gather [hbm4b:s0+s1], $0x200, $0x38;
	[tilespmem:$0x8680] =	vst v63  }
0xca: {  	s14 =	simm.s32 $0x7800  }
0xcb: {  	[tilespmem:s14], [sflag:$0x2] =	stream.linear.gather [hbm4b:s2+s1], $0x200, $0x38;
	[tilespmem:$0x8680] =	vst v63  }
0xcc: {  	s14 =	simm.s32 $0x7A00  }
0xcd: {  	[tilespmem:s14], [sflag:$0x2] =	stream.linear.gather [hbm4b:s3+s1], $0x200, $0x38;
	[tilespmem:$0x8680] =	vst v63  }
0xce: {  	s14 =	simm.s32 $0x7C00  }
0xcf: {  	[tilespmem:s14], [sflag:$0x2] =	stream.linear.gather [hbm4b:s4+s1], $0x200, $0x38;
	[tilespmem:$0x8680] =	vst v63  }
0xd0: {  	s14 =	simm.s32 $0x7E00  }
0xd1: {  	[tilespmem:s14], [sflag:$0x2] =	stream.linear.gather [hbm4b:s5+s1], $0x200, $0x38;
	[tilespmem:$0x8680] =	vst v63  }
0xd2: {  	[tilespmem:$0x8000] =	vst v0  }
0xd3: {  	[tilespmem:$0x8010] =	vst v0  }
0xd4: {  	[tilespmem:$0x8020] =	vst v0  }
0xd5: {  	[tilespmem:$0x8030] =	vst v0  }
0xd6: {  	[tilespmem:$0x8040] =	vst v0  }
0xd7: {  	[tilespmem:$0x8050] =	vst v0  }
0xd8: {  	[tilespmem:$0x8060] =	vst v0  }
0xd9: {  	[tilespmem:$0x8070] =	vst v0  }
0xda: {  	[tilespmem:$0x8080] =	vst v0  }
0xdb: {  	[tilespmem:$0x8090] =	vst v0  }
0xdc: {  	[tilespmem:$0x80A0] =	vst v0  }
0xdd: {  	[tilespmem:$0x80B0] =	vst v0  }
0xde: {  	[tilespmem:$0x80C0] =	vst v0  }
0xdf: {  	[tilespmem:$0x80D0] =	vst v0  }
0xe0: {  	[tilespmem:$0x80E0] =	vst v0  }
0xe1: {  	[tilespmem:$0x80F0] =	vst v0  }
0xe2: {  	[tilespmem:$0x8100] =	vst v0  }
0xe3: {  	[tilespmem:$0x8110] =	vst v0  }
0xe4: {  	[tilespmem:$0x8120] =	vst v0  }
0xe5: {  	[tilespmem:$0x8130] =	vst v0  }
0xe6: {  	[tilespmem:$0x8140] =	vst v0  }
0xe7: {  	[tilespmem:$0x8150] =	vst v0  }
0xe8: {  	[tilespmem:$0x8160] =	vst v0  }
0xe9: {  	[tilespmem:$0x8170] =	vst v0  }
0xea: {  	[tilespmem:$0x8180] =	vst v0  }
0xeb: {  	[tilespmem:$0x8190] =	vst v0  }
0xec: {  	[tilespmem:$0x81A0] =	vst v0  }
0xed: {  	[tilespmem:$0x81B0] =	vst v0  }
0xee: {  	[tilespmem:$0x81C0] =	vst v0  }
0xef: {  	[tilespmem:$0x81D0] =	vst v0  }
0xf0: {  	[tilespmem:$0x81E0] =	vst v0  }
0xf1: {  	[tilespmem:$0x81F0] =	vst v0  }
0xf2: {  	[tilespmem:$0x8200] =	vst v0  }
0xf3: {  	[tilespmem:$0x8210] =	vst v0  }
0xf4: {  	[tilespmem:$0x8220] =	vst v0  }
0xf5: {  	[tilespmem:$0x8230] =	vst v0  }
0xf6: {  	[tilespmem:$0x8240] =	vst v0  }
0xf7: {  	[tilespmem:$0x8250] =	vst v0  }
0xf8: {  	[tilespmem:$0x8260] =	vst v0  }
0xf9: {  	[tilespmem:$0x8270] =	vst v0  }
0xfa: {  	[tilespmem:$0x8280] =	vst v0  }
0xfb: {  	[tilespmem:$0x8290] =	vst v0  }
0xfc: {  	[tilespmem:$0x82A0] =	vst v0  }
0xfd: {  	[tilespmem:$0x82B0] =	vst v0  }
0xfe: {  	[tilespmem:$0x82C0] =	vst v0  }
0xff: {  	[tilespmem:$0x82D0] =	vst v0  }
0x100: {  	[tilespmem:$0x82E0] =	vst v0  }
0x101: {  	[tilespmem:$0x82F0] =	vst v0  }
0x102: {  	[tilespmem:$0x8300] =	vst v0  }
0x103: {  	[tilespmem:$0x8310] =	vst v0  }
0x104: {  	[tilespmem:$0x8320] =	vst v0  }
0x105: {  	[tilespmem:$0x8330] =	vst v0  }
0x106: {  	[tilespmem:$0x8340] =	vst v0  }
0x107: {  	[tilespmem:$0x8350] =	vst v0  }
0x108: {  	[tilespmem:$0x8360] =	vst v0  }
0x109: {  	[tilespmem:$0x8370] =	vst v0  }
0x10a: {  	[tilespmem:$0x8380] =	vst v0  }
0x10b: {  	[tilespmem:$0x8390] =	vst v0  }
0x10c: {  	[tilespmem:$0x83A0] =	vst v0  }
0x10d: {  	[tilespmem:$0x83B0] =	vst v0  }
0x10e: {  	[tilespmem:$0x83C0] =	vst v0  }
0x10f: {  	[tilespmem:$0x83D0] =	vst v0  }
0x110: {  	[tilespmem:$0x83E0] =	vst v0  }
0x111: {  	[tilespmem:$0x83F0] =	vst v0  }
0x112: {  	[tilespmem:$0x8400] =	vst v0  }
0x113: {  	[tilespmem:$0x8410] =	vst v0  }
0x114: {  	[tilespmem:$0x8420] =	vst v0  }
0x115: {  	[tilespmem:$0x8430] =	vst v0  }
0x116: {  	[tilespmem:$0x8440] =	vst v0  }
0x117: {  	[tilespmem:$0x8450] =	vst v0  }
0x118: {  	[tilespmem:$0x8460] =	vst v0  }
0x119: {  	[tilespmem:$0x8470] =	vst v0  }
0x11a: {  	[tilespmem:$0x8480] =	vst v0  }
0x11b: {  	[tilespmem:$0x8490] =	vst v0  }
0x11c: {  	[tilespmem:$0x84A0] =	vst v0  }
0x11d: {  	[tilespmem:$0x84B0] =	vst v0  }
0x11e: {  	[tilespmem:$0x84C0] =	vst v0  }
0x11f: {  	[tilespmem:$0x84D0] =	vst v0  }
0x120: {  	[tilespmem:$0x84E0] =	vst v0  }
0x121: {  	[tilespmem:$0x84F0] =	vst v0  }
0x122: {  	[tilespmem:$0x8500] =	vst v0  }
0x123: {  	[tilespmem:$0x8510] =	vst v0  }
0x124: {  	[tilespmem:$0x8520] =	vst v0  }
0x125: {  	[tilespmem:$0x8530] =	vst v0  }
0x126: {  	[tilespmem:$0x8540] =	vst v0  }
0x127: {  	[tilespmem:$0x8550] =	vst v0  }
0x128: {  	[tilespmem:$0x8560] =	vst v0  }
0x129: {  	[tilespmem:$0x8570] =	vst v0  }
0x12a: {  	[tilespmem:$0x8580] =	vst v0  }
0x12b: {  	[tilespmem:$0x8590] =	vst v0  }
0x12c: {  	[tilespmem:$0x85A0] =	vst v0  }
0x12d: {  	[tilespmem:$0x85B0] =	vst v0  }
0x12e: {  	[tilespmem:$0x85C0] =	vst v0  }
0x12f: {  	[tilespmem:$0x85D0] =	vst v0  }
0x130: {  	[tilespmem:$0x85E0] =	vst v0  }
0x131: {  	[tilespmem:$0x85F0] =	vst v0  }
0x132: {  	_ =	swait.ge [sflag:s8], $0x200  }
0x133: {  	[sflag:s8] =	ssyncset.done $0x0  }
0x134: {  	[sflag:s8] =	ssyncadd.s32 $0xFFFFFE00  }
0x135: {  	_ =	swait.ge [sflag:s8], $0x200  }
0x136: {  	[sflag:s8] =	ssyncset.done $0x0  }
0x137: {  	[sflag:s8] =	ssyncadd.s32 $0xFFFFFE00  }
0x138: {  	_ =	swait.ge [sflag:s8], $0x200  }
0x139: {  	[sflag:s8] =	ssyncset.done $0x0  }
0x13a: {  	[sflag:s8] =	ssyncadd.s32 $0xFFFFFE00  }
0x13b: {  	_ =	swait.ge [sflag:s8], $0x200  }
0x13c: {  	[sflag:s8] =	ssyncset.done $0x0  }
0x13d: {  	[sflag:s8] =	ssyncadd.s32 $0xFFFFFE00  }
0x13e: {  	_ =	swait.ge [sflag:s8], $0x200  }
0x13f: {  	[sflag:s8] =	ssyncset.done $0x0  }
0x140: {  	[sflag:s8] =	ssyncadd.s32 $0xFFFFFE00  }
0x141: {  	_ =	swait.ge [sflag:s8], $0x200  }
0x142: {  	[sflag:s8] =	ssyncset.done $0x0  }
0x143: {  	[sflag:s8] =	ssyncadd.s32 $0xFFFFFE00  }
0x144: {  	_ =	swait.ge [sflag:s8], $0x200  }
0x145: {  	[sflag:s8] =	ssyncset.done $0x0  }
0x146: {  	[sflag:s8] =	ssyncadd.s32 $0xFFFFFE00  }
0x147: {  	_ =	swait.ge [sflag:s8], $0x200  }
0x148: {  	[sflag:s8] =	ssyncset.done $0x0  }
0x149: {  	[sflag:s8] =	ssyncadd.s32 $0xFFFFFE00  }
0x14a: {  	_ =	swait.ge [sflag:s8], $0x200  }
0x14b: {  	[sflag:s8] =	ssyncset.done $0x0  }
0x14c: {  	[sflag:s8] =	ssyncadd.s32 $0xFFFFFE00  }
0x14d: {  	_ =	swait.ge [sflag:s8], $0x200  }
0x14e: {  	[sflag:s8] =	ssyncset.done $0x0  }
0x14f: {  	[sflag:s8] =	ssyncadd.s32 $0xFFFFFE00  }
0x150: {  	_ =	swait.ge [sflag:s8], $0x200  }
0x151: {  	[sflag:s8] =	ssyncset.done $0x0  }
0x152: {  	[sflag:s8] =	ssyncadd.s32 $0xFFFFFE00  }
0x153: {  	_ =	swait.ge [sflag:s8], $0x200  }
0x154: {  	[sflag:s8] =	ssyncset.done $0x0  }
0x155: {  	[sflag:s8] =	ssyncadd.s32 $0xFFFFFE00  }
0x156: {  	_ =	swait.ge [sflag:s8], $0x200  }
0x157: {  	[sflag:s8] =	ssyncset.done $0x0  }
0x158: {  	[sflag:s8] =	ssyncadd.s32 $0xFFFFFE00  }
0x159: {  	_ =	swait.ge [sflag:s8], $0x200  }
0x15a: {  	[sflag:s8] =	ssyncset.done $0x0  }
0x15b: {  	[sflag:s8] =	ssyncadd.s32 $0xFFFFFE00  }
0x15c: {  	_ =	swait.ge [sflag:s8], $0x200  }
0x15d: {  	[sflag:s8] =	ssyncset.done $0x0  }
0x15e: {  	[sflag:s8] =	ssyncadd.s32 $0xFFFFFE00  }
0x15f: {  	_ =	swait.ge [sflag:s8], $0x200  }
0x160: {  	[sflag:s8] =	ssyncset.done $0x0  }
0x161: {  	[sflag:s8] =	ssyncadd.s32 $0xFFFFFE00  }
0x162: {  	_ =	swait.ge [sflag:s8], $0x200  }
0x163: {  	[sflag:s8] =	ssyncset.done $0x0  }
0x164: {  	[sflag:s8] =	ssyncadd.s32 $0xFFFFFE00  }
0x165: {  	_ =	swait.ge [sflag:s8], $0x200  }
0x166: {  	[sflag:s8] =	ssyncset.done $0x0  }
0x167: {  	[sflag:s8] =	ssyncadd.s32 $0xFFFFFE00  }
0x168: {  	_ =	swait.ge [sflag:s8], $0x200  }
0x169: {  	[sflag:s8] =	ssyncset.done $0x0  }
0x16a: {  	[sflag:s8] =	ssyncadd.s32 $0xFFFFFE00  }
0x16b: {  	_ =	swait.ge [sflag:s8], $0x200  }
0x16c: {  	[sflag:s8] =	ssyncset.done $0x0  }
0x16d: {  	[sflag:s8] =	ssyncadd.s32 $0xFFFFFE00  }
0x16e: {  	_ =	swait.ge [sflag:s8], $0x200  }
0x16f: {  	[sflag:s8] =	ssyncset.done $0x0  }
0x170: {  	[sflag:s8] =	ssyncadd.s32 $0xFFFFFE00  }
0x171: {  	_ =	swait.ge [sflag:s8], $0x200  }
0x172: {  	[sflag:s8] =	ssyncset.done $0x0  }
0x173: {  	[sflag:s8] =	ssyncadd.s32 $0xFFFFFE00  }
0x174: {  	_ =	swait.ge [sflag:s8], $0x200  }
0x175: {  	[sflag:s8] =	ssyncset.done $0x0  }
0x176: {  	[sflag:s8] =	ssyncadd.s32 $0xFFFFFE00  }
0x177: {  	_ =	swait.ge [sflag:s8], $0x200  }
0x178: {  	[sflag:s8] =	ssyncset.done $0x0  }
0x179: {  	[sflag:s8] =	ssyncadd.s32 $0xFFFFFE00  }
0x17a: {  	_ =	swait.ge [sflag:s8], $0x200  }
0x17b: {  	[sflag:s8] =	ssyncset.done $0x0  }
0x17c: {  	[sflag:s8] =	ssyncadd.s32 $0xFFFFFE00  }
0x17d: {  	_ =	swait.ge [sflag:s8], $0x200  }
0x17e: {  	[sflag:s8] =	ssyncset.done $0x0  }
0x17f: {  	[sflag:s8] =	ssyncadd.s32 $0xFFFFFE00  }
0x180: {  	_ =	swait.ge [sflag:s8], $0x200  }
0x181: {  	[sflag:s8] =	ssyncset.done $0x0  }
0x182: {  	[sflag:s8] =	ssyncadd.s32 $0xFFFFFE00  }
0x183: {  	_ =	swait.ge [sflag:s8], $0x200  }
0x184: {  	[sflag:s8] =	ssyncset.done $0x0  }
0x185: {  	[sflag:s8] =	ssyncadd.s32 $0xFFFFFE00  }
0x186: {  	_ =	swait.ge [sflag:s8], $0x200  }
0x187: {  	[sflag:s8] =	ssyncset.done $0x0  }
0x188: {  	[sflag:s8] =	ssyncadd.s32 $0xFFFFFE00  }
0x189: {  	_ =	swait.ge [sflag:s8], $0x200  }
0x18a: {  	[sflag:s8] =	ssyncset.done $0x0  }
0x18b: {  	[sflag:s8] =	ssyncadd.s32 $0xFFFFFE00  }
0x18c: {  	_ =	swait.ge [sflag:s8], $0x200  }
0x18d: {  	[sflag:s8] =	ssyncset.done $0x0  }
0x18e: {  	[sflag:s8] =	ssyncadd.s32 $0xFFFFFE00  }
0x18f: {  	_ =	swait.ge [sflag:s8], $0x200  }
0x190: {  	[sflag:s8] =	ssyncset.done $0x0  }
0x191: {  	[sflag:s8] =	ssyncadd.s32 $0xFFFFFE00  }
0x192: {  	_ =	swait.ge [sflag:s9], $0x200  }
0x193: {  	[sflag:s9] =	ssyncset.done $0x0  }
0x194: {  	[sflag:s9] =	ssyncadd.s32 $0xFFFFFE00  }
0x195: {  	_ =	swait.ge [sflag:s9], $0x200  }
0x196: {  	[sflag:s9] =	ssyncset.done $0x0  }
0x197: {  	[sflag:s9] =	ssyncadd.s32 $0xFFFFFE00  }
0x198: {  	_ =	swait.ge [sflag:s9], $0x200  }
0x199: {  	[sflag:s9] =	ssyncset.done $0x0  }
0x19a: {  	[sflag:s9] =	ssyncadd.s32 $0xFFFFFE00  }
0x19b: {  	_ =	swait.ge [sflag:s9], $0x200  }
0x19c: {  	[sflag:s9] =	ssyncset.done $0x0  }
0x19d: {  	[sflag:s9] =	ssyncadd.s32 $0xFFFFFE00  }
0x19e: {  	_ =	swait.ge [sflag:s9], $0x200  }
0x19f: {  	[sflag:s9] =	ssyncset.done $0x0  }
0x1a0: {  	[sflag:s9] =	ssyncadd.s32 $0xFFFFFE00  }
0x1a1: {  	_ =	swait.ge [sflag:s9], $0x200  }
0x1a2: {  	[sflag:s9] =	ssyncset.done $0x0  }
0x1a3: {  	[sflag:s9] =	ssyncadd.s32 $0xFFFFFE00  }
0x1a4: {  	_ =	swait.ge [sflag:s9], $0x200  }
0x1a5: {  	[sflag:s9] =	ssyncset.done $0x0  }
0x1a6: {  	[sflag:s9] =	ssyncadd.s32 $0xFFFFFE00  }
0x1a7: {  	_ =	swait.ge [sflag:s9], $0x200  }
0x1a8: {  	[sflag:s9] =	ssyncset.done $0x0  }
0x1a9: {  	[sflag:s9] =	ssyncadd.s32 $0xFFFFFE00  }
0x1aa: {  	_ =	swait.ge [sflag:s9], $0x200  }
0x1ab: {  	[sflag:s9] =	ssyncset.done $0x0  }
0x1ac: {  	[sflag:s9] =	ssyncadd.s32 $0xFFFFFE00  }
0x1ad: {  	_ =	swait.ge [sflag:s9], $0x200  }
0x1ae: {  	[sflag:s9] =	ssyncset.done $0x0  }
0x1af: {  	[sflag:s9] =	ssyncadd.s32 $0xFFFFFE00  }
0x1b0: {  	_ =	swait.ge [sflag:s9], $0x200  }
0x1b1: {  	[sflag:s9] =	ssyncset.done $0x0  }
0x1b2: {  	[sflag:s9] =	ssyncadd.s32 $0xFFFFFE00  }
0x1b3: {  	_ =	swait.ge [sflag:s9], $0x200  }
0x1b4: {  	[sflag:s9] =	ssyncset.done $0x0  }
0x1b5: {  	[sflag:s9] =	ssyncadd.s32 $0xFFFFFE00  }
0x1b6: {  	_ =	swait.ge [sflag:s9], $0x200  }
0x1b7: {  	[sflag:s9] =	ssyncset.done $0x0  }
0x1b8: {  	[sflag:s9] =	ssyncadd.s32 $0xFFFFFE00  }
0x1b9: {  	_ =	swait.ge [sflag:s9], $0x200  }
0x1ba: {  	[sflag:s9] =	ssyncset.done $0x0  }
0x1bb: {  	[sflag:s9] =	ssyncadd.s32 $0xFFFFFE00  }
0x1bc: {  	_ =	swait.ge [sflag:s9], $0x200  }
0x1bd: {  	[sflag:s9] =	ssyncset.done $0x0  }
0x1be: {  	[sflag:s9] =	ssyncadd.s32 $0xFFFFFE00  }
0x1bf: {  	_ =	swait.ge [sflag:s9], $0x200  }
0x1c0: {  	[sflag:s9] =	ssyncset.done $0x0  }
0x1c1: {  	[sflag:s9] =	ssyncadd.s32 $0xFFFFFE00  }
0x1c2: {  	_ =	swait.ge [sflag:s9], $0x200  }
0x1c3: {  	[sflag:s9] =	ssyncset.done $0x0  }
0x1c4: {  	[sflag:s9] =	ssyncadd.s32 $0xFFFFFE00  }
0x1c5: {  	_ =	swait.ge [sflag:s9], $0x200  }
0x1c6: {  	[sflag:s9] =	ssyncset.done $0x0  }
0x1c7: {  	[sflag:s9] =	ssyncadd.s32 $0xFFFFFE00  }
0x1c8: {  	_ =	swait.ge [sflag:s9], $0x200  }
0x1c9: {  	[sflag:s9] =	ssyncset.done $0x0  }
0x1ca: {  	[sflag:s9] =	ssyncadd.s32 $0xFFFFFE00  }
0x1cb: {  	_ =	swait.ge [sflag:s9], $0x200  }
0x1cc: {  	[sflag:s9] =	ssyncset.done $0x0  }
0x1cd: {  	[sflag:s9] =	ssyncadd.s32 $0xFFFFFE00  }
0x1ce: {  	_ =	swait.ge [sflag:s9], $0x200  }
0x1cf: {  	[sflag:s9] =	ssyncset.done $0x0  }
0x1d0: {  	[sflag:s9] =	ssyncadd.s32 $0xFFFFFE00  }
0x1d1: {  	_ =	swait.ge [sflag:s9], $0x200  }
0x1d2: {  	[sflag:s9] =	ssyncset.done $0x0  }
0x1d3: {  	[sflag:s9] =	ssyncadd.s32 $0xFFFFFE00  }
0x1d4: {  	_ =	swait.ge [sflag:s9], $0x200  }
0x1d5: {  	[sflag:s9] =	ssyncset.done $0x0  }
0x1d6: {  	[sflag:s9] =	ssyncadd.s32 $0xFFFFFE00  }
0x1d7: {  	_ =	swait.ge [sflag:s9], $0x200  }
0x1d8: {  	[sflag:s9] =	ssyncset.done $0x0  }
0x1d9: {  	[sflag:s9] =	ssyncadd.s32 $0xFFFFFE00  }
0x1da: {  	_ =	swait.ge [sflag:s9], $0x200  }
0x1db: {  	[sflag:s9] =	ssyncset.done $0x0  }
0x1dc: {  	[sflag:s9] =	ssyncadd.s32 $0xFFFFFE00  }
0x1dd: {  	_ =	swait.ge [sflag:s9], $0x200  }
0x1de: {  	[sflag:s9] =	ssyncset.done $0x0  }
0x1df: {  	[sflag:s9] =	ssyncadd.s32 $0xFFFFFE00  }
0x1e0: {  	_ =	swait.ge [sflag:s9], $0x200  }
0x1e1: {  	[sflag:s9] =	ssyncset.done $0x0  }
0x1e2: {  	[sflag:s9] =	ssyncadd.s32 $0xFFFFFE00  }
0x1e3: {  	_ =	swait.ge [sflag:s9], $0x200  }
0x1e4: {  	[sflag:s9] =	ssyncset.done $0x0  }
0x1e5: {  	[sflag:s9] =	ssyncadd.s32 $0xFFFFFE00  }
0x1e6: {  	_ =	swait.ge [sflag:s9], $0x200  }
0x1e7: {  	[sflag:s9] =	ssyncset.done $0x0  }
0x1e8: {  	[sflag:s9] =	ssyncadd.s32 $0xFFFFFE00  }
0x1e9: {  	_ =	swait.ge [sflag:s9], $0x200  }
0x1ea: {  	[sflag:s9] =	ssyncset.done $0x0  }
0x1eb: {  	[sflag:s9] =	ssyncadd.s32 $0xFFFFFE00  }
0x1ec: {  	_ =	swait.ge [sflag:s9], $0x200  }
0x1ed: {  	[sflag:s9] =	ssyncset.done $0x0  }
0x1ee: {  	[sflag:s9] =	ssyncadd.s32 $0xFFFFFE00  }
0x1ef: {  	_ =	swait.ge [sflag:s9], $0x200  }
0x1f0: {  	[sflag:s9] =	ssyncset.done $0x0  }
0x1f1: {  	s13 =	simm.s32 $0xFFFFF800;
	[sflag:s9] =	ssyncadd.s32 $0xFFFFFE00  }
.LBB2_2:
0x1f2: {  	s14 =	sshra.s32 s13, $0x2  }
0x1f3: {  	v21 =	vld [tilespmem:s14+$0x200]  }
0x1f4: {  	v22 =	vld [tilespmem:s14+$0x400]  }
0x1f5: {  	v23 =	vld [tilespmem:s14+$0x600]  }
0x1f6: {  	v24 =	vld [tilespmem:s14+$0x800]  }
0x1f7: {  	v25 =	vld [tilespmem:s14+$0xA00]  }
0x1f8: {  	v26 =	vld [tilespmem:s14+$0xC00]  }
0x1f9: {  	v27 =	vld [tilespmem:s14+$0xE00]  }
0x1fa: {  	v28 =	vld [tilespmem:s14+$0x1000]  }
0x1fb: {  	v29 =	vld [tilespmem:s14+$0x1200]  }
0x1fc: {  	v30 =	vld [tilespmem:s14+$0x1400]  }
0x1fd: {  	v31 =	vld [tilespmem:s14+$0x1600]  }
0x1fe: {  	v32 =	vld [tilespmem:s14+$0x1800]  }
0x1ff: {  	v33 =	vld [tilespmem:s14+$0x1A00]  }
0x200: {  	v34 =	vld [tilespmem:s14+$0x1C00]  }
0x201: {  	v35 =	vld [tilespmem:s14+$0x1E00]  }
0x202: {  	v36 =	vld [tilespmem:s14+$0x2000]  }
0x203: {  	v48 =	vld [tilespmem:s14+$0x2E00]  }
0x204: {  	v50 =	vld [tilespmem:s14+$0x3000];
	vm0 =	vge.f32 v21, v22;
	v21 =	vmax.f32 v21, v22  }
0x205: {  	v37 =	vld [tilespmem:s14+$0x2200];
	vm15 =	vge.f32 v23, v24;
	v23 =	vmax.f32 v23, v24;
	vm4 =	vge.f32 v25, v26  }
0x206: {  	v38 =	vld [tilespmem:s14+$0x2400];
	v25 =	vmax.f32 v25, v26;
	vm5 =	vge.f32 v27, v28;
	v27 =	vmax.f32 v27, v28  }
0x207: {  	v61 =	vld [tilespmem:s14+$0x2600];
	vm8 =	vge.f32 v29, v30;
	vm9 =	vge.f32 v31, v32;
	v44 =	vmax.f32 v31, v32  }
0x208: {  	v63 =	vld [tilespmem:s14+$0x2800];
	vm10 =	vge.f32 v33, v34;
	v47 =	vmax.f32 v33, v34;
	vm11 =	vge.f32 v35, v36  }
0x209: {  	v42 =	vld [tilespmem:s14+$0x2A00];
	v35 =	vmax.f32 v35, v36;
	v33 =	vmax.f32 v48, v50;
	vm0 =	vmneg vm0  }
0x20a: {  	v45 =	vld [tilespmem:s14+$0x2C00];
	v58 =	vsel vm15, $0x2, v2;
	v59 =	vsel vm4, $0x4, v3;
	v60 =	vsel vm5, $0x6, v4  }
0x20b: {  	v51 =	vld [tilespmem:s14+$0x3200];
	vm6 =	vge.f32 v21, v23;
	v21 =	vmax.f32 v21, v23;
	vm1 =	vge.f32 v25, v27  }
0x20c: {  	v53 =	vld [tilespmem:s14+$0x3400];
	v23 =	vmax.f32 v25, v27;
	v43 =	vsel vm8, $0x8, v5;
	v46 =	vsel vm9, $0xA, v6  }
0x20d: {  	v54 =	vld [tilespmem:s14+$0x3600];
	v49 =	vsel vm10, $0xC, v7;
	v39 =	vsel vm11, $0xE, v8;
	vm13 =	vge.f32 v47, v35  }
0x20e: {  	v56 =	vld [tilespmem:s14+$0x3800];
	v52 =	vmax.f32 v47, v35;
	vm4 =	vge.f32 v37, v38;
	vm5 =	vge.f32 v61, v63  }
0x20f: {  	v25 =	vmax.f32 v61, v63;
	v27 =	vmax.f32 v42, v45;
	v22 =	vsel vm0, $0x1, v1  }
0x210: {  	v62 =	vsel vm1, v59, v60;
	vm7 =	vge.f32 v21, v23;
	v21 =	vmax.f32 v21, v23  }
0x211: {  	v23 =	vmax.f32 v29, v30;
	v34 =	vsel vm13, v49, v39;
	v60 =	vsel vm5, $0x12, v10  }
0x212: {  	vm9 =	vge.f32 v27, v33;
	v27 =	vmax.f32 v27, v33;
	v29 =	vmax.f32 v51, v53  }
0x213: {  	v40 =	vld [tilespmem:s14+$0x5C00];
	vm13 =	vge.f32 v54, v56;
	v22 =	vsel vm6, v22, v58;
	vm12 =	vge.f32 v23, v44  }
0x214: {  	v61 =	vld [tilespmem:s14+$0x4400];
	v23 =	vmax.f32 v23, v44;
	v58 =	vsel vm4, $0x10, v9;
	vm6 =	vge.f32 v42, v45  }
0x215: {  	v63 =	vld [tilespmem:s14+$0x4600];
	v28 =	vsel vm12, v43, v46;
	vm14 =	vge.f32 v23, v52;
	v23 =	vmax.f32 v23, v52  }
0x216: {  	v47 =	vld [tilespmem:s14+$0x4E00];
	v22 =	vsel vm7, v22, v62;
	v62 =	vsel vm6, $0x14, v11;
	vm7 =	vge.f32 v48, v50  }
0x217: {  	v59 =	vld [tilespmem:s14+$0x4200];
	vm12 =	vge.f32 v51, v53;
	v51 =	vsel vm13, $0x1A, v15;
	v55 =	vsel vm14, v28, v34  }
0x218: {  	v44 =	vld [tilespmem:s14+$0x4A00];
	vm15 =	vge.f32 v21, v23;
	v57 =	vmax.f32 v21, v23;
	v21 =	vmax.f32 v37, v38  }
0x219: {  	v43 =	vld [tilespmem:s14+$0x4800];
	v42 =	vsel vm7, $0x16, v12;
	v49 =	vsel vm12, $0x18, v13;
	v28 =	vmax.f32 v54, v56  }
0x21a: {  	v46 =	vld [tilespmem:s14+$0x4C00];
	vm8 =	vge.f32 v21, v25;
	v21 =	vmax.f32 v21, v25;
	v45 =	vsel vm9, v62, v42  }
0x21b: {  	v48 =	vld [tilespmem:s14+$0x5000];
	vm14 =	vge.f32 v29, v28;
	v28 =	vmax.f32 v29, v28;
	v35 =	vsel vm8, v58, v60  }
0x21c: {  	v50 =	vld [tilespmem:s14+$0x5200];
	vm10 =	vge.f32 v21, v27;
	v27 =	vmax.f32 v21, v27;
	v21 =	vsel vm15, v22, v55  }
0x21d: {  	v52 =	vld [tilespmem:s14+$0x5400];
	vm15 =	vge.f32 v59, v61;
	v24 =	vsel vm14, v49, v51;
	v26 =	vmax.f32 v59, v61  }
0x21e: {  	v41 =	vld [tilespmem:s14+$0x5E00];
	v22 =	vsel vm10, v35, v45;
	vm11 =	vge.f32 v57, v27;
	vm4 =	vmneg vm15  }
0x21f: {  	v53 =	vld [tilespmem:s14+$0x5600];
	v21 =	vsel vm11, v21, v22;
	v22 =	vmax.f32 v57, v27;
	v54 =	vsel vm4, $0x1, v1  }
0x220: {  	v55 =	vld [tilespmem:s14+$0x5800];
	vm5 =	vge.f32 v63, v43;
	v25 =	vmax.f32 v63, v43;
	vm6 =	vge.f32 v44, v46  }
0x221: {  	v61 =	vld [tilespmem:s14+$0x6000];
	v33 =	vmax.f32 v44, v46;
	vm7 =	vge.f32 v47, v48;
	v32 =	vmax.f32 v47, v48  }
0x222: {  	v57 =	vld [tilespmem:s14+$0x5A00];
	vm11 =	vge.f32 v50, v52;
	v45 =	vmax.f32 v50, v52;
	v56 =	vsel vm5, $0x2, v2  }
0x223: {  	v63 =	vld [tilespmem:s14+$0x6200];
	v58 =	vsel vm6, $0x4, v3;
	v59 =	vsel vm7, $0x6, v4;
	vm8 =	vge.f32 v26, v25  }
0x224: {  	v46 =	vld [tilespmem:s14+$0x6400];
	v25 =	vmax.f32 v26, v25;
	vm9 =	vge.f32 v33, v32;
	v60 =	vmax.f32 v33, v32  }
0x225: {  	v48 =	vld [tilespmem:s14+$0x6600];
	v47 =	vsel vm11, $0x8, v5;
	v30 =	vsel vm8, v54, v56;
	v62 =	vsel vm9, v58, v59  }
0x226: {  	v50 =	vld [tilespmem:s14+$0x6800];
	vm10 =	vge.f32 v25, v60;
	v25 =	vmax.f32 v25, v60;
	vm12 =	vge.f32 v53, v55  }
0x227: {  	v52 =	vld [tilespmem:s14+$0x6A00];
	v27 =	vmax.f32 v53, v55;
	vm14 =	vge.f32 v41, v61;
	v32 =	vmax.f32 v41, v61  }
0x228: {  	v54 =	vld [tilespmem:s14+$0x6E00];
	v30 =	vsel vm10, v30, v62;
	v49 =	vsel vm12, $0xA, v6;
	v42 =	vsel vm14, $0xE, v8  }
0x229: {  	v56 =	vld [tilespmem:s14+$0x7000];
	vm15 =	vge.f32 v45, v27;
	v26 =	vmax.f32 v45, v27;
	vm13 =	vge.f32 v57, v40  }
0x22a: {  	v59 =	vld [tilespmem:s14+$0x3E00];
	v37 =	vmax.f32 v57, v40;
	v36 =	vsel vm15, v47, v49;
	vm7 =	vge.f32 v63, v46  }
0x22b: {  	v60 =	vld [tilespmem:s14+$0x4000];
	v31 =	vmax.f32 v63, v46;
	vm8 =	vge.f32 v48, v50;
	v34 =	vmax.f32 v48, v50  }
0x22c: {  	v53 =	vld [tilespmem:s14+$0x6C00];
	v51 =	vsel vm13, $0xC, v7;
	vm4 =	vge.f32 v37, v32;
	v32 =	vmax.f32 v37, v32  }
0x22d: {  	v23 =	vld [tilespmem:s14+$0x3A00];
	v61 =	vsel vm7, $0x10, v9;
	v62 =	vsel vm8, $0x12, v10;
	vm11 =	vge.f32 v31, v34  }
0x22e: {  	v57 =	vld [tilespmem:s14+$0x3C00];
	v31 =	vmax.f32 v31, v34;
	v55 =	vsel vm4, v51, v42;
	vm5 =	vge.f32 v26, v32  }
0x22f: {  	v63 =	vld [tilespmem:s14+$0x7200];
	v26 =	vmax.f32 v26, v32;
	vm10 =	vge.f32 v54, v56;
	v32 =	vmax.f32 v54, v56  }
0x230: {  	v46 =	vld [tilespmem:s14+$0x7400];
	v47 =	vsel vm11, v61, v62;
	vm15 =	vge.f32 v59, v60;
	v33 =	vmax.f32 v59, v60  }
0x231: {  	v48 =	vld [tilespmem:s14+$0x7600];
	v58 =	vsel vm5, v36, v55;
	vm6 =	vge.f32 v25, v26;
	vm9 =	vge.f32 v52, v53  }
0x232: {  	v50 =	vld [tilespmem:s14+$0x7800];
	v27 =	vmax.f32 v52, v53;
	v49 =	vsel vm10, $0x16, v12;
	v25 =	vmax.f32 v25, v26  }
0x233: {  	v56 =	vsel vm15, $0x1E, v17;
	v30 =	vsel vm6, v30, v58;
	v45 =	vsel vm9, $0x14, v11  }
0x234: {  	vm12 =	vge.f32 v27, v32;
	v27 =	vmax.f32 v27, v32;
	vm13 =	vge.f32 v23, v57  }
0x235: {  	v51 =	vld [tilespmem:s14+$0x7A00];
	v37 =	vsel vm12, v45, v49;
	vm14 =	vge.f32 v31, v27;
	v23 =	vmax.f32 v23, v57  }
0x236: {  	v52 =	vld [tilespmem:s14+$0x7C00];
	v27 =	vmax.f32 v31, v27;
	vm6 =	vge.f32 v63, v46;
	v57 =	vmax.f32 v63, v46  }
0x237: {  	v53 =	vld [tilespmem:s14+$0x7E00];
	vm7 =	vge.f32 v48, v50;
	v32 =	vmax.f32 v48, v50;
	v34 =	vsel vm14, v47, v37  }
0x238: {  	v55 =	vld [tilespmem:s14+$0x8000];
	v54 =	vsel vm13, $0x1C, v16;
	vm4 =	vge.f32 v23, v33;
	v23 =	vmax.f32 v23, v33  }
0x239: {  	vm5 =	vge.f32 v25, v27;
	v25 =	vmax.f32 v25, v27;
	v58 =	vsel vm6, $0x18, v13  }
0x23a: {  	v60 =	vsel vm7, $0x1A, v15;
	vm10 =	vge.f32 v57, v32;
	v27 =	vmax.f32 v57, v32  }
0x23b: {  	v29 =	vsel vm4, v54, v56;
	v30 =	vsel vm5, v30, v34;
	v33 =	vsel vm10, v58, v60  }
0x23c: {  	vm13 =	vge.f32 v28, v23;
	vm8 =	vge.f32 v51, v52;
	v59 =	vmax.f32 v51, v52  }
0x23d: {  	vm9 =	vge.f32 v53, v55;
	v26 =	vmax.f32 v53, v55;
	v61 =	vsel vm8, $0x1C, v16  }
0x23e: {  	v62 =	vsel vm9, $0x1E, v17;
	vm11 =	vge.f32 v59, v26;
	v26 =	vmax.f32 v59, v26  }
0x23f: {  	v31 =	vsel vm11, v61, v62;
	vm12 =	vge.f32 v27, v26;
	v26 =	vmax.f32 v27, v26  }
0x240: {  	v23 =	vmax.f32 v28, v23;
	v63 =	vsel vm12, v33, v31;
	vm14 =	vge.f32 v25, v26  }
0x241: {  	v24 =	vsel vm13, v24, v29;
	vm15 =	vge.f32 v22, v23;
	v25 =	vsel vm14, v30, v63  }
0x242: {  	v21 =	vsel vm15, v21, v24;
	v22 =	vor.u32 v14, v25  }
0x243: {  	v23 =	vor.u32 v19, v21;
	vm0 =	veq.s32 v25, v21  }
0x244: {  	p0 =	sne.s32 s13, $0xFFFFFFC0;
	v21 =	vor.u32 v20, v25  }
.Ltmp0:
0x245: {  	_ = 	snop;
	(pc) =	sbr.rel @p0 .LBB2_2-.Ltmp0, $4  }
0x246: {  	_ = 	snop  }
0x247: {  	[tilespmem:v22+s10+$0x0] =	vst.idx.add.f32.msk $0xffff, v18  }
0x248: {  	[tilespmem:v23+s10+$0x0] =	vst.idx.add.f32.msk $0xffff, v18  }
0x249: {  	s13 =	sadd.s32 $0x40, s13;
	[tilespmem:v21+s10+$0x0] =	vst.idx.add.f32.msk vm0, v18  }
0x24a: {  	v21 =	vld [tilespmem:$0x8000]  }
0x24b: {  	v22 =	vld [tilespmem:$0x8020]  }
0x24c: {  	v23 =	vld [tilespmem:$0x8040]  }
0x24d: {  	v24 =	vld [tilespmem:$0x8060]  }
0x24e: {  	v25 =	vld [tilespmem:$0x8080]  }
0x24f: {  	v26 =	vld [tilespmem:$0x80A0]  }
0x250: {  	v27 =	vld [tilespmem:$0x80C0]  }
0x251: {  	v28 =	vld [tilespmem:$0x80E0]  }
0x252: {  	v29 =	vld [tilespmem:$0x8100]  }
0x253: {  	v30 =	vld [tilespmem:$0x8120]  }
0x254: {  	v31 =	vld [tilespmem:$0x8140]  }
0x255: {  	v32 =	vld [tilespmem:$0x8160]  }
0x256: {  	v33 =	vld [tilespmem:$0x8180]  }
0x257: {  	v34 =	vld [tilespmem:$0x81A0]  }
0x258: {  	v35 =	vld [tilespmem:$0x81C0]  }
0x259: {  	v36 =	vld [tilespmem:$0x81E0]  }
0x25a: {  	v37 =	vld [tilespmem:$0x8010]  }
0x25b: {  	v38 =	vld [tilespmem:$0x8030]  }
0x25c: {  	v39 =	vld [tilespmem:$0x8050]  }
0x25d: {  	v40 =	vld [tilespmem:$0x8070]  }
0x25e: {  	v41 =	vld [tilespmem:$0x8090]  }
0x25f: {  	v42 =	vld [tilespmem:$0x80B0]  }
0x260: {  	v43 =	vld [tilespmem:$0x80D0]  }
0x261: {  	v44 =	vld [tilespmem:$0x80F0]  }
0x262: {  	v45 =	vld [tilespmem:$0x8110]  }
0x263: {  	v46 =	vld [tilespmem:$0x8130]  }
0x264: {  	v47 =	vld [tilespmem:$0x8150]  }
0x265: {  	v48 =	vld [tilespmem:$0x8170]  }
0x266: {  	v49 =	vld [tilespmem:$0x8190]  }
0x267: {  	v50 =	vld [tilespmem:$0x81B0]  }
0x268: {  	v51 =	vld [tilespmem:$0x81D0]  }
0x269: {  	v52 =	vld [tilespmem:$0x81F0]  }
0x26a: {  	v53 =	vld [tilespmem:$0x8200]  }
0x26b: {  	v54 =	vld [tilespmem:$0x8220]  }
0x26c: {  	v55 =	vld [tilespmem:$0x8240]  }
0x26d: {  	v56 =	vld [tilespmem:$0x8260]  }
0x26e: {  	v57 =	vld [tilespmem:$0x8280]  }
0x26f: {  	v58 =	vld [tilespmem:$0x82A0];
	v21 =	vadd.f32 $0.0e+00, v21  }
0x270: {  	v59 =	vld [tilespmem:$0x82C0];
	v37 =	vadd.f32 $0.0e+00, v37  }
0x271: {  	v63 =	vld [tilespmem:$0x8210];
	v21 =	vadd.f32 v22, v21  }
0x272: {  	v60 =	vld [tilespmem:$0x8400];
	v37 =	vadd.f32 v38, v37  }
0x273: {  	v62 =	vld [tilespmem:$0x8430];
	v21 =	vadd.f32 v23, v21  }
0x274: {  	v61 =	vadd.f32 $0.0e+00, v53;
	v53 =	vld [tilespmem:$0x8550];
	v37 =	vadd.f32 v39, v37  }
0x275: {  	v22 =	vld [tilespmem:$0x82E0];
	v21 =	vadd.f32 v24, v21  }
0x276: {  	v38 =	vld [tilespmem:$0x8300];
	v37 =	vadd.f32 v40, v37  }
0x277: {  	v23 =	vld [tilespmem:$0x8320];
	v21 =	vadd.f32 v25, v21  }
0x278: {  	v39 =	vld [tilespmem:$0x8340];
	v37 =	vadd.f32 v41, v37  }
0x279: {  	v24 =	vld [tilespmem:$0x8360];
	v26 =	vadd.f32 v26, v21  }
0x27a: {  	v40 =	vld [tilespmem:$0x8380];
	v37 =	vadd.f32 v42, v37  }
0x27b: {  	v25 =	vld [tilespmem:$0x83A0];
	v26 =	vadd.f32 v27, v26  }
0x27c: {  	v41 =	vld [tilespmem:$0x83C0];
	v37 =	vadd.f32 v43, v37  }
0x27d: {  	v21 =	vld [tilespmem:$0x83E0];
	v26 =	vadd.f32 v28, v26  }
0x27e: {  	v42 =	vadd.f32 $0.0e+00, v63;
	v63 =	vld [tilespmem:$0x8440];
	v37 =	vadd.f32 v44, v37  }
0x27f: {  	v27 =	vld [tilespmem:$0x8230];
	v26 =	vadd.f32 v29, v26  }
0x280: {  	v43 =	vld [tilespmem:$0x8250];
	v37 =	vadd.f32 v45, v37  }
0x281: {  	v28 =	vld [tilespmem:$0x8270];
	v26 =	vadd.f32 v30, v26  }
0x282: {  	v44 =	vld [tilespmem:$0x8290];
	v37 =	vadd.f32 v46, v37  }
0x283: {  	v29 =	vld [tilespmem:$0x82B0];
	v26 =	vadd.f32 v31, v26  }
0x284: {  	v45 =	vld [tilespmem:$0x82D0];
	v37 =	vadd.f32 v47, v37  }
0x285: {  	v30 =	vld [tilespmem:$0x82F0];
	v26 =	vadd.f32 v32, v26  }
0x286: {  	v46 =	vld [tilespmem:$0x8310];
	v37 =	vadd.f32 v48, v37  }
0x287: {  	v27 =	vadd.f32 v27, v42;
	v31 =	vld [tilespmem:$0x8330];
	v26 =	vadd.f32 v33, v26  }
0x288: {  	v47 =	vld [tilespmem:$0x8350];
	v37 =	vadd.f32 v49, v37  }
0x289: {  	v27 =	vadd.f32 v43, v27;
	v32 =	vld [tilespmem:$0x8370];
	v26 =	vadd.f32 v34, v26  }
0x28a: {  	v48 =	vld [tilespmem:$0x8390];
	v37 =	vadd.f32 v50, v37  }
0x28b: {  	v27 =	vadd.f32 v28, v27;
	v26 =	vadd.f32 v35, v26;
	v35 =	vld [tilespmem:$0x8410]  }
0x28c: {  	v37 =	vadd.f32 v51, v37;
	v51 =	vld [tilespmem:$0x8420]  }
0x28d: {  	v27 =	vadd.f32 v44, v27;
	v44 =	vld [tilespmem:$0x8510]  }
0x28e: {  	v33 =	vld [tilespmem:$0x83B0];
	v50 =	vadd.f32 $0.0e+00, v60  }
0x28f: {  	v26 =	vadd.f32 v36, v26;
	v36 =	vadd.f32 v54, v61;
	v54 =	vld [tilespmem:$0x8450]  }
0x290: {  	v60 =	vld [tilespmem:$0x8460];
	v35 =	vadd.f32 $0.0e+00, v35  }
0x291: {  	v61 =	vld [tilespmem:$0x8470];
	v36 =	vadd.f32 v55, v36;
	v50 =	vadd.f32 v51, v50  }
0x292: {  	v35 =	vadd.f32 v62, v35;
	v62 =	vld [tilespmem:$0x8480]  }
0x293: {  	v36 =	vadd.f32 v56, v36;
	v50 =	vadd.f32 v63, v50;
	v63 =	vld [tilespmem:$0x8490]  }
0x294: {  	v55 =	vld [tilespmem:$0x84A0];
	v54 =	vadd.f32 v54, v35  }
0x295: {  	v56 =	vld [tilespmem:$0x84B0];
	v36 =	vadd.f32 v57, v36;
	v42 =	vadd.f32 v60, v50  }
0x296: {  	v27 =	vadd.f32 v29, v27;
	v57 =	vld [tilespmem:$0x84C0];
	v28 =	vadd.f32 v61, v54  }
0x297: {  	v60 =	vld [tilespmem:$0x84D0];
	v36 =	vadd.f32 v58, v36;
	v42 =	vadd.f32 v62, v42  }
0x298: {  	v27 =	vadd.f32 v45, v27;
	v61 =	vld [tilespmem:$0x84E0];
	v28 =	vadd.f32 v63, v28  }
0x299: {  	v36 =	vadd.f32 v59, v36;
	v62 =	vld [tilespmem:$0x84F0];
	v35 =	vadd.f32 v55, v42  }
0x29a: {  	v27 =	vadd.f32 v30, v27;
	v63 =	vld [tilespmem:$0x8500];
	v28 =	vadd.f32 v56, v28  }
0x29b: {  	v49 =	vld [tilespmem:$0x83D0];
	v22 =	vadd.f32 v22, v36;
	v35 =	vadd.f32 v57, v35  }
0x29c: {  	v37 =	vadd.f32 v52, v37;
	v50 =	vld [tilespmem:$0x8520];
	v28 =	vadd.f32 v60, v28  }
0x29d: {  	v51 =	vld [tilespmem:$0x8530];
	v22 =	vadd.f32 v38, v22;
	v29 =	vadd.f32 v61, v35  }
0x29e: {  	v52 =	vld [tilespmem:$0x8540];
	v27 =	vadd.f32 v46, v27;
	v28 =	vadd.f32 v62, v28  }
0x29f: {  	v34 =	vld [tilespmem:$0x83F0];
	v22 =	vadd.f32 v23, v22;
	v23 =	vadd.f32 v63, v29  }
0x2a0: {  	v27 =	vadd.f32 v31, v27;
	v54 =	vld [tilespmem:$0x8560];
	v28 =	vadd.f32 v44, v28  }
0x2a1: {  	v55 =	vld [tilespmem:$0x8570];
	v22 =	vadd.f32 v39, v22;
	v23 =	vadd.f32 v50, v23  }
0x2a2: {  	v27 =	vadd.f32 v47, v27;
	v56 =	vld [tilespmem:$0x8580];
	v28 =	vadd.f32 v51, v28  }
0x2a3: {  	v57 =	vld [tilespmem:$0x8590];
	v22 =	vadd.f32 v24, v22;
	v23 =	vadd.f32 v52, v23  }
0x2a4: {  	v27 =	vadd.f32 v32, v27;
	v58 =	vld [tilespmem:$0x85A0];
	v28 =	vadd.f32 v53, v28  }
0x2a5: {  	v59 =	vld [tilespmem:$0x85B0];
	v22 =	vadd.f32 v40, v22;
	v23 =	vadd.f32 v54, v23  }
0x2a6: {  	v27 =	vadd.f32 v48, v27;
	v60 =	vld [tilespmem:$0x85C0];
	v28 =	vadd.f32 v55, v28  }
0x2a7: {  	v61 =	vld [tilespmem:$0x85D0];
	v22 =	vadd.f32 v25, v22;
	v23 =	vadd.f32 v56, v23  }
0x2a8: {  	v27 =	vadd.f32 v33, v27;
	v62 =	vld [tilespmem:$0x85E0];
	v24 =	vadd.f32 v57, v28  }
0x2a9: {  	v63 =	vld [tilespmem:$0x85F0];
	v22 =	vadd.f32 v41, v22;
	v23 =	vadd.f32 v58, v23  }
0x2aa: {  	v27 =	vadd.f32 v49, v27;
	v24 =	vadd.f32 v59, v24  }
0x2ab: {  	[tilespmem:$0x8600] =	vst v26;
	v21 =	vadd.f32 v21, v22;
	v22 =	vadd.f32 v60, v23  }
0x2ac: {  	[tilespmem:$0x8610] =	vst v37;
	v23 =	vadd.f32 v34, v27;
	v24 =	vadd.f32 v61, v24  }
0x2ad: {  	[tilespmem:$0x8620] =	vst v21;
	v21 =	vadd.f32 v62, v22  }
0x2ae: {  	s12 =	sadd.s32 $0x1, s12;
	[tilespmem:$0x8630] =	vst v23;
	v22 =	vadd.f32 v63, v24  }
0x2af: {  	p0 =	sne.s32 s12, s7;
	[tilespmem:$0x8640] =	vst v21  }
.Ltmp1:
0x2b0: {  	s13 =	simm.s32 $0x8600;
	[tilespmem:$0x8650] =	vst v22;
	(pc) =	sbr.rel @p0 .LBB2_1-.Ltmp1, $4  }
0x2b1: {  	[hbm4b:s6+s1] =	stream.linear.scatter [tilespmem:s13], [sflag:$0x3], $0x80, $0x38;
	[tilespmem:$0x8680] =	vst v63  }
0x2b2: {  	_ =	swait.ge [sflag:s11], $0x80  }
0x2b3: {  	[sflag:s11] =	ssyncset.done $0x0  }
0x2b4: {  	[sflag:s11] =	ssyncadd.s32 $0xFFFFFF80  }
0x2b5: {  	_ =	sfence.sel $0x180000  }
0x2b6: {  	[bflag:$0x0] =	sbarrier.arrive $0xFFFF  }
0x2b7: {  	_ =	strace $0x90000047  }
0x2b8: {  	s0 =	stileid.u32;
	[bflag:$0x2] =	sbarrier.arrive $0xFFFF  }
0x2b9: {  	p0 =	sne.s32 s0, $0x0;
	s0 =	rddreg [dreg:$0x1]  }
0x2ba: {  	s0 =	sadd.s32 @!p0 $0x100000, s0  }
0x2bb: {  	[sflag:s0] =	ssyncadd.tile.s32 @!p0 $0x1;
	_ =	shalt  }
.Lfunc_end2:
_tile_overlayer_lowered:
.L_overlay_start_2:
0x2bc: {  	(tag) =	ssettag $0x2  }
0x2bd: {  	s0 =	rddreg [dreg:$0x0];
	s2 =	stileid.u32  }
0x2be: {  	s1 =	rddreg [dreg:$0x1];
	p0 =	sne.s32 s2, $0x0  }
0x2bf: {  	s3 =	rddreg [dreg:$0x2];
	[bflag:$0x3] =	sbarrier.arrive $0xFFFF;
	s2 =	simm.s32 @!p0 $0x1C03  }
0x2c0: {  	[timem:s3], [sflag:s2] =	dma.local @!p0 [hbm:s0], s1  }
0x2c1: {  	s0 =	simm.s32 @!p0 $0x3  }
0x2c2: {  	_ =	swait.ge @!p0 [sflag:s0], s1  }
0x2c3: {  	s1 =	ssub.s32 @!p0 $0x0, s1;
	[sflag:s0] =	ssyncset.done @!p0 $0x0  }
0x2c4: {  	[sflag:s0] =	ssyncadd.s32 @!p0 s1  }
0x2c5: {  	[bflag:$0x3] =	sbarrier.arrive $0xFFFF  }
0x2c6: {  	_ =	shalt  }

</sc_bundles>
